<compile_context>
chip_gen: v7x
topology: tpu7x:2x2x1
jax: 0.10.2.dev20260603
libtpu: 0.0.44.dev20260713+nightly
codegen_flags: <defaults>
</compile_context>

<pallas_src>
import functools

import jax
import jax.numpy as jnp
from jax import lax
from jax.experimental import pallas as pl
from jax.experimental.pallas import tpu as pltpu
from jax.experimental.pallas import tpu_sc as plsc

B = 16384
D = 16
H = 50
MACRO_ROWS = 1600
MACRO_BAGS = MACRO_ROWS // H


def _sc_info():
    try:
        info = plsc.get_sparse_core_info()
        return info.num_cores, info.num_subcores
    except Exception:
        return 2, 16


def _hist_body(hidx, pvals, wvec, wh,
               out_h, out_p,
               hidx_v, hbufa, hbufb, outv, pbuf, pv, wv,
               sema, semb, nc, bpt):
    wid = lax.axis_index("s") * nc + lax.axis_index("c")
    base = wid * bpt
    rows = bpt * H
    n_macro = rows // MACRO_ROWS

    pltpu.sync_copy(hidx.at[wid], hidx_v)
    pltpu.sync_copy(pvals.at[wid], pv)
    pltpu.sync_copy(wvec, wv)

    def fire_macro(m, buf, sem):
        def fbody(j, carry):
            idxv = hidx_v[pl.ds(m * MACRO_ROWS + j * 16, 16)]
            pltpu.make_async_copy(
                wh.at[idxv], buf.at[pl.ds(j * 16, 16)], sem
            ).start()
            return carry

        lax.fori_loop(0, MACRO_ROWS // 16, fbody, 0)

    def drain_macro(m, buf, sem):
        pltpu.make_async_copy(
            wh.at[hidx_v.at[pl.ds(m * MACRO_ROWS, MACRO_ROWS)]], buf, sem
        ).wait()

    fire_macro(0, hbufa, sema)
    fire_macro(1, hbufb, semb)

    w = wv[...]

    def pbody(i, carry):
        p16 = pv[pl.ds(i * 16, 16)]
        for k in range(16):
            pbuf[i * 16 + k] = w * p16[k]
        return carry

    lax.fori_loop(0, bpt // 16, pbody, 0)
    pltpu.sync_copy(pbuf, out_p.at[pl.ds(base, bpt)])

    inv_h = 1.0 / H

    def process_macro(m, buf):
        def cbody(k, carry):
            gb = k * H
            acc0 = buf[gb]
            acc1 = buf[gb + 1]
            for h in range(2, H, 2):
                acc0 = acc0 + buf[gb + h]
                acc1 = acc1 + buf[gb + h + 1]
            outv[m * MACRO_BAGS + k] = (acc0 + acc1) * inv_h
            return carry

        lax.fori_loop(0, MACRO_BAGS, cbody, 0)

    bufs = (hbufa, hbufb)
    sems = (sema, semb)

    def hbody(i, carry):
        for b in range(2):
            m = 2 * i + b
            drain_macro(m, bufs[b], sems[b])
            process_macro(m, bufs[b])
            nxt = m + 2

            @pl.when(nxt < n_macro)
            def _():
                fire_macro(nxt, bufs[b], sems[b])

        return carry

    lax.fori_loop(0, n_macro // 2, hbody, 0)
    pltpu.sync_copy(outv, out_h.at[pl.ds(base, bpt)])


def _ui_body(uidx, wu, wi,
             out_u, out_i,
             uidx_v, ubuf, sem_u, nc, bpt):
    wid = lax.axis_index("s") * nc + lax.axis_index("c")
    base = wid * bpt

    pltpu.sync_copy(uidx.at[wid], uidx_v)

    def fire(t, table, buf, sem):
        def cbody(c, carry):
            idx16 = uidx_v[t, pl.ds(c * 16, 16)]
            for k in range(16):
                pltpu.make_async_copy(
                    table.at[idx16[k]], buf.at[c * 16 + k], sem
                ).start()
            return carry

        lax.fori_loop(0, bpt // 16, cbody, 0)

    fire(0, wu, ubuf, sem_u)
    pltpu.make_async_copy(wu.at[pl.ds(0, bpt)], ubuf, sem_u).wait()
    pltpu.sync_copy(ubuf, out_u.at[pl.ds(base, bpt)])
    fire(1, wi, ubuf, sem_u)
    pltpu.make_async_copy(wi.at[pl.ds(0, bpt)], ubuf, sem_u).wait()
    pltpu.sync_copy(ubuf, out_i.at[pl.ds(base, bpt)])


def kernel(user_id, item_id, item_hist, price, W_user, W_item, W_hist, W_price):
    nc, ns = _sc_info()
    nw = nc * ns
    bpt = B // nw
    rows = bpt * H

    uidx = jnp.stack(
        [user_id.astype(jnp.int32).reshape(nw, bpt),
         item_id.astype(jnp.int32).reshape(nw, bpt)], axis=1)
    hidx = item_hist.astype(jnp.int32).reshape(nw, rows)
    pvals = price.reshape(nw, bpt)
    wvec = W_price.reshape(D)

    mesh = plsc.VectorSubcoreMesh(core_axis_name="c", subcore_axis_name="s")
    f32 = jnp.float32
    sds = jax.ShapeDtypeStruct

    hist_kernel = pl.kernel(
        functools.partial(_hist_body, nc=nc, bpt=bpt),
        mesh=mesh,
        compiler_params=pltpu.CompilerParams(use_tc_tiling_on_sc=False),
        out_type=(
            sds((B, D), f32),
            sds((B, D), f32),
        ),
        scratch_types=[
            pltpu.VMEM((rows,), jnp.int32),
            pltpu.VMEM((MACRO_ROWS, D), f32),
            pltpu.VMEM((MACRO_ROWS, D), f32),
            pltpu.VMEM((bpt, D), f32),
            pltpu.VMEM((bpt, D), f32),
            pltpu.VMEM((bpt,), f32),
            pltpu.VMEM((D,), f32),
            pltpu.SemaphoreType.DMA,
            pltpu.SemaphoreType.DMA,
        ],
    )
    ui_kernel = pl.kernel(
        functools.partial(_ui_body, nc=nc, bpt=bpt),
        mesh=mesh,
        out_type=(
            sds((B, D), f32),
            sds((B, D), f32),
        ),
        scratch_types=[
            pltpu.VMEM((2, bpt), jnp.int32),
            pltpu.VMEM((bpt, D), f32),
            pltpu.SemaphoreType.DMA,
        ],
    )

    emb_hist, emb_price = hist_kernel(hidx, pvals, wvec, W_hist)
    emb_user, emb_item = ui_kernel(uidx, W_user, W_item)
    return emb_user, emb_item, emb_hist, emb_price

# --- scband reference (transcript-rebuilt; emitter-appended) ---
"""Pipeline reference for scband-embedding-layer-40209483825601 (READ-ONLY COPY).

The authoritative reference and input builder live on the scoring server;
editing this copy changes nothing except your own understanding.
"""

import jax, jax.numpy as jnp
import numpy as np

B = 16384
V = 1000000
D = 16
H = 50


def setup_inputs(seed: int = 0) -> dict:
    key = jax.random.key(seed)
    ks = jax.random.split(key, 8)
    return {
        "user_id": jax.random.randint(ks[0], (B,), 0, V),
        "item_id": jax.random.randint(ks[1], (B,), 0, V),
        "item_hist": jax.random.randint(ks[2], (B, H), 0, V),
        "price": jax.random.uniform(ks[3], (B, 1), dtype=jnp.float32),
        # learned parameters (per init_kwargs: 3 tables of [V, D], dense Linear weight [D, 1])
        "W_user": jax.random.normal(ks[4], (V, D), dtype=jnp.float32) * 0.02,
        "W_item": jax.random.normal(ks[5], (V, D), dtype=jnp.float32) * 0.02,
        "W_hist": jax.random.normal(ks[6], (V, D), dtype=jnp.float32) * 0.02,
        "W_price": jax.random.normal(ks[7], (D, 1), dtype=jnp.float32) * 0.02,
    }


def reference(user_id, item_id, item_hist, price, W_user, W_item, W_hist, W_price):
    # nn.Embedding lookups -> row gather
    emb_user = jnp.take(W_user, user_id, axis=0)
    emb_item = jnp.take(W_item, item_id, axis=0)
    # nn.EmbeddingBag(mode='mean') with equal-length bags of size H:
    # flatten, gather, mean-reduce per bag (equivalent to offsets = arange(B)*H)
    b, h = item_hist.shape
    flat = item_hist.reshape(-1)
    gathered = jnp.take(W_hist, flat, axis=0).reshape(b, h, -1)
    emb_hist = jnp.mean(gathered, axis=1)
    # nn.Linear(1, D, bias=False): [B,1] @ [1,D]
    emb_price = price @ W_price.T
    return (emb_user, emb_item, emb_hist, emb_price)

if __name__ == "__main__":
    import jax
    _d = setup_inputs()
    print(jax.jit(kernel)(*tuple(_d.values())))

</pallas_src>

<mosaic_0001>
#map = affine_map<(d0, d1) -> (0, 0, 0)>
#map1 = affine_map<(d0, d1) -> (0, 0)>
module attributes {stable_mosaic.version = 14 : i64} {
  func.func @_ui_body(%arg0: i32, %arg1: i32, %arg2: memref<32x2x512xi32, #tpu.memory_space<hbm>>, %arg3: memref<1000000x16xf32, #tpu.memory_space<hbm>>, %arg4: memref<1000000x16xf32, #tpu.memory_space<hbm>>, %arg5: memref<16384x16xf32, #tpu.memory_space<hbm>>, %arg6: memref<16384x16xf32, #tpu.memory_space<hbm>>, %arg7: memref<2x512xi32, #tpu.memory_space<vmem>>, %arg8: memref<512x16xf32, #tpu.memory_space<vmem>>, %arg9: memref<!tpu.dma_semaphore, #tpu.memory_space<semaphore_mem>>) attributes {dimension_semantics = [#tpu.dimension_semantics<core_parallel>, #tpu.dimension_semantics<subcore_parallel>], iteration_bounds = array<i64: 2, 16>, scalar_prefetch = 0 : i64, scratch_operands = 3 : i64, tpu.core_type = #tpu.core_type<sc_vector_subcore>, window_params = [{transform_indices = #map}, {transform_indices = #map1}, {transform_indices = #map1}, {transform_indices = #map1}, {transform_indices = #map1}]} {
    %mul3A = arith.constant 2 : i32
    %mul3A_0 = arith.muli %arg1, %mul3A : i32
    %add3A = arith.addi %mul3A_0, %arg0 : i32
    %mul3A_1 = arith.constant 512 : i32
    %mul3A_2 = arith.muli %add3A, %mul3A_1 : i32
    "tpu.region"() ({
      %run_scoped3A = tpu.sem_alloc : memref<!tpu.dma_semaphore, #tpu.memory_space<semaphore_mem>>
      %dma_start3A = arith.constant 0 : i32
      %dma_start3A_25 = arith.constant 0 : i32
      %dma_start3A_26 = tpu.memref_slice %arg2[%add3A, %dma_start3A, %dma_start3A_25] : memref<32x2x512xi32, #tpu.memory_space<hbm>> -> memref<1x2x512xi32, #tpu.memory_space<hbm>>
      %dma_start3A_27 = tpu.memref_squeeze %dma_start3A_26 : memref<1x2x512xi32, #tpu.memory_space<hbm>> -> memref<2x512xi32, #tpu.memory_space<hbm>>
      %dma_start3A_28 = arith.constant 0 : i32
      %dma_start3A_29 = arith.constant 0 : i32
      %dma_start3A_30 = tpu.memref_slice %arg2[%add3A, %dma_start3A_28, %dma_start3A_29] : memref<32x2x512xi32, #tpu.memory_space<hbm>> -> memref<1x2x512xi32, #tpu.memory_space<hbm>>
      %dma_start3A_31 = tpu.memref_squeeze %dma_start3A_30 : memref<1x2x512xi32, #tpu.memory_space<hbm>> -> memref<2x512xi32, #tpu.memory_space<hbm>>
      tpu.enqueue_dma source(%dma_start3A_31 : memref<2x512xi32, #tpu.memory_space<hbm>>) target(%arg7 : memref<2x512xi32, #tpu.memory_space<vmem>>) target_semaphore(%run_scoped3A : memref<!tpu.dma_semaphore, #tpu.memory_space<semaphore_mem>>)
      %dma_wait3A_32 = arith.constant 0 : i32
      %dma_wait3A_33 = arith.constant 0 : i32
      %dma_wait3A_34 = tpu.memref_slice %arg2[%add3A, %dma_wait3A_32, %dma_wait3A_33] : memref<32x2x512xi32, #tpu.memory_space<hbm>> -> memref<1x2x512xi32, #tpu.memory_space<hbm>>
      %dma_wait3A_35 = tpu.memref_squeeze %dma_wait3A_34 : memref<1x2x512xi32, #tpu.memory_space<hbm>> -> memref<2x512xi32, #tpu.memory_space<hbm>>
      %dma_wait3A_36 = arith.constant 0 : i32
      %dma_wait3A_37 = arith.constant 0 : i32
      %dma_wait3A_38 = tpu.memref_slice %arg2[%add3A, %dma_wait3A_36, %dma_wait3A_37] : memref<32x2x512xi32, #tpu.memory_space<hbm>> -> memref<1x2x512xi32, #tpu.memory_space<hbm>>
      %dma_wait3A_39 = tpu.memref_squeeze %dma_wait3A_38 : memref<1x2x512xi32, #tpu.memory_space<hbm>> -> memref<2x512xi32, #tpu.memory_space<hbm>>
      tpu.wait_dma2 semaphore(%run_scoped3A : memref<!tpu.dma_semaphore, #tpu.memory_space<semaphore_mem>>) src(%dma_wait3A_39 : memref<2x512xi32, #tpu.memory_space<hbm>>) dst(%arg7 : memref<2x512xi32, #tpu.memory_space<vmem>>)
      tpu.yield
    }) : () -> ()
    %scan3A = arith.constant 0 : i32
    %scan3A_3 = arith.constant 0 : i32
    %scan3A_4 = arith.constant 32 : i32
    %scan3A_5 = arith.addi %scan3A_3, %scan3A_4 : i32
    %scan3A_6 = arith.constant 1 : i32
    scf.for %scan3A_25 = %scan3A_3 to %scan3A_5 step %scan3A_6  : i32 {
      %mul3A_26 = arith.constant 16 : i32
      %mul3A_27 = arith.muli %scan3A_25, %mul3A_26 : i32
      %get3A = arith.constant 0 : i32
      %get3A_28 = arith.index_cast %get3A : i32 to index
      %get3A_29 = arith.index_cast %mul3A_27 : i32 to index
      %get3A_30 = tpu.vector_load %arg7[%get3A_28, %get3A_29] {strides = array<i32>} : memref<2x512xi32, #tpu.memory_space<vmem>>, vector<1x16xi32>,
      %get3A_31 = vector.shape_cast %get3A_30 : vector<1x16xi32> to vector<16xi32>
      %slice3A = vector.extract_strided_slice %get3A_31 {offsets = [0], sizes = [1], strides = [1]} : vector<16xi32> to vector<1xi32>
      %squeeze3A = vector.extract %slice3A[0] : i32 from vector<1xi32>
      %mul3A_32 = arith.constant 16 : i32
      %mul3A_33 = arith.muli %scan3A_25, %mul3A_32 : i32
      %add3A_34 = arith.constant 0 : i32
      %add3A_35 = arith.addi %mul3A_33, %add3A_34 : i32
      %dma_start3A = arith.constant 0 : i32
      %dma_start3A_36 = tpu.memref_slice %arg8[%add3A_35, %dma_start3A] : memref<512x16xf32, #tpu.memory_space<vmem>> -> memref<1x16xf32, #tpu.memory_space<vmem>>
      %dma_start3A_37 = tpu.memref_squeeze %dma_start3A_36 : memref<1x16xf32, #tpu.memory_space<vmem>> -> memref<16xf32, #tpu.memory_space<vmem>>
      %dma_start3A_38 = arith.constant 0 : i32
      %dma_start3A_39 = tpu.memref_slice %arg3[%squeeze3A, %dma_start3A_38] : memref<1000000x16xf32, #tpu.memory_space<hbm>> -> memref<1x16xf32, #tpu.memory_space<hbm>>
      %dma_start3A_40 = tpu.memref_squeeze %dma_start3A_39 : memref<1x16xf32, #tpu.memory_space<hbm>> -> memref<16xf32, #tpu.memory_space<hbm>>
      %dma_start3A_41 = arith.constant 0 : i32
      %dma_start3A_42 = tpu.memref_slice %arg8[%add3A_35, %dma_start3A_41] : memref<512x16xf32, #tpu.memory_space<vmem>> -> memref<1x16xf32, #tpu.memory_space<vmem>>
      %dma_start3A_43 = tpu.memref_squeeze %dma_start3A_42 : memref<1x16xf32, #tpu.memory_space<vmem>> -> memref<16xf32, #tpu.memory_space<vmem>>
      %dma_start3A_44 = arith.constant 0 : i32
      %dma_start3A_45 = tpu.memref_slice %arg3[%squeeze3A, %dma_start3A_44] : memref<1000000x16xf32, #tpu.memory_space<hbm>> -> memref<1x16xf32, #tpu.memory_space<hbm>>
      %dma_start3A_46 = tpu.memref_squeeze %dma_start3A_45 : memref<1x16xf32, #tpu.memory_space<hbm>> -> memref<16xf32, #tpu.memory_space<hbm>>
      tpu.enqueue_dma source(%dma_start3A_46 : memref<16xf32, #tpu.memory_space<hbm>>) target(%dma_start3A_43 : memref<16xf32, #tpu.memory_space<vmem>>) target_semaphore(%arg9 : memref<!tpu.dma_semaphore, #tpu.memory_space<semaphore_mem>>)
      %slice3A_47 = vector.extract_strided_slice %get3A_31 {offsets = [1], sizes = [1], strides = [1]} : vector<16xi32> to vector<1xi32>
      %squeeze3A_48 = vector.extract %slice3A_47[0] : i32 from vector<1xi32>
      %mul3A_49 = arith.constant 16 : i32
      %mul3A_50 = arith.muli %scan3A_25, %mul3A_49 : i32
      %add3A_51 = arith.constant 1 : i32
      %add3A_52 = arith.addi %mul3A_50, %add3A_51 : i32
      %dma_start3A_53 = arith.constant 0 : i32
      %dma_start3A_54 = tpu.memref_slice %arg8[%add3A_52, %dma_start3A_53] : memref<512x16xf32, #tpu.memory_space<vmem>> -> memref<1x16xf32, #tpu.memory_space<vmem>>
      %dma_start3A_55 = tpu.memref_squeeze %dma_start3A_54 : memref<1x16xf32, #tpu.memory_space<vmem>> -> memref<16xf32, #tpu.memory_space<vmem>>
      %dma_start3A_56 = arith.constant 0 : i32
      %dma_start3A_57 = tpu.memref_slice %arg3[%squeeze3A_48, %dma_start3A_56] : memref<1000000x16xf32, #tpu.memory_space<hbm>> -> memref<1x16xf32, #tpu.memory_space<hbm>>
      %dma_start3A_58 = tpu.memref_squeeze %dma_start3A_57 : memref<1x16xf32, #tpu.memory_space<hbm>> -> memref<16xf32, #tpu.memory_space<hbm>>
      %dma_start3A_59 = arith.constant 0 : i32
      %dma_start3A_60 = tpu.memref_slice %arg8[%add3A_52, %dma_start3A_59] : memref<512x16xf32, #tpu.memory_space<vmem>> -> memref<1x16xf32, #tpu.memory_space<vmem>>
      %dma_start3A_61 = tpu.memref_squeeze %dma_start3A_60 : memref<1x16xf32, #tpu.memory_space<vmem>> -> memref<16xf32, #tpu.memory_space<vmem>>
      %dma_start3A_62 = arith.constant 0 : i32
      %dma_start3A_63 = tpu.memref_slice %arg3[%squeeze3A_48, %dma_start3A_62] : memref<1000000x16xf32, #tpu.memory_space<hbm>> -> memref<1x16xf32, #tpu.memory_space<hbm>>
      %dma_start3A_64 = tpu.memref_squeeze %dma_start3A_63 : memref<1x16xf32, #tpu.memory_space<hbm>> -> memref<16xf32, #tpu.memory_space<hbm>>
      tpu.enqueue_dma source(%dma_start3A_64 : memref<16xf32, #tpu.memory_space<hbm>>) target(%dma_start3A_61 : memref<16xf32, #tpu.memory_space<vmem>>) target_semaphore(%arg9 : memref<!tpu.dma_semaphore, #tpu.memory_space<semaphore_mem>>)
      %slice3A_65 = vector.extract_strided_slice %get3A_31 {offsets = [2], sizes = [1], strides = [1]} : vector<16xi32> to vector<1xi32>
      %squeeze3A_66 = vector.extract %slice3A_65[0] : i32 from vector<1xi32>
      %mul3A_67 = arith.constant 16 : i32
      %mul3A_68 = arith.muli %scan3A_25, %mul3A_67 : i32
      %add3A_69 = arith.constant 2 : i32
      %add3A_70 = arith.addi %mul3A_68, %add3A_69 : i32
      %dma_start3A_71 = arith.constant 0 : i32
      %dma_start3A_72 = tpu.memref_slice %arg8[%add3A_70, %dma_start3A_71] : memref<512x16xf32, #tpu.memory_space<vmem>> -> memref<1x16xf32, #tpu.memory_space<vmem>>
      %dma_start3A_73 = tpu.memref_squeeze %dma_start3A_72 : memref<1x16xf32, #tpu.memory_space<vmem>> -> memref<16xf32, #tpu.memory_space<vmem>>
      %dma_start3A_74 = arith.constant 0 : i32
      %dma_start3A_75 = tpu.memref_slice %arg3[%squeeze3A_66, %dma_start3A_74] : memref<1000000x16xf32, #tpu.memory_space<hbm>> -> memref<1x16xf32, #tpu.memory_space<hbm>>
      %dma_start3A_76 = tpu.memref_squeeze %dma_start3A_75 : memref<1x16xf32, #tpu.memory_space<hbm>> -> memref<16xf32, #tpu.memory_space<hbm>>
      %dma_start3A_77 = arith.constant 0 : i32
      %dma_start3A_78 = tpu.memref_slice %arg8[%add3A_70, %dma_start3A_77] : memref<512x16xf32, #tpu.memory_space<vmem>> -> memref<1x16xf32, #tpu.memory_space<vmem>>
      %dma_start3A_79 = tpu.memref_squeeze %dma_start3A_78 : memref<1x16xf32, #tpu.memory_space<vmem>> -> memref<16xf32, #tpu.memory_space<vmem>>
      %dma_start3A_80 = arith.constant 0 : i32
      %dma_start3A_81 = tpu.memref_slice %arg3[%squeeze3A_66, %dma_start3A_80] : memref<1000000x16xf32, #tpu.memory_space<hbm>> -> memref<1x16xf32, #tpu.memory_space<hbm>>
      %dma_start3A_82 = tpu.memref_squeeze %dma_start3A_81 : memref<1x16xf32, #tpu.memory_space<hbm>> -> memref<16xf32, #tpu.memory_space<hbm>>
      tpu.enqueue_dma source(%dma_start3A_82 : memref<16xf32, #tpu.memory_space<hbm>>) target(%dma_start3A_79 : memref<16xf32, #tpu.memory_space<vmem>>) target_semaphore(%arg9 : memref<!tpu.dma_semaphore, #tpu.memory_space<semaphore_mem>>)
      %slice3A_83 = vector.extract_strided_slice %get3A_31 {offsets = [3], sizes = [1], strides = [1]} : vector<16xi32> to vector<1xi32>
      %squeeze3A_84 = vector.extract %slice3A_83[0] : i32 from vector<1xi32>
      %mul3A_85 = arith.constant 16 : i32
      %mul3A_86 = arith.muli %scan3A_25, %mul3A_85 : i32
      %add3A_87 = arith.constant 3 : i32
      %add3A_88 = arith.addi %mul3A_86, %add3A_87 : i32
      %dma_start3A_89 = arith.constant 0 : i32
      %dma_start3A_90 = tpu.memref_slice %arg8[%add3A_88, %dma_start3A_89] : memref<512x16xf32, #tpu.memory_space<vmem>> -> memref<1x16xf32, #tpu.memory_space<vmem>>
      %dma_start3A_91 = tpu.memref_squeeze %dma_start3A_90 : memref<1x16xf32, #tpu.memory_space<vmem>> -> memref<16xf32, #tpu.memory_space<vmem>>
      %dma_start3A_92 = arith.constant 0 : i32
      %dma_start3A_93 = tpu.memref_slice %arg3[%squeeze3A_84, %dma_start3A_92] : memref<1000000x16xf32, #tpu.memory_space<hbm>> -> memref<1x16xf32, #tpu.memory_space<hbm>>
      %dma_start3A_94 = tpu.memref_squeeze %dma_start3A_93 : memref<1x16xf32, #tpu.memory_space<hbm>> -> memref<16xf32, #tpu.memory_space<hbm>>
      %dma_start3A_95 = arith.constant 0 : i32
      %dma_start3A_96 = tpu.memref_slice %arg8[%add3A_88, %dma_start3A_95] : memref<512x16xf32, #tpu.memory_space<vmem>> -> memref<1x16xf32, #tpu.memory_space<vmem>>
      %dma_start3A_97 = tpu.memref_squeeze %dma_start3A_96 : memref<1x16xf32, #tpu.memory_space<vmem>> -> memref<16xf32, #tpu.memory_space<vmem>>
      %dma_start3A_98 = arith.constant 0 : i32
      %dma_start3A_99 = tpu.memref_slice %arg3[%squeeze3A_84, %dma_start3A_98] : memref<1000000x16xf32, #tpu.memory_space<hbm>> -> memref<1x16xf32, #tpu.memory_space<hbm>>
      %dma_start3A_100 = tpu.memref_squeeze %dma_start3A_99 : memref<1x16xf32, #tpu.memory_space<hbm>> -> memref<16xf32, #tpu.memory_space<hbm>>
      tpu.enqueue_dma source(%dma_start3A_100 : memref<16xf32, #tpu.memory_space<hbm>>) target(%dma_start3A_97 : memref<16xf32, #tpu.memory_space<vmem>>) target_semaphore(%arg9 : memref<!tpu.dma_semaphore, #tpu.memory_space<semaphore_mem>>)
      %slice3A_101 = vector.extract_strided_slice %get3A_31 {offsets = [4], sizes = [1], strides = [1]} : vector<16xi32> to vector<1xi32>
      %squeeze3A_102 = vector.extract %slice3A_101[0] : i32 from vector<1xi32>
      %mul3A_103 = arith.constant 16 : i32
      %mul3A_104 = arith.muli %scan3A_25, %mul3A_103 : i32
      %add3A_105 = arith.constant 4 : i32
      %add3A_106 = arith.addi %mul3A_104, %add3A_105 : i32
      %dma_start3A_107 = arith.constant 0 : i32
      %dma_start3A_108 = tpu.memref_slice %arg8[%add3A_106, %dma_start3A_107] : memref<512x16xf32, #tpu.memory_space<vmem>> -> memref<1x16xf32, #tpu.memory_space<vmem>>
      %dma_start3A_109 = tpu.memref_squeeze %dma_start3A_108 : memref<1x16xf32, #tpu.memory_space<vmem>> -> memref<16xf32, #tpu.memory_space<vmem>>
      %dma_start3A_110 = arith.constant 0 : i32
      %dma_start3A_111 = tpu.memref_slice %arg3[%squeeze3A_102, %dma_start3A_110] : memref<1000000x16xf32, #tpu.memory_space<hbm>> -> memref<1x16xf32, #tpu.memory_space<hbm>>
      %dma_start3A_112 = tpu.memref_squeeze %dma_start3A_111 : memref<1x16xf32, #tpu.memory_space<hbm>> -> memref<16xf32, #tpu.memory_space<hbm>>
      %dma_start3A_113 = arith.constant 0 : i32
      %dma_start3A_114 = tpu.memref_slice %arg8[%add3A_106, %dma_start3A_113] : memref<512x16xf32, #tpu.memory_space<vmem>> -> memref<1x16xf32, #tpu.memory_space<vmem>>
      %dma_start3A_115 = tpu.memref_squeeze %dma_start3A_114 : memref<1x16xf32, #tpu.memory_space<vmem>> -> memref<16xf32, #tpu.memory_space<vmem>>
      %dma_start3A_116 = arith.constant 0 : i32
      %dma_start3A_117 = tpu.memref_slice %arg3[%squeeze3A_102, %dma_start3A_116] : memref<1000000x16xf32, #tpu.memory_space<hbm>> -> memref<1x16xf32, #tpu.memory_space<hbm>>
      %dma_start3A_118 = tpu.memref_squeeze %dma_start3A_117 : memref<1x16xf32, #tpu.memory_space<hbm>> -> memref<16xf32, #tpu.memory_space<hbm>>
      tpu.enqueue_dma source(%dma_start3A_118 : memref<16xf32, #tpu.memory_space<hbm>>) target(%dma_start3A_115 : memref<16xf32, #tpu.memory_space<vmem>>) target_semaphore(%arg9 : memref<!tpu.dma_semaphore, #tpu.memory_space<semaphore_mem>>)
      %slice3A_119 = vector.extract_strided_slice %get3A_31 {offsets = [5], sizes = [1], strides = [1]} : vector<16xi32> to vector<1xi32>
      %squeeze3A_120 = vector.extract %slice3A_119[0] : i32 from vector<1xi32>
      %mul3A_121 = arith.constant 16 : i32
      %mul3A_122 = arith.muli %scan3A_25, %mul3A_121 : i32
      %add3A_123 = arith.constant 5 : i32
      %add3A_124 = arith.addi %mul3A_122, %add3A_123 : i32
      %dma_start3A_125 = arith.constant 0 : i32
      %dma_start3A_126 = tpu.memref_slice %arg8[%add3A_124, %dma_start3A_125] : memref<512x16xf32, #tpu.memory_space<vmem>> -> memref<1x16xf32, #tpu.memory_space<vmem>>
      %dma_start3A_127 = tpu.memref_squeeze %dma_start3A_126 : memref<1x16xf32, #tpu.memory_space<vmem>> -> memref<16xf32, #tpu.memory_space<vmem>>
      %dma_start3A_128 = arith.constant 0 : i32
      %dma_start3A_129 = tpu.memref_slice %arg3[%squeeze3A_120, %dma_start3A_128] : memref<1000000x16xf32, #tpu.memory_space<hbm>> -> memref<1x16xf32, #tpu.memory_space<hbm>>
      %dma_start3A_130 = tpu.memref_squeeze %dma_start3A_129 : memref<1x16xf32, #tpu.memory_space<hbm>> -> memref<16xf32, #tpu.memory_space<hbm>>
      %dma_start3A_131 = arith.constant 0 : i32
      %dma_start3A_132 = tpu.memref_slice %arg8[%add3A_124, %dma_start3A_131] : memref<512x16xf32, #tpu.memory_space<vmem>> -> memref<1x16xf32, #tpu.memory_space<vmem>>
      %dma_start3A_133 = tpu.memref_squeeze %dma_start3A_132 : memref<1x16xf32, #tpu.memory_space<vmem>> -> memref<16xf32, #tpu.memory_space<vmem>>
      %dma_start3A_134 = arith.constant 0 : i32
      %dma_start3A_135 = tpu.memref_slice %arg3[%squeeze3A_120, %dma_start3A_134] : memref<1000000x16xf32, #tpu.memory_space<hbm>> -> memref<1x16xf32, #tpu.memory_space<hbm>>
      %dma_start3A_136 = tpu.memref_squeeze %dma_start3A_135 : memref<1x16xf32, #tpu.memory_space<hbm>> -> memref<16xf32, #tpu.memory_space<hbm>>
      tpu.enqueue_dma source(%dma_start3A_136 : memref<16xf32, #tpu.memory_space<hbm>>) target(%dma_start3A_133 : memref<16xf32, #tpu.memory_space<vmem>>) target_semaphore(%arg9 : memref<!tpu.dma_semaphore, #tpu.memory_space<semaphore_mem>>)
      %slice3A_137 = vector.extract_strided_slice %get3A_31 {offsets = [6], sizes = [1], strides = [1]} : vector<16xi32> to vector<1xi32>
      %squeeze3A_138 = vector.extract %slice3A_137[0] : i32 from vector<1xi32>
      %mul3A_139 = arith.constant 16 : i32
      %mul3A_140 = arith.muli %scan3A_25, %mul3A_139 : i32
      %add3A_141 = arith.constant 6 : i32
      %add3A_142 = arith.addi %mul3A_140, %add3A_141 : i32
      %dma_start3A_143 = arith.constant 0 : i32
      %dma_start3A_144 = tpu.memref_slice %arg8[%add3A_142, %dma_start3A_143] : memref<512x16xf32, #tpu.memory_space<vmem>> -> memref<1x16xf32, #tpu.memory_space<vmem>>
      %dma_start3A_145 = tpu.memref_squeeze %dma_start3A_144 : memref<1x16xf32, #tpu.memory_space<vmem>> -> memref<16xf32, #tpu.memory_space<vmem>>
      %dma_start3A_146 = arith.constant 0 : i32
      %dma_start3A_147 = tpu.memref_slice %arg3[%squeeze3A_138, %dma_start3A_146] : memref<1000000x16xf32, #tpu.memory_space<hbm>> -> memref<1x16xf32, #tpu.memory_space<hbm>>
      %dma_start3A_148 = tpu.memref_squeeze %dma_start3A_147 : memref<1x16xf32, #tpu.memory_space<hbm>> -> memref<16xf32, #tpu.memory_space<hbm>>
      %dma_start3A_149 = arith.constant 0 : i32
      %dma_start3A_150 = tpu.memref_slice %arg8[%add3A_142, %dma_start3A_149] : memref<512x16xf32, #tpu.memory_space<vmem>> -> memref<1x16xf32, #tpu.memory_space<vmem>>
      %dma_start3A_151 = tpu.memref_squeeze %dma_start3A_150 : memref<1x16xf32, #tpu.memory_space<vmem>> -> memref<16xf32, #tpu.memory_space<vmem>>
      %dma_start3A_152 = arith.constant 0 : i32
      %dma_start3A_153 = tpu.memref_slice %arg3[%squeeze3A_138, %dma_start3A_152] : memref<1000000x16xf32, #tpu.memory_space<hbm>> -> memref<1x16xf32, #tpu.memory_space<hbm>>
      %dma_start3A_154 = tpu.memref_squeeze %dma_start3A_153 : memref<1x16xf32, #tpu.memory_space<hbm>> -> memref<16xf32, #tpu.memory_space<hbm>>
      tpu.enqueue_dma source(%dma_start3A_154 : memref<16xf32, #tpu.memory_space<hbm>>) target(%dma_start3A_151 : memref<16xf32, #tpu.memory_space<vmem>>) target_semaphore(%arg9 : memref<!tpu.dma_semaphore, #tpu.memory_space<semaphore_mem>>)
      %slice3A_155 = vector.extract_strided_slice %get3A_31 {offsets = [7], sizes = [1], strides = [1]} : vector<16xi32> to vector<1xi32>
      %squeeze3A_156 = vector.extract %slice3A_155[0] : i32 from vector<1xi32>
      %mul3A_157 = arith.constant 16 : i32
      %mul3A_158 = arith.muli %scan3A_25, %mul3A_157 : i32
      %add3A_159 = arith.constant 7 : i32
      %add3A_160 = arith.addi %mul3A_158, %add3A_159 : i32
      %dma_start3A_161 = arith.constant 0 : i32
      %dma_start3A_162 = tpu.memref_slice %arg8[%add3A_160, %dma_start3A_161] : memref<512x16xf32, #tpu.memory_space<vmem>> -> memref<1x16xf32, #tpu.memory_space<vmem>>
      %dma_start3A_163 = tpu.memref_squeeze %dma_start3A_162 : memref<1x16xf32, #tpu.memory_space<vmem>> -> memref<16xf32, #tpu.memory_space<vmem>>
      %dma_start3A_164 = arith.constant 0 : i32
      %dma_start3A_165 = tpu.memref_slice %arg3[%squeeze3A_156, %dma_start3A_164] : memref<1000000x16xf32, #tpu.memory_space<hbm>> -> memref<1x16xf32, #tpu.memory_space<hbm>>
      %dma_start3A_166 = tpu.memref_squeeze %dma_start3A_165 : memref<1x16xf32, #tpu.memory_space<hbm>> -> memref<16xf32, #tpu.memory_space<hbm>>
      %dma_start3A_167 = arith.constant 0 : i32
      %dma_start3A_168 = tpu.memref_slice %arg8[%add3A_160, %dma_start3A_167] : memref<512x16xf32, #tpu.memory_space<vmem>> -> memref<1x16xf32, #tpu.memory_space<vmem>>
      %dma_start3A_169 = tpu.memref_squeeze %dma_start3A_168 : memref<1x16xf32, #tpu.memory_space<vmem>> -> memref<16xf32, #tpu.memory_space<vmem>>
      %dma_start3A_170 = arith.constant 0 : i32
      %dma_start3A_171 = tpu.memref_slice %arg3[%squeeze3A_156, %dma_start3A_170] : memref<1000000x16xf32, #tpu.memory_space<hbm>> -> memref<1x16xf32, #tpu.memory_space<hbm>>
      %dma_start3A_172 = tpu.memref_squeeze %dma_start3A_171 : memref<1x16xf32, #tpu.memory_space<hbm>> -> memref<16xf32, #tpu.memory_space<hbm>>
      tpu.enqueue_dma source(%dma_start3A_172 : memref<16xf32, #tpu.memory_space<hbm>>) target(%dma_start3A_169 : memref<16xf32, #tpu.memory_space<vmem>>) target_semaphore(%arg9 : memref<!tpu.dma_semaphore, #tpu.memory_space<semaphore_mem>>)
      %slice3A_173 = vector.extract_strided_slice %get3A_31 {offsets = [8], sizes = [1], strides = [1]} : vector<16xi32> to vector<1xi32>
      %squeeze3A_174 = vector.extract %slice3A_173[0] : i32 from vector<1xi32>
      %mul3A_175 = arith.constant 16 : i32
      %mul3A_176 = arith.muli %scan3A_25, %mul3A_175 : i32
      %add3A_177 = arith.constant 8 : i32
      %add3A_178 = arith.addi %mul3A_176, %add3A_177 : i32
      %dma_start3A_179 = arith.constant 0 : i32
      %dma_start3A_180 = tpu.memref_slice %arg8[%add3A_178, %dma_start3A_179] : memref<512x16xf32, #tpu.memory_space<vmem>> -> memref<1x16xf32, #tpu.memory_space<vmem>>
      %dma_start3A_181 = tpu.memref_squeeze %dma_start3A_180 : memref<1x16xf32, #tpu.memory_space<vmem>> -> memref<16xf32, #tpu.memory_space<vmem>>
      %dma_start3A_182 = arith.constant 0 : i32
      %dma_start3A_183 = tpu.memref_slice %arg3[%squeeze3A_174, %dma_start3A_182] : memref<1000000x16xf32, #tpu.memory_space<hbm>> -> memref<1x16xf32, #tpu.memory_space<hbm>>
      %dma_start3A_184 = tpu.memref_squeeze %dma_start3A_183 : memref<1x16xf32, #tpu.memory_space<hbm>> -> memref<16xf32, #tpu.memory_space<hbm>>
      %dma_start3A_185 = arith.constant 0 : i32
      %dma_start3A_186 = tpu.memref_slice %arg8[%add3A_178, %dma_start3A_185] : memref<512x16xf32, #tpu.memory_space<vmem>> -> memref<1x16xf32, #tpu.memory_space<vmem>>
      %dma_start3A_187 = tpu.memref_squeeze %dma_start3A_186 : memref<1x16xf32, #tpu.memory_space<vmem>> -> memref<16xf32, #tpu.memory_space<vmem>>
      %dma_start3A_188 = arith.constant 0 : i32
      %dma_start3A_189 = tpu.memref_slice %arg3[%squeeze3A_174, %dma_start3A_188] : memref<1000000x16xf32, #tpu.memory_space<hbm>> -> memref<1x16xf32, #tpu.memory_space<hbm>>
      %dma_start3A_190 = tpu.memref_squeeze %dma_start3A_189 : memref<1x16xf32, #tpu.memory_space<hbm>> -> memref<16xf32, #tpu.memory_space<hbm>>
      tpu.enqueue_dma source(%dma_start3A_190 : memref<16xf32, #tpu.memory_space<hbm>>) target(%dma_start3A_187 : memref<16xf32, #tpu.memory_space<vmem>>) target_semaphore(%arg9 : memref<!tpu.dma_semaphore, #tpu.memory_space<semaphore_mem>>)
      %slice3A_191 = vector.extract_strided_slice %get3A_31 {offsets = [9], sizes = [1], strides = [1]} : vector<16xi32> to vector<1xi32>
      %squeeze3A_192 = vector.extract %slice3A_191[0] : i32 from vector<1xi32>
      %mul3A_193 = arith.constant 16 : i32
      %mul3A_194 = arith.muli %scan3A_25, %mul3A_193 : i32
      %add3A_195 = arith.constant 9 : i32
      %add3A_196 = arith.addi %mul3A_194, %add3A_195 : i32
      %dma_start3A_197 = arith.constant 0 : i32
      %dma_start3A_198 = tpu.memref_slice %arg8[%add3A_196, %dma_start3A_197] : memref<512x16xf32, #tpu.memory_space<vmem>> -> memref<1x16xf32, #tpu.memory_space<vmem>>
      %dma_start3A_199 = tpu.memref_squeeze %dma_start3A_198 : memref<1x16xf32, #tpu.memory_space<vmem>> -> memref<16xf32, #tpu.memory_space<vmem>>
      %dma_start3A_200 = arith.constant 0 : i32
      %dma_start3A_201 = tpu.memref_slice %arg3[%squeeze3A_192, %dma_start3A_200] : memref<1000000x16xf32, #tpu.memory_space<hbm>> -> memref<1x16xf32, #tpu.memory_space<hbm>>
      %dma_start3A_202 = tpu.memref_squeeze %dma_start3A_201 : memref<1x16xf32, #tpu.memory_space<hbm>> -> memref<16xf32, #tpu.memory_space<hbm>>
      %dma_start3A_203 = arith.constant 0 : i32
      %dma_start3A_204 = tpu.memref_slice %arg8[%add3A_196, %dma_start3A_203] : memref<512x16xf32, #tpu.memory_space<vmem>> -> memref<1x16xf32, #tpu.memory_space<vmem>>
      %dma_start3A_205 = tpu.memref_squeeze %dma_start3A_204 : memref<1x16xf32, #tpu.memory_space<vmem>> -> memref<16xf32, #tpu.memory_space<vmem>>
      %dma_start3A_206 = arith.constant 0 : i32
      %dma_start3A_207 = tpu.memref_slice %arg3[%squeeze3A_192, %dma_start3A_206] : memref<1000000x16xf32, #tpu.memory_space<hbm>> -> memref<1x16xf32, #tpu.memory_space<hbm>>
      %dma_start3A_208 = tpu.memref_squeeze %dma_start3A_207 : memref<1x16xf32, #tpu.memory_space<hbm>> -> memref<16xf32, #tpu.memory_space<hbm>>
      tpu.enqueue_dma source(%dma_start3A_208 : memref<16xf32, #tpu.memory_space<hbm>>) target(%dma_start3A_205 : memref<16xf32, #tpu.memory_space<vmem>>) target_semaphore(%arg9 : memref<!tpu.dma_semaphore, #tpu.memory_space<semaphore_mem>>)
      %slice3A_209 = vector.extract_strided_slice %get3A_31 {offsets = [10], sizes = [1], strides = [1]} : vector<16xi32> to vector<1xi32>
      %squeeze3A_210 = vector.extract %slice3A_209[0] : i32 from vector<1xi32>
      %mul3A_211 = arith.constant 16 : i32
      %mul3A_212 = arith.muli %scan3A_25, %mul3A_211 : i32
      %add3A_213 = arith.constant 10 : i32
      %add3A_214 = arith.addi %mul3A_212, %add3A_213 : i32
      %dma_start3A_215 = arith.constant 0 : i32
      %dma_start3A_216 = tpu.memref_slice %arg8[%add3A_214, %dma_start3A_215] : memref<512x16xf32, #tpu.memory_space<vmem>> -> memref<1x16xf32, #tpu.memory_space<vmem>>
      %dma_start3A_217 = tpu.memref_squeeze %dma_start3A_216 : memref<1x16xf32, #tpu.memory_space<vmem>> -> memref<16xf32, #tpu.memory_space<vmem>>
      %dma_start3A_218 = arith.constant 0 : i32
      %dma_start3A_219 = tpu.memref_slice %arg3[%squeeze3A_210, %dma_start3A_218] : memref<1000000x16xf32, #tpu.memory_space<hbm>> -> memref<1x16xf32, #tpu.memory_space<hbm>>
      %dma_start3A_220 = tpu.memref_squeeze %dma_start3A_219 : memref<1x16xf32, #tpu.memory_space<hbm>> -> memref<16xf32, #tpu.memory_space<hbm>>
      %dma_start3A_221 = arith.constant 0 : i32
      %dma_start3A_222 = tpu.memref_slice %arg8[%add3A_214, %dma_start3A_221] : memref<512x16xf32, #tpu.memory_space<vmem>> -> memref<1x16xf32, #tpu.memory_space<vmem>>
      %dma_start3A_223 = tpu.memref_squeeze %dma_start3A_222 : memref<1x16xf32, #tpu.memory_space<vmem>> -> memref<16xf32, #tpu.memory_space<vmem>>
      %dma_start3A_224 = arith.constant 0 : i32
      %dma_start3A_225 = tpu.memref_slice %arg3[%squeeze3A_210, %dma_start3A_224] : memref<1000000x16xf32, #tpu.memory_space<hbm>> -> memref<1x16xf32, #tpu.memory_space<hbm>>
      %dma_start3A_226 = tpu.memref_squeeze %dma_start3A_225 : memref<1x16xf32, #tpu.memory_space<hbm>> -> memref<16xf32, #tpu.memory_space<hbm>>
      tpu.enqueue_dma source(%dma_start3A_226 : memref<16xf32, #tpu.memory_space<hbm>>) target(%dma_start3A_223 : memref<16xf32, #tpu.memory_space<vmem>>) target_semaphore(%arg9 : memref<!tpu.dma_semaphore, #tpu.memory_space<semaphore_mem>>)
      %slice3A_227 = vector.extract_strided_slice %get3A_31 {offsets = [11], sizes = [1], strides = [1]} : vector<16xi32> to vector<1xi32>
      %squeeze3A_228 = vector.extract %slice3A_227[0] : i32 from vector<1xi32>
      %mul3A_229 = arith.constant 16 : i32
      %mul3A_230 = arith.muli %scan3A_25, %mul3A_229 : i32
      %add3A_231 = arith.constant 11 : i32
      %add3A_232 = arith.addi %mul3A_230, %add3A_231 : i32
      %dma_start3A_233 = arith.constant 0 : i32
      %dma_start3A_234 = tpu.memref_slice %arg8[%add3A_232, %dma_start3A_233] : memref<512x16xf32, #tpu.memory_space<vmem>> -> memref<1x16xf32, #tpu.memory_space<vmem>>
      %dma_start3A_235 = tpu.memref_squeeze %dma_start3A_234 : memref<1x16xf32, #tpu.memory_space<vmem>> -> memref<16xf32, #tpu.memory_space<vmem>>
      %dma_start3A_236 = arith.constant 0 : i32
      %dma_start3A_237 = tpu.memref_slice %arg3[%squeeze3A_228, %dma_start3A_236] : memref<1000000x16xf32, #tpu.memory_space<hbm>> -> memref<1x16xf32, #tpu.memory_space<hbm>>
      %dma_start3A_238 = tpu.memref_squeeze %dma_start3A_237 : memref<1x16xf32, #tpu.memory_space<hbm>> -> memref<16xf32, #tpu.memory_space<hbm>>
      %dma_start3A_239 = arith.constant 0 : i32
      %dma_start3A_240 = tpu.memref_slice %arg8[%add3A_232, %dma_start3A_239] : memref<512x16xf32, #tpu.memory_space<vmem>> -> memref<1x16xf32, #tpu.memory_space<vmem>>
      %dma_start3A_241 = tpu.memref_squeeze %dma_start3A_240 : memref<1x16xf32, #tpu.memory_space<vmem>> -> memref<16xf32, #tpu.memory_space<vmem>>
      %dma_start3A_242 = arith.constant 0 : i32
      %dma_start3A_243 = tpu.memref_slice %arg3[%squeeze3A_228, %dma_start3A_242] : memref<1000000x16xf32, #tpu.memory_space<hbm>> -> memref<1x16xf32, #tpu.memory_space<hbm>>
      %dma_start3A_244 = tpu.memref_squeeze %dma_start3A_243 : memref<1x16xf32, #tpu.memory_space<hbm>> -> memref<16xf32, #tpu.memory_space<hbm>>
      tpu.enqueue_dma source(%dma_start3A_244 : memref<16xf32, #tpu.memory_space<hbm>>) target(%dma_start3A_241 : memref<16xf32, #tpu.memory_space<vmem>>) target_semaphore(%arg9 : memref<!tpu.dma_semaphore, #tpu.memory_space<semaphore_mem>>)
      %slice3A_245 = vector.extract_strided_slice %get3A_31 {offsets = [12], sizes = [1], strides = [1]} : vector<16xi32> to vector<1xi32>
      %squeeze3A_246 = vector.extract %slice3A_245[0] : i32 from vector<1xi32>
      %mul3A_247 = arith.constant 16 : i32
      %mul3A_248 = arith.muli %scan3A_25, %mul3A_247 : i32
      %add3A_249 = arith.constant 12 : i32
      %add3A_250 = arith.addi %mul3A_248, %add3A_249 : i32
      %dma_start3A_251 = arith.constant 0 : i32
      %dma_start3A_252 = tpu.memref_slice %arg8[%add3A_250, %dma_start3A_251] : memref<512x16xf32, #tpu.memory_space<vmem>> -> memref<1x16xf32, #tpu.memory_space<vmem>>
      %dma_start3A_253 = tpu.memref_squeeze %dma_start3A_252 : memref<1x16xf32, #tpu.memory_space<vmem>> -> memref<16xf32, #tpu.memory_space<vmem>>
      %dma_start3A_254 = arith.constant 0 : i32
      %dma_start3A_255 = tpu.memref_slice %arg3[%squeeze3A_246, %dma_start3A_254] : memref<1000000x16xf32, #tpu.memory_space<hbm>> -> memref<1x16xf32, #tpu.memory_space<hbm>>
      %dma_start3A_256 = tpu.memref_squeeze %dma_start3A_255 : memref<1x16xf32, #tpu.memory_space<hbm>> -> memref<16xf32, #tpu.memory_space<hbm>>
      %dma_start3A_257 = arith.constant 0 : i32
      %dma_start3A_258 = tpu.memref_slice %arg8[%add3A_250, %dma_start3A_257] : memref<512x16xf32, #tpu.memory_space<vmem>> -> memref<1x16xf32, #tpu.memory_space<vmem>>
      %dma_start3A_259 = tpu.memref_squeeze %dma_start3A_258 : memref<1x16xf32, #tpu.memory_space<vmem>> -> memref<16xf32, #tpu.memory_space<vmem>>
      %dma_start3A_260 = arith.constant 0 : i32
      %dma_start3A_261 = tpu.memref_slice %arg3[%squeeze3A_246, %dma_start3A_260] : memref<1000000x16xf32, #tpu.memory_space<hbm>> -> memref<1x16xf32, #tpu.memory_space<hbm>>
      %dma_start3A_262 = tpu.memref_squeeze %dma_start3A_261 : memref<1x16xf32, #tpu.memory_space<hbm>> -> memref<16xf32, #tpu.memory_space<hbm>>
      tpu.enqueue_dma source(%dma_start3A_262 : memref<16xf32, #tpu.memory_space<hbm>>) target(%dma_start3A_259 : memref<16xf32, #tpu.memory_space<vmem>>) target_semaphore(%arg9 : memref<!tpu.dma_semaphore, #tpu.memory_space<semaphore_mem>>)
      %slice3A_263 = vector.extract_strided_slice %get3A_31 {offsets = [13], sizes = [1], strides = [1]} : vector<16xi32> to vector<1xi32>
      %squeeze3A_264 = vector.extract %slice3A_263[0] : i32 from vector<1xi32>
      %mul3A_265 = arith.constant 16 : i32
      %mul3A_266 = arith.muli %scan3A_25, %mul3A_265 : i32
      %add3A_267 = arith.constant 13 : i32
      %add3A_268 = arith.addi %mul3A_266, %add3A_267 : i32
      %dma_start3A_269 = arith.constant 0 : i32
      %dma_start3A_270 = tpu.memref_slice %arg8[%add3A_268, %dma_start3A_269] : memref<512x16xf32, #tpu.memory_space<vmem>> -> memref<1x16xf32, #tpu.memory_space<vmem>>
      %dma_start3A_271 = tpu.memref_squeeze %dma_start3A_270 : memref<1x16xf32, #tpu.memory_space<vmem>> -> memref<16xf32, #tpu.memory_space<vmem>>
      %dma_start3A_272 = arith.constant 0 : i32
      %dma_start3A_273 = tpu.memref_slice %arg3[%squeeze3A_264, %dma_start3A_272] : memref<1000000x16xf32, #tpu.memory_space<hbm>> -> memref<1x16xf32, #tpu.memory_space<hbm>>
      %dma_start3A_274 = tpu.memref_squeeze %dma_start3A_273 : memref<1x16xf32, #tpu.memory_space<hbm>> -> memref<16xf32, #tpu.memory_space<hbm>>
      %dma_start3A_275 = arith.constant 0 : i32
      %dma_start3A_276 = tpu.memref_slice %arg8[%add3A_268, %dma_start3A_275] : memref<512x16xf32, #tpu.memory_space<vmem>> -> memref<1x16xf32, #tpu.memory_space<vmem>>
      %dma_start3A_277 = tpu.memref_squeeze %dma_start3A_276 : memref<1x16xf32, #tpu.memory_space<vmem>> -> memref<16xf32, #tpu.memory_space<vmem>>
      %dma_start3A_278 = arith.constant 0 : i32
      %dma_start3A_279 = tpu.memref_slice %arg3[%squeeze3A_264, %dma_start3A_278] : memref<1000000x16xf32, #tpu.memory_space<hbm>> -> memref<1x16xf32, #tpu.memory_space<hbm>>
      %dma_start3A_280 = tpu.memref_squeeze %dma_start3A_279 : memref<1x16xf32, #tpu.memory_space<hbm>> -> memref<16xf32, #tpu.memory_space<hbm>>
      tpu.enqueue_dma source(%dma_start3A_280 : memref<16xf32, #tpu.memory_space<hbm>>) target(%dma_start3A_277 : memref<16xf32, #tpu.memory_space<vmem>>) target_semaphore(%arg9 : memref<!tpu.dma_semaphore, #tpu.memory_space<semaphore_mem>>)
      %slice3A_281 = vector.extract_strided_slice %get3A_31 {offsets = [14], sizes = [1], strides = [1]} : vector<16xi32> to vector<1xi32>
      %squeeze3A_282 = vector.extract %slice3A_281[0] : i32 from vector<1xi32>
      %mul3A_283 = arith.constant 16 : i32
      %mul3A_284 = arith.muli %scan3A_25, %mul3A_283 : i32
      %add3A_285 = arith.constant 14 : i32
      %add3A_286 = arith.addi %mul3A_284, %add3A_285 : i32
      %dma_start3A_287 = arith.constant 0 : i32
      %dma_start3A_288 = tpu.memref_slice %arg8[%add3A_286, %dma_start3A_287] : memref<512x16xf32, #tpu.memory_space<vmem>> -> memref<1x16xf32, #tpu.memory_space<vmem>>
      %dma_start3A_289 = tpu.memref_squeeze %dma_start3A_288 : memref<1x16xf32, #tpu.memory_space<vmem>> -> memref<16xf32, #tpu.memory_space<vmem>>
      %dma_start3A_290 = arith.constant 0 : i32
      %dma_start3A_291 = tpu.memref_slice %arg3[%squeeze3A_282, %dma_start3A_290] : memref<1000000x16xf32, #tpu.memory_space<hbm>> -> memref<1x16xf32, #tpu.memory_space<hbm>>
      %dma_start3A_292 = tpu.memref_squeeze %dma_start3A_291 : memref<1x16xf32, #tpu.memory_space<hbm>> -> memref<16xf32, #tpu.memory_space<hbm>>
      %dma_start3A_293 = arith.constant 0 : i32
      %dma_start3A_294 = tpu.memref_slice %arg8[%add3A_286, %dma_start3A_293] : memref<512x16xf32, #tpu.memory_space<vmem>> -> memref<1x16xf32, #tpu.memory_space<vmem>>
      %dma_start3A_295 = tpu.memref_squeeze %dma_start3A_294 : memref<1x16xf32, #tpu.memory_space<vmem>> -> memref<16xf32, #tpu.memory_space<vmem>>
      %dma_start3A_296 = arith.constant 0 : i32
      %dma_start3A_297 = tpu.memref_slice %arg3[%squeeze3A_282, %dma_start3A_296] : memref<1000000x16xf32, #tpu.memory_space<hbm>> -> memref<1x16xf32, #tpu.memory_space<hbm>>
      %dma_start3A_298 = tpu.memref_squeeze %dma_start3A_297 : memref<1x16xf32, #tpu.memory_space<hbm>> -> memref<16xf32, #tpu.memory_space<hbm>>
      tpu.enqueue_dma source(%dma_start3A_298 : memref<16xf32, #tpu.memory_space<hbm>>) target(%dma_start3A_295 : memref<16xf32, #tpu.memory_space<vmem>>) target_semaphore(%arg9 : memref<!tpu.dma_semaphore, #tpu.memory_space<semaphore_mem>>)
      %slice3A_299 = vector.extract_strided_slice %get3A_31 {offsets = [15], sizes = [1], strides = [1]} : vector<16xi32> to vector<1xi32>
      %squeeze3A_300 = vector.extract %slice3A_299[0] : i32 from vector<1xi32>
      %mul3A_301 = arith.constant 16 : i32
      %mul3A_302 = arith.muli %scan3A_25, %mul3A_301 : i32
      %add3A_303 = arith.constant 15 : i32
      %add3A_304 = arith.addi %mul3A_302, %add3A_303 : i32
      %dma_start3A_305 = arith.constant 0 : i32
      %dma_start3A_306 = tpu.memref_slice %arg8[%add3A_304, %dma_start3A_305] : memref<512x16xf32, #tpu.memory_space<vmem>> -> memref<1x16xf32, #tpu.memory_space<vmem>>
      %dma_start3A_307 = tpu.memref_squeeze %dma_start3A_306 : memref<1x16xf32, #tpu.memory_space<vmem>> -> memref<16xf32, #tpu.memory_space<vmem>>
      %dma_start3A_308 = arith.constant 0 : i32
      %dma_start3A_309 = tpu.memref_slice %arg3[%squeeze3A_300, %dma_start3A_308] : memref<1000000x16xf32, #tpu.memory_space<hbm>> -> memref<1x16xf32, #tpu.memory_space<hbm>>
      %dma_start3A_310 = tpu.memref_squeeze %dma_start3A_309 : memref<1x16xf32, #tpu.memory_space<hbm>> -> memref<16xf32, #tpu.memory_space<hbm>>
      %dma_start3A_311 = arith.constant 0 : i32
      %dma_start3A_312 = tpu.memref_slice %arg8[%add3A_304, %dma_start3A_311] : memref<512x16xf32, #tpu.memory_space<vmem>> -> memref<1x16xf32, #tpu.memory_space<vmem>>
      %dma_start3A_313 = tpu.memref_squeeze %dma_start3A_312 : memref<1x16xf32, #tpu.memory_space<vmem>> -> memref<16xf32, #tpu.memory_space<vmem>>
      %dma_start3A_314 = arith.constant 0 : i32
      %dma_start3A_315 = tpu.memref_slice %arg3[%squeeze3A_300, %dma_start3A_314] : memref<1000000x16xf32, #tpu.memory_space<hbm>> -> memref<1x16xf32, #tpu.memory_space<hbm>>
      %dma_start3A_316 = tpu.memref_squeeze %dma_start3A_315 : memref<1x16xf32, #tpu.memory_space<hbm>> -> memref<16xf32, #tpu.memory_space<hbm>>
      tpu.enqueue_dma source(%dma_start3A_316 : memref<16xf32, #tpu.memory_space<hbm>>) target(%dma_start3A_313 : memref<16xf32, #tpu.memory_space<vmem>>) target_semaphore(%arg9 : memref<!tpu.dma_semaphore, #tpu.memory_space<semaphore_mem>>)
    }
    %scan3A_7 = arith.constant 32 : i32
    %dma_wait3A = arith.constant 0 : i32
    %dma_wait3A_8 = arith.constant 0 : i32
    %dma_wait3A_9 = tpu.memref_slice %arg3[%dma_wait3A, %dma_wait3A_8] : memref<1000000x16xf32, #tpu.memory_space<hbm>> -> memref<512x16xf32, #tpu.memory_space<hbm>>
    %dma_wait3A_10 = arith.constant 0 : i32
    %dma_wait3A_11 = arith.constant 0 : i32
    %dma_wait3A_12 = tpu.memref_slice %arg3[%dma_wait3A_10, %dma_wait3A_11] : memref<1000000x16xf32, #tpu.memory_space<hbm>> -> memref<512x16xf32, #tpu.memory_space<hbm>>
    tpu.wait_dma2 semaphore(%arg9 : memref<!tpu.dma_semaphore, #tpu.memory_space<semaphore_mem>>) src(%dma_wait3A_12 : memref<512x16xf32, #tpu.memory_space<hbm>>) dst(%arg8 : memref<512x16xf32, #tpu.memory_space<vmem>>)
    "tpu.region"() ({
      %run_scoped3A = tpu.sem_alloc : memref<!tpu.dma_semaphore, #tpu.memory_space<semaphore_mem>>
      %dma_start3A = arith.constant 0 : i32
      %dma_start3A_25 = tpu.memref_slice %arg5[%mul3A_2, %dma_start3A] : memref<16384x16xf32, #tpu.memory_space<hbm>> -> memref<512x16xf32, #tpu.memory_space<hbm>>
      %dma_start3A_26 = arith.constant 0 : i32
      %dma_start3A_27 = tpu.memref_slice %arg5[%mul3A_2, %dma_start3A_26] : memref<16384x16xf32, #tpu.memory_space<hbm>> -> memref<512x16xf32, #tpu.memory_space<hbm>>
      tpu.enqueue_dma source(%arg8 : memref<512x16xf32, #tpu.memory_space<vmem>>) target(%dma_start3A_27 : memref<512x16xf32, #tpu.memory_space<hbm>>) target_semaphore(%run_scoped3A : memref<!tpu.dma_semaphore, #tpu.memory_space<semaphore_mem>>)
      %dma_wait3A_28 = arith.constant 0 : i32
      %dma_wait3A_29 = tpu.memref_slice %arg5[%mul3A_2, %dma_wait3A_28] : memref<16384x16xf32, #tpu.memory_space<hbm>> -> memref<512x16xf32, #tpu.memory_space<hbm>>
      %dma_wait3A_30 = arith.constant 0 : i32
      %dma_wait3A_31 = tpu.memref_slice %arg5[%mul3A_2, %dma_wait3A_30] : memref<16384x16xf32, #tpu.memory_space<hbm>> -> memref<512x16xf32, #tpu.memory_space<hbm>>
      tpu.wait_dma2 semaphore(%run_scoped3A : memref<!tpu.dma_semaphore, #tpu.memory_space<semaphore_mem>>) src(%arg8 : memref<512x16xf32, #tpu.memory_space<vmem>>) dst(%dma_wait3A_31 : memref<512x16xf32, #tpu.memory_space<hbm>>)
      tpu.yield
    }) : () -> ()
    %scan3A_13 = arith.constant 0 : i32
    %scan3A_14 = arith.constant 0 : i32
    %scan3A_15 = arith.constant 32 : i32
    %scan3A_16 = arith.addi %scan3A_14, %scan3A_15 : i32
    %scan3A_17 = arith.constant 1 : i32
    scf.for %scan3A_25 = %scan3A_14 to %scan3A_16 step %scan3A_17  : i32 {
      %mul3A_26 = arith.constant 16 : i32
      %mul3A_27 = arith.muli %scan3A_25, %mul3A_26 : i32
      %get3A = arith.constant 1 : i32
      %get3A_28 = arith.index_cast %get3A : i32 to index
      %get3A_29 = arith.index_cast %mul3A_27 : i32 to index
      %get3A_30 = tpu.vector_load %arg7[%get3A_28, %get3A_29] {strides = array<i32>} : memref<2x512xi32, #tpu.memory_space<vmem>>, vector<1x16xi32>,
      %get3A_31 = vector.shape_cast %get3A_30 : vector<1x16xi32> to vector<16xi32>
      %slice3A = vector.extract_strided_slice %get3A_31 {offsets = [0], sizes = [1], strides = [1]} : vector<16xi32> to vector<1xi32>
      %squeeze3A = vector.extract %slice3A[0] : i32 from vector<1xi32>
      %mul3A_32 = arith.constant 16 : i32
      %mul3A_33 = arith.muli %scan3A_25, %mul3A_32 : i32
      %add3A_34 = arith.constant 0 : i32
      %add3A_35 = arith.addi %mul3A_33, %add3A_34 : i32
      %dma_start3A = arith.constant 0 : i32
      %dma_start3A_36 = tpu.memref_slice %arg8[%add3A_35, %dma_start3A] : memref<512x16xf32, #tpu.memory_space<vmem>> -> memref<1x16xf32, #tpu.memory_space<vmem>>
      %dma_start3A_37 = tpu.memref_squeeze %dma_start3A_36 : memref<1x16xf32, #tpu.memory_space<vmem>> -> memref<16xf32, #tpu.memory_space<vmem>>
      %dma_start3A_38 = arith.constant 0 : i32
      %dma_start3A_39 = tpu.memref_slice %arg4[%squeeze3A, %dma_start3A_38] : memref<1000000x16xf32, #tpu.memory_space<hbm>> -> memref<1x16xf32, #tpu.memory_space<hbm>>
      %dma_start3A_40 = tpu.memref_squeeze %dma_start3A_39 : memref<1x16xf32, #tpu.memory_space<hbm>> -> memref<16xf32, #tpu.memory_space<hbm>>
      %dma_start3A_41 = arith.constant 0 : i32
      %dma_start3A_42 = tpu.memref_slice %arg8[%add3A_35, %dma_start3A_41] : memref<512x16xf32, #tpu.memory_space<vmem>> -> memref<1x16xf32, #tpu.memory_space<vmem>>
      %dma_start3A_43 = tpu.memref_squeeze %dma_start3A_42 : memref<1x16xf32, #tpu.memory_space<vmem>> -> memref<16xf32, #tpu.memory_space<vmem>>
      %dma_start3A_44 = arith.constant 0 : i32
      %dma_start3A_45 = tpu.memref_slice %arg4[%squeeze3A, %dma_start3A_44] : memref<1000000x16xf32, #tpu.memory_space<hbm>> -> memref<1x16xf32, #tpu.memory_space<hbm>>
      %dma_start3A_46 = tpu.memref_squeeze %dma_start3A_45 : memref<1x16xf32, #tpu.memory_space<hbm>> -> memref<16xf32, #tpu.memory_space<hbm>>
      tpu.enqueue_dma source(%dma_start3A_46 : memref<16xf32, #tpu.memory_space<hbm>>) target(%dma_start3A_43 : memref<16xf32, #tpu.memory_space<vmem>>) target_semaphore(%arg9 : memref<!tpu.dma_semaphore, #tpu.memory_space<semaphore_mem>>)
      %slice3A_47 = vector.extract_strided_slice %get3A_31 {offsets = [1], sizes = [1], strides = [1]} : vector<16xi32> to vector<1xi32>
      %squeeze3A_48 = vector.extract %slice3A_47[0] : i32 from vector<1xi32>
      %mul3A_49 = arith.constant 16 : i32
      %mul3A_50 = arith.muli %scan3A_25, %mul3A_49 : i32
      %add3A_51 = arith.constant 1 : i32
      %add3A_52 = arith.addi %mul3A_50, %add3A_51 : i32
      %dma_start3A_53 = arith.constant 0 : i32
      %dma_start3A_54 = tpu.memref_slice %arg8[%add3A_52, %dma_start3A_53] : memref<512x16xf32, #tpu.memory_space<vmem>> -> memref<1x16xf32, #tpu.memory_space<vmem>>
      %dma_start3A_55 = tpu.memref_squeeze %dma_start3A_54 : memref<1x16xf32, #tpu.memory_space<vmem>> -> memref<16xf32, #tpu.memory_space<vmem>>
      %dma_start3A_56 = arith.constant 0 : i32
      %dma_start3A_57 = tpu.memref_slice %arg4[%squeeze3A_48, %dma_start3A_56] : memref<1000000x16xf32, #tpu.memory_space<hbm>> -> memref<1x16xf32, #tpu.memory_space<hbm>>
      %dma_start3A_58 = tpu.memref_squeeze %dma_start3A_57 : memref<1x16xf32, #tpu.memory_space<hbm>> -> memref<16xf32, #tpu.memory_space<hbm>>
      %dma_start3A_59 = arith.constant 0 : i32
      %dma_start3A_60 = tpu.memref_slice %arg8[%add3A_52, %dma_start3A_59] : memref<512x16xf32, #tpu.memory_space<vmem>> -> memref<1x16xf32, #tpu.memory_space<vmem>>
      %dma_start3A_61 = tpu.memref_squeeze %dma_start3A_60 : memref<1x16xf32, #tpu.memory_space<vmem>> -> memref<16xf32, #tpu.memory_space<vmem>>
      %dma_start3A_62 = arith.constant 0 : i32
      %dma_start3A_63 = tpu.memref_slice %arg4[%squeeze3A_48, %dma_start3A_62] : memref<1000000x16xf32, #tpu.memory_space<hbm>> -> memref<1x16xf32, #tpu.memory_space<hbm>>
      %dma_start3A_64 = tpu.memref_squeeze %dma_start3A_63 : memref<1x16xf32, #tpu.memory_space<hbm>> -> memref<16xf32, #tpu.memory_space<hbm>>
      tpu.enqueue_dma source(%dma_start3A_64 : memref<16xf32, #tpu.memory_space<hbm>>) target(%dma_start3A_61 : memref<16xf32, #tpu.memory_space<vmem>>) target_semaphore(%arg9 : memref<!tpu.dma_semaphore, #tpu.memory_space<semaphore_mem>>)
      %slice3A_65 = vector.extract_strided_slice %get3A_31 {offsets = [2], sizes = [1], strides = [1]} : vector<16xi32> to vector<1xi32>
      %squeeze3A_66 = vector.extract %slice3A_65[0] : i32 from vector<1xi32>
      %mul3A_67 = arith.constant 16 : i32
      %mul3A_68 = arith.muli %scan3A_25, %mul3A_67 : i32
      %add3A_69 = arith.constant 2 : i32
      %add3A_70 = arith.addi %mul3A_68, %add3A_69 : i32
      %dma_start3A_71 = arith.constant 0 : i32
      %dma_start3A_72 = tpu.memref_slice %arg8[%add3A_70, %dma_start3A_71] : memref<512x16xf32, #tpu.memory_space<vmem>> -> memref<1x16xf32, #tpu.memory_space<vmem>>
      %dma_start3A_73 = tpu.memref_squeeze %dma_start3A_72 : memref<1x16xf32, #tpu.memory_space<vmem>> -> memref<16xf32, #tpu.memory_space<vmem>>
      %dma_start3A_74 = arith.constant 0 : i32
      %dma_start3A_75 = tpu.memref_slice %arg4[%squeeze3A_66, %dma_start3A_74] : memref<1000000x16xf32, #tpu.memory_space<hbm>> -> memref<1x16xf32, #tpu.memory_space<hbm>>
      %dma_start3A_76 = tpu.memref_squeeze %dma_start3A_75 : memref<1x16xf32, #tpu.memory_space<hbm>> -> memref<16xf32, #tpu.memory_space<hbm>>
      %dma_start3A_77 = arith.constant 0 : i32
      %dma_start3A_78 = tpu.memref_slice %arg8[%add3A_70, %dma_start3A_77] : memref<512x16xf32, #tpu.memory_space<vmem>> -> memref<1x16xf32, #tpu.memory_space<vmem>>
      %dma_start3A_79 = tpu.memref_squeeze %dma_start3A_78 : memref<1x16xf32, #tpu.memory_space<vmem>> -> memref<16xf32, #tpu.memory_space<vmem>>
      %dma_start3A_80 = arith.constant 0 : i32
      %dma_start3A_81 = tpu.memref_slice %arg4[%squeeze3A_66, %dma_start3A_80] : memref<1000000x16xf32, #tpu.memory_space<hbm>> -> memref<1x16xf32, #tpu.memory_space<hbm>>
      %dma_start3A_82 = tpu.memref_squeeze %dma_start3A_81 : memref<1x16xf32, #tpu.memory_space<hbm>> -> memref<16xf32, #tpu.memory_space<hbm>>
      tpu.enqueue_dma source(%dma_start3A_82 : memref<16xf32, #tpu.memory_space<hbm>>) target(%dma_start3A_79 : memref<16xf32, #tpu.memory_space<vmem>>) target_semaphore(%arg9 : memref<!tpu.dma_semaphore, #tpu.memory_space<semaphore_mem>>)
      %slice3A_83 = vector.extract_strided_slice %get3A_31 {offsets = [3], sizes = [1], strides = [1]} : vector<16xi32> to vector<1xi32>
      %squeeze3A_84 = vector.extract %slice3A_83[0] : i32 from vector<1xi32>
      %mul3A_85 = arith.constant 16 : i32
      %mul3A_86 = arith.muli %scan3A_25, %mul3A_85 : i32
      %add3A_87 = arith.constant 3 : i32
      %add3A_88 = arith.addi %mul3A_86, %add3A_87 : i32
      %dma_start3A_89 = arith.constant 0 : i32
      %dma_start3A_90 = tpu.memref_slice %arg8[%add3A_88, %dma_start3A_89] : memref<512x16xf32, #tpu.memory_space<vmem>> -> memref<1x16xf32, #tpu.memory_space<vmem>>
      %dma_start3A_91 = tpu.memref_squeeze %dma_start3A_90 : memref<1x16xf32, #tpu.memory_space<vmem>> -> memref<16xf32, #tpu.memory_space<vmem>>
      %dma_start3A_92 = arith.constant 0 : i32
      %dma_start3A_93 = tpu.memref_slice %arg4[%squeeze3A_84, %dma_start3A_92] : memref<1000000x16xf32, #tpu.memory_space<hbm>> -> memref<1x16xf32, #tpu.memory_space<hbm>>
      %dma_start3A_94 = tpu.memref_squeeze %dma_start3A_93 : memref<1x16xf32, #tpu.memory_space<hbm>> -> memref<16xf32, #tpu.memory_space<hbm>>
      %dma_start3A_95 = arith.constant 0 : i32
      %dma_start3A_96 = tpu.memref_slice %arg8[%add3A_88, %dma_start3A_95] : memref<512x16xf32, #tpu.memory_space<vmem>> -> memref<1x16xf32, #tpu.memory_space<vmem>>
      %dma_start3A_97 = tpu.memref_squeeze %dma_start3A_96 : memref<1x16xf32, #tpu.memory_space<vmem>> -> memref<16xf32, #tpu.memory_space<vmem>>
      %dma_start3A_98 = arith.constant 0 : i32
      %dma_start3A_99 = tpu.memref_slice %arg4[%squeeze3A_84, %dma_start3A_98] : memref<1000000x16xf32, #tpu.memory_space<hbm>> -> memref<1x16xf32, #tpu.memory_space<hbm>>
      %dma_start3A_100 = tpu.memref_squeeze %dma_start3A_99 : memref<1x16xf32, #tpu.memory_space<hbm>> -> memref<16xf32, #tpu.memory_space<hbm>>
      tpu.enqueue_dma source(%dma_start3A_100 : memref<16xf32, #tpu.memory_space<hbm>>) target(%dma_start3A_97 : memref<16xf32, #tpu.memory_space<vmem>>) target_semaphore(%arg9 : memref<!tpu.dma_semaphore, #tpu.memory_space<semaphore_mem>>)
      %slice3A_101 = vector.extract_strided_slice %get3A_31 {offsets = [4], sizes = [1], strides = [1]} : vector<16xi32> to vector<1xi32>
      %squeeze3A_102 = vector.extract %slice3A_101[0] : i32 from vector<1xi32>
      %mul3A_103 = arith.constant 16 : i32
      %mul3A_104 = arith.muli %scan3A_25, %mul3A_103 : i32
      %add3A_105 = arith.constant 4 : i32
      %add3A_106 = arith.addi %mul3A_104, %add3A_105 : i32
      %dma_start3A_107 = arith.constant 0 : i32
      %dma_start3A_108 = tpu.memref_slice %arg8[%add3A_106, %dma_start3A_107] : memref<512x16xf32, #tpu.memory_space<vmem>> -> memref<1x16xf32, #tpu.memory_space<vmem>>
      %dma_start3A_109 = tpu.memref_squeeze %dma_start3A_108 : memref<1x16xf32, #tpu.memory_space<vmem>> -> memref<16xf32, #tpu.memory_space<vmem>>
      %dma_start3A_110 = arith.constant 0 : i32
      %dma_start3A_111 = tpu.memref_slice %arg4[%squeeze3A_102, %dma_start3A_110] : memref<1000000x16xf32, #tpu.memory_space<hbm>> -> memref<1x16xf32, #tpu.memory_space<hbm>>
      %dma_start3A_112 = tpu.memref_squeeze %dma_start3A_111 : memref<1x16xf32, #tpu.memory_space<hbm>> -> memref<16xf32, #tpu.memory_space<hbm>>
      %dma_start3A_113 = arith.constant 0 : i32
      %dma_start3A_114 = tpu.memref_slice %arg8[%add3A_106, %dma_start3A_113] : memref<512x16xf32, #tpu.memory_space<vmem>> -> memref<1x16xf32, #tpu.memory_space<vmem>>
      %dma_start3A_115 = tpu.memref_squeeze %dma_start3A_114 : memref<1x16xf32, #tpu.memory_space<vmem>> -> memref<16xf32, #tpu.memory_space<vmem>>
      %dma_start3A_116 = arith.constant 0 : i32
      %dma_start3A_117 = tpu.memref_slice %arg4[%squeeze3A_102, %dma_start3A_116] : memref<1000000x16xf32, #tpu.memory_space<hbm>> -> memref<1x16xf32, #tpu.memory_space<hbm>>
      %dma_start3A_118 = tpu.memref_squeeze %dma_start3A_117 : memref<1x16xf32, #tpu.memory_space<hbm>> -> memref<16xf32, #tpu.memory_space<hbm>>
      tpu.enqueue_dma source(%dma_start3A_118 : memref<16xf32, #tpu.memory_space<hbm>>) target(%dma_start3A_115 : memref<16xf32, #tpu.memory_space<vmem>>) target_semaphore(%arg9 : memref<!tpu.dma_semaphore, #tpu.memory_space<semaphore_mem>>)
      %slice3A_119 = vector.extract_strided_slice %get3A_31 {offsets = [5], sizes = [1], strides = [1]} : vector<16xi32> to vector<1xi32>
      %squeeze3A_120 = vector.extract %slice3A_119[0] : i32 from vector<1xi32>
      %mul3A_121 = arith.constant 16 : i32
      %mul3A_122 = arith.muli %scan3A_25, %mul3A_121 : i32
      %add3A_123 = arith.constant 5 : i32
      %add3A_124 = arith.addi %mul3A_122, %add3A_123 : i32
      %dma_start3A_125 = arith.constant 0 : i32
      %dma_start3A_126 = tpu.memref_slice %arg8[%add3A_124, %dma_start3A_125] : memref<512x16xf32, #tpu.memory_space<vmem>> -> memref<1x16xf32, #tpu.memory_space<vmem>>
      %dma_start3A_127 = tpu.memref_squeeze %dma_start3A_126 : memref<1x16xf32, #tpu.memory_space<vmem>> -> memref<16xf32, #tpu.memory_space<vmem>>
      %dma_start3A_128 = arith.constant 0 : i32
      %dma_start3A_129 = tpu.memref_slice %arg4[%squeeze3A_120, %dma_start3A_128] : memref<1000000x16xf32, #tpu.memory_space<hbm>> -> memref<1x16xf32, #tpu.memory_space<hbm>>
      %dma_start3A_130 = tpu.memref_squeeze %dma_start3A_129 : memref<1x16xf32, #tpu.memory_space<hbm>> -> memref<16xf32, #tpu.memory_space<hbm>>
      %dma_start3A_131 = arith.constant 0 : i32
      %dma_start3A_132 = tpu.memref_slice %arg8[%add3A_124, %dma_start3A_131] : memref<512x16xf32, #tpu.memory_space<vmem>> -> memref<1x16xf32, #tpu.memory_space<vmem>>
      %dma_start3A_133 = tpu.memref_squeeze %dma_start3A_132 : memref<1x16xf32, #tpu.memory_space<vmem>> -> memref<16xf32, #tpu.memory_space<vmem>>
      %dma_start3A_134 = arith.constant 0 : i32
      %dma_start3A_135 = tpu.memref_slice %arg4[%squeeze3A_120, %dma_start3A_134] : memref<1000000x16xf32, #tpu.memory_space<hbm>> -> memref<1x16xf32, #tpu.memory_space<hbm>>
      %dma_start3A_136 = tpu.memref_squeeze %dma_start3A_135 : memref<1x16xf32, #tpu.memory_space<hbm>> -> memref<16xf32, #tpu.memory_space<hbm>>
      tpu.enqueue_dma source(%dma_start3A_136 : memref<16xf32, #tpu.memory_space<hbm>>) target(%dma_start3A_133 : memref<16xf32, #tpu.memory_space<vmem>>) target_semaphore(%arg9 : memref<!tpu.dma_semaphore, #tpu.memory_space<semaphore_mem>>)
      %slice3A_137 = vector.extract_strided_slice %get3A_31 {offsets = [6], sizes = [1], strides = [1]} : vector<16xi32> to vector<1xi32>
      %squeeze3A_138 = vector.extract %slice3A_137[0] : i32 from vector<1xi32>
      %mul3A_139 = arith.constant 16 : i32
      %mul3A_140 = arith.muli %scan3A_25, %mul3A_139 : i32
      %add3A_141 = arith.constant 6 : i32
      %add3A_142 = arith.addi %mul3A_140, %add3A_141 : i32
      %dma_start3A_143 = arith.constant 0 : i32
      %dma_start3A_144 = tpu.memref_slice %arg8[%add3A_142, %dma_start3A_143] : memref<512x16xf32, #tpu.memory_space<vmem>> -> memref<1x16xf32, #tpu.memory_space<vmem>>
      %dma_start3A_145 = tpu.memref_squeeze %dma_start3A_144 : memref<1x16xf32, #tpu.memory_space<vmem>> -> memref<16xf32, #tpu.memory_space<vmem>>
      %dma_start3A_146 = arith.constant 0 : i32
      %dma_start3A_147 = tpu.memref_slice %arg4[%squeeze3A_138, %dma_start3A_146] : memref<1000000x16xf32, #tpu.memory_space<hbm>> -> memref<1x16xf32, #tpu.memory_space<hbm>>
      %dma_start3A_148 = tpu.memref_squeeze %dma_start3A_147 : memref<1x16xf32, #tpu.memory_space<hbm>> -> memref<16xf32, #tpu.memory_space<hbm>>
      %dma_start3A_149 = arith.constant 0 : i32
      %dma_start3A_150 = tpu.memref_slice %arg8[%add3A_142, %dma_start3A_149] : memref<512x16xf32, #tpu.memory_space<vmem>> -> memref<1x16xf32, #tpu.memory_space<vmem>>
      %dma_start3A_151 = tpu.memref_squeeze %dma_start3A_150 : memref<1x16xf32, #tpu.memory_space<vmem>> -> memref<16xf32, #tpu.memory_space<vmem>>
      %dma_start3A_152 = arith.constant 0 : i32
      %dma_start3A_153 = tpu.memref_slice %arg4[%squeeze3A_138, %dma_start3A_152] : memref<1000000x16xf32, #tpu.memory_space<hbm>> -> memref<1x16xf32, #tpu.memory_space<hbm>>
      %dma_start3A_154 = tpu.memref_squeeze %dma_start3A_153 : memref<1x16xf32, #tpu.memory_space<hbm>> -> memref<16xf32, #tpu.memory_space<hbm>>
      tpu.enqueue_dma source(%dma_start3A_154 : memref<16xf32, #tpu.memory_space<hbm>>) target(%dma_start3A_151 : memref<16xf32, #tpu.memory_space<vmem>>) target_semaphore(%arg9 : memref<!tpu.dma_semaphore, #tpu.memory_space<semaphore_mem>>)
      %slice3A_155 = vector.extract_strided_slice %get3A_31 {offsets = [7], sizes = [1], strides = [1]} : vector<16xi32> to vector<1xi32>
      %squeeze3A_156 = vector.extract %slice3A_155[0] : i32 from vector<1xi32>
      %mul3A_157 = arith.constant 16 : i32
      %mul3A_158 = arith.muli %scan3A_25, %mul3A_157 : i32
      %add3A_159 = arith.constant 7 : i32
      %add3A_160 = arith.addi %mul3A_158, %add3A_159 : i32
      %dma_start3A_161 = arith.constant 0 : i32
      %dma_start3A_162 = tpu.memref_slice %arg8[%add3A_160, %dma_start3A_161] : memref<512x16xf32, #tpu.memory_space<vmem>> -> memref<1x16xf32, #tpu.memory_space<vmem>>
      %dma_start3A_163 = tpu.memref_squeeze %dma_start3A_162 : memref<1x16xf32, #tpu.memory_space<vmem>> -> memref<16xf32, #tpu.memory_space<vmem>>
      %dma_start3A_164 = arith.constant 0 : i32
      %dma_start3A_165 = tpu.memref_slice %arg4[%squeeze3A_156, %dma_start3A_164] : memref<1000000x16xf32, #tpu.memory_space<hbm>> -> memref<1x16xf32, #tpu.memory_space<hbm>>
      %dma_start3A_166 = tpu.memref_squeeze %dma_start3A_165 : memref<1x16xf32, #tpu.memory_space<hbm>> -> memref<16xf32, #tpu.memory_space<hbm>>
      %dma_start3A_167 = arith.constant 0 : i32
      %dma_start3A_168 = tpu.memref_slice %arg8[%add3A_160, %dma_start3A_167] : memref<512x16xf32, #tpu.memory_space<vmem>> -> memref<1x16xf32, #tpu.memory_space<vmem>>
      %dma_start3A_169 = tpu.memref_squeeze %dma_start3A_168 : memref<1x16xf32, #tpu.memory_space<vmem>> -> memref<16xf32, #tpu.memory_space<vmem>>
      %dma_start3A_170 = arith.constant 0 : i32
      %dma_start3A_171 = tpu.memref_slice %arg4[%squeeze3A_156, %dma_start3A_170] : memref<1000000x16xf32, #tpu.memory_space<hbm>> -> memref<1x16xf32, #tpu.memory_space<hbm>>
      %dma_start3A_172 = tpu.memref_squeeze %dma_start3A_171 : memref<1x16xf32, #tpu.memory_space<hbm>> -> memref<16xf32, #tpu.memory_space<hbm>>
      tpu.enqueue_dma source(%dma_start3A_172 : memref<16xf32, #tpu.memory_space<hbm>>) target(%dma_start3A_169 : memref<16xf32, #tpu.memory_space<vmem>>) target_semaphore(%arg9 : memref<!tpu.dma_semaphore, #tpu.memory_space<semaphore_mem>>)
      %slice3A_173 = vector.extract_strided_slice %get3A_31 {offsets = [8], sizes = [1], strides = [1]} : vector<16xi32> to vector<1xi32>
      %squeeze3A_174 = vector.extract %slice3A_173[0] : i32 from vector<1xi32>
      %mul3A_175 = arith.constant 16 : i32
      %mul3A_176 = arith.muli %scan3A_25, %mul3A_175 : i32
      %add3A_177 = arith.constant 8 : i32
      %add3A_178 = arith.addi %mul3A_176, %add3A_177 : i32
      %dma_start3A_179 = arith.constant 0 : i32
      %dma_start3A_180 = tpu.memref_slice %arg8[%add3A_178, %dma_start3A_179] : memref<512x16xf32, #tpu.memory_space<vmem>> -> memref<1x16xf32, #tpu.memory_space<vmem>>
      %dma_start3A_181 = tpu.memref_squeeze %dma_start3A_180 : memref<1x16xf32, #tpu.memory_space<vmem>> -> memref<16xf32, #tpu.memory_space<vmem>>
      %dma_start3A_182 = arith.constant 0 : i32
      %dma_start3A_183 = tpu.memref_slice %arg4[%squeeze3A_174, %dma_start3A_182] : memref<1000000x16xf32, #tpu.memory_space<hbm>> -> memref<1x16xf32, #tpu.memory_space<hbm>>
      %dma_start3A_184 = tpu.memref_squeeze %dma_start3A_183 : memref<1x16xf32, #tpu.memory_space<hbm>> -> memref<16xf32, #tpu.memory_space<hbm>>
      %dma_start3A_185 = arith.constant 0 : i32
      %dma_start3A_186 = tpu.memref_slice %arg8[%add3A_178, %dma_start3A_185] : memref<512x16xf32, #tpu.memory_space<vmem>> -> memref<1x16xf32, #tpu.memory_space<vmem>>
      %dma_start3A_187 = tpu.memref_squeeze %dma_start3A_186 : memref<1x16xf32, #tpu.memory_space<vmem>> -> memref<16xf32, #tpu.memory_space<vmem>>
      %dma_start3A_188 = arith.constant 0 : i32
      %dma_start3A_189 = tpu.memref_slice %arg4[%squeeze3A_174, %dma_start3A_188] : memref<1000000x16xf32, #tpu.memory_space<hbm>> -> memref<1x16xf32, #tpu.memory_space<hbm>>
      %dma_start3A_190 = tpu.memref_squeeze %dma_start3A_189 : memref<1x16xf32, #tpu.memory_space<hbm>> -> memref<16xf32, #tpu.memory_space<hbm>>
      tpu.enqueue_dma source(%dma_start3A_190 : memref<16xf32, #tpu.memory_space<hbm>>) target(%dma_start3A_187 : memref<16xf32, #tpu.memory_space<vmem>>) target_semaphore(%arg9 : memref<!tpu.dma_semaphore, #tpu.memory_space<semaphore_mem>>)
      %slice3A_191 = vector.extract_strided_slice %get3A_31 {offsets = [9], sizes = [1], strides = [1]} : vector<16xi32> to vector<1xi32>
      %squeeze3A_192 = vector.extract %slice3A_191[0] : i32 from vector<1xi32>
      %mul3A_193 = arith.constant 16 : i32
      %mul3A_194 = arith.muli %scan3A_25, %mul3A_193 : i32
      %add3A_195 = arith.constant 9 : i32
      %add3A_196 = arith.addi %mul3A_194, %add3A_195 : i32
      %dma_start3A_197 = arith.constant 0 : i32
      %dma_start3A_198 = tpu.memref_slice %arg8[%add3A_196, %dma_start3A_197] : memref<512x16xf32, #tpu.memory_space<vmem>> -> memref<1x16xf32, #tpu.memory_space<vmem>>
      %dma_start3A_199 = tpu.memref_squeeze %dma_start3A_198 : memref<1x16xf32, #tpu.memory_space<vmem>> -> memref<16xf32, #tpu.memory_space<vmem>>
      %dma_start3A_200 = arith.constant 0 : i32
      %dma_start3A_201 = tpu.memref_slice %arg4[%squeeze3A_192, %dma_start3A_200] : memref<1000000x16xf32, #tpu.memory_space<hbm>> -> memref<1x16xf32, #tpu.memory_space<hbm>>
      %dma_start3A_202 = tpu.memref_squeeze %dma_start3A_201 : memref<1x16xf32, #tpu.memory_space<hbm>> -> memref<16xf32, #tpu.memory_space<hbm>>
      %dma_start3A_203 = arith.constant 0 : i32
      %dma_start3A_204 = tpu.memref_slice %arg8[%add3A_196, %dma_start3A_203] : memref<512x16xf32, #tpu.memory_space<vmem>> -> memref<1x16xf32, #tpu.memory_space<vmem>>
      %dma_start3A_205 = tpu.memref_squeeze %dma_start3A_204 : memref<1x16xf32, #tpu.memory_space<vmem>> -> memref<16xf32, #tpu.memory_space<vmem>>
      %dma_start3A_206 = arith.constant 0 : i32
      %dma_start3A_207 = tpu.memref_slice %arg4[%squeeze3A_192, %dma_start3A_206] : memref<1000000x16xf32, #tpu.memory_space<hbm>> -> memref<1x16xf32, #tpu.memory_space<hbm>>
      %dma_start3A_208 = tpu.memref_squeeze %dma_start3A_207 : memref<1x16xf32, #tpu.memory_space<hbm>> -> memref<16xf32, #tpu.memory_space<hbm>>
      tpu.enqueue_dma source(%dma_start3A_208 : memref<16xf32, #tpu.memory_space<hbm>>) target(%dma_start3A_205 : memref<16xf32, #tpu.memory_space<vmem>>) target_semaphore(%arg9 : memref<!tpu.dma_semaphore, #tpu.memory_space<semaphore_mem>>)
      %slice3A_209 = vector.extract_strided_slice %get3A_31 {offsets = [10], sizes = [1], strides = [1]} : vector<16xi32> to vector<1xi32>
      %squeeze3A_210 = vector.extract %slice3A_209[0] : i32 from vector<1xi32>
      %mul3A_211 = arith.constant 16 : i32
      %mul3A_212 = arith.muli %scan3A_25, %mul3A_211 : i32
      %add3A_213 = arith.constant 10 : i32
      %add3A_214 = arith.addi %mul3A_212, %add3A_213 : i32
      %dma_start3A_215 = arith.constant 0 : i32
      %dma_start3A_216 = tpu.memref_slice %arg8[%add3A_214, %dma_start3A_215] : memref<512x16xf32, #tpu.memory_space<vmem>> -> memref<1x16xf32, #tpu.memory_space<vmem>>
      %dma_start3A_217 = tpu.memref_squeeze %dma_start3A_216 : memref<1x16xf32, #tpu.memory_space<vmem>> -> memref<16xf32, #tpu.memory_space<vmem>>
      %dma_start3A_218 = arith.constant 0 : i32
      %dma_start3A_219 = tpu.memref_slice %arg4[%squeeze3A_210, %dma_start3A_218] : memref<1000000x16xf32, #tpu.memory_space<hbm>> -> memref<1x16xf32, #tpu.memory_space<hbm>>
      %dma_start3A_220 = tpu.memref_squeeze %dma_start3A_219 : memref<1x16xf32, #tpu.memory_space<hbm>> -> memref<16xf32, #tpu.memory_space<hbm>>
      %dma_start3A_221 = arith.constant 0 : i32
      %dma_start3A_222 = tpu.memref_slice %arg8[%add3A_214, %dma_start3A_221] : memref<512x16xf32, #tpu.memory_space<vmem>> -> memref<1x16xf32, #tpu.memory_space<vmem>>
      %dma_start3A_223 = tpu.memref_squeeze %dma_start3A_222 : memref<1x16xf32, #tpu.memory_space<vmem>> -> memref<16xf32, #tpu.memory_space<vmem>>
      %dma_start3A_224 = arith.constant 0 : i32
      %dma_start3A_225 = tpu.memref_slice %arg4[%squeeze3A_210, %dma_start3A_224] : memref<1000000x16xf32, #tpu.memory_space<hbm>> -> memref<1x16xf32, #tpu.memory_space<hbm>>
      %dma_start3A_226 = tpu.memref_squeeze %dma_start3A_225 : memref<1x16xf32, #tpu.memory_space<hbm>> -> memref<16xf32, #tpu.memory_space<hbm>>
      tpu.enqueue_dma source(%dma_start3A_226 : memref<16xf32, #tpu.memory_space<hbm>>) target(%dma_start3A_223 : memref<16xf32, #tpu.memory_space<vmem>>) target_semaphore(%arg9 : memref<!tpu.dma_semaphore, #tpu.memory_space<semaphore_mem>>)
      %slice3A_227 = vector.extract_strided_slice %get3A_31 {offsets = [11], sizes = [1], strides = [1]} : vector<16xi32> to vector<1xi32>
      %squeeze3A_228 = vector.extract %slice3A_227[0] : i32 from vector<1xi32>
      %mul3A_229 = arith.constant 16 : i32
      %mul3A_230 = arith.muli %scan3A_25, %mul3A_229 : i32
      %add3A_231 = arith.constant 11 : i32
      %add3A_232 = arith.addi %mul3A_230, %add3A_231 : i32
      %dma_start3A_233 = arith.constant 0 : i32
      %dma_start3A_234 = tpu.memref_slice %arg8[%add3A_232, %dma_start3A_233] : memref<512x16xf32, #tpu.memory_space<vmem>> -> memref<1x16xf32, #tpu.memory_space<vmem>>
      %dma_start3A_235 = tpu.memref_squeeze %dma_start3A_234 : memref<1x16xf32, #tpu.memory_space<vmem>> -> memref<16xf32, #tpu.memory_space<vmem>>
      %dma_start3A_236 = arith.constant 0 : i32
      %dma_start3A_237 = tpu.memref_slice %arg4[%squeeze3A_228, %dma_start3A_236] : memref<1000000x16xf32, #tpu.memory_space<hbm>> -> memref<1x16xf32, #tpu.memory_space<hbm>>
      %dma_start3A_238 = tpu.memref_squeeze %dma_start3A_237 : memref<1x16xf32, #tpu.memory_space<hbm>> -> memref<16xf32, #tpu.memory_space<hbm>>
      %dma_start3A_239 = arith.constant 0 : i32
      %dma_start3A_240 = tpu.memref_slice %arg8[%add3A_232, %dma_start3A_239] : memref<512x16xf32, #tpu.memory_space<vmem>> -> memref<1x16xf32, #tpu.memory_space<vmem>>
      %dma_start3A_241 = tpu.memref_squeeze %dma_start3A_240 : memref<1x16xf32, #tpu.memory_space<vmem>> -> memref<16xf32, #tpu.memory_space<vmem>>
      %dma_start3A_242 = arith.constant 0 : i32
      %dma_start3A_243 = tpu.memref_slice %arg4[%squeeze3A_228, %dma_start3A_242] : memref<1000000x16xf32, #tpu.memory_space<hbm>> -> memref<1x16xf32, #tpu.memory_space<hbm>>
      %dma_start3A_244 = tpu.memref_squeeze %dma_start3A_243 : memref<1x16xf32, #tpu.memory_space<hbm>> -> memref<16xf32, #tpu.memory_space<hbm>>
      tpu.enqueue_dma source(%dma_start3A_244 : memref<16xf32, #tpu.memory_space<hbm>>) target(%dma_start3A_241 : memref<16xf32, #tpu.memory_space<vmem>>) target_semaphore(%arg9 : memref<!tpu.dma_semaphore, #tpu.memory_space<semaphore_mem>>)
      %slice3A_245 = vector.extract_strided_slice %get3A_31 {offsets = [12], sizes = [1], strides = [1]} : vector<16xi32> to vector<1xi32>
      %squeeze3A_246 = vector.extract %slice3A_245[0] : i32 from vector<1xi32>
      %mul3A_247 = arith.constant 16 : i32
      %mul3A_248 = arith.muli %scan3A_25, %mul3A_247 : i32
      %add3A_249 = arith.constant 12 : i32
      %add3A_250 = arith.addi %mul3A_248, %add3A_249 : i32
      %dma_start3A_251 = arith.constant 0 : i32
      %dma_start3A_252 = tpu.memref_slice %arg8[%add3A_250, %dma_start3A_251] : memref<512x16xf32, #tpu.memory_space<vmem>> -> memref<1x16xf32, #tpu.memory_space<vmem>>
      %dma_start3A_253 = tpu.memref_squeeze %dma_start3A_252 : memref<1x16xf32, #tpu.memory_space<vmem>> -> memref<16xf32, #tpu.memory_space<vmem>>
      %dma_start3A_254 = arith.constant 0 : i32
      %dma_start3A_255 = tpu.memref_slice %arg4[%squeeze3A_246, %dma_start3A_254] : memref<1000000x16xf32, #tpu.memory_space<hbm>> -> memref<1x16xf32, #tpu.memory_space<hbm>>
      %dma_start3A_256 = tpu.memref_squeeze %dma_start3A_255 : memref<1x16xf32, #tpu.memory_space<hbm>> -> memref<16xf32, #tpu.memory_space<hbm>>
      %dma_start3A_257 = arith.constant 0 : i32
      %dma_start3A_258 = tpu.memref_slice %arg8[%add3A_250, %dma_start3A_257] : memref<512x16xf32, #tpu.memory_space<vmem>> -> memref<1x16xf32, #tpu.memory_space<vmem>>
      %dma_start3A_259 = tpu.memref_squeeze %dma_start3A_258 : memref<1x16xf32, #tpu.memory_space<vmem>> -> memref<16xf32, #tpu.memory_space<vmem>>
      %dma_start3A_260 = arith.constant 0 : i32
      %dma_start3A_261 = tpu.memref_slice %arg4[%squeeze3A_246, %dma_start3A_260] : memref<1000000x16xf32, #tpu.memory_space<hbm>> -> memref<1x16xf32, #tpu.memory_space<hbm>>
      %dma_start3A_262 = tpu.memref_squeeze %dma_start3A_261 : memref<1x16xf32, #tpu.memory_space<hbm>> -> memref<16xf32, #tpu.memory_space<hbm>>
      tpu.enqueue_dma source(%dma_start3A_262 : memref<16xf32, #tpu.memory_space<hbm>>) target(%dma_start3A_259 : memref<16xf32, #tpu.memory_space<vmem>>) target_semaphore(%arg9 : memref<!tpu.dma_semaphore, #tpu.memory_space<semaphore_mem>>)
      %slice3A_263 = vector.extract_strided_slice %get3A_31 {offsets = [13], sizes = [1], strides = [1]} : vector<16xi32> to vector<1xi32>
      %squeeze3A_264 = vector.extract %slice3A_263[0] : i32 from vector<1xi32>
      %mul3A_265 = arith.constant 16 : i32
      %mul3A_266 = arith.muli %scan3A_25, %mul3A_265 : i32
      %add3A_267 = arith.constant 13 : i32
      %add3A_268 = arith.addi %mul3A_266, %add3A_267 : i32
      %dma_start3A_269 = arith.constant 0 : i32
      %dma_start3A_270 = tpu.memref_slice %arg8[%add3A_268, %dma_start3A_269] : memref<512x16xf32, #tpu.memory_space<vmem>> -> memref<1x16xf32, #tpu.memory_space<vmem>>
      %dma_start3A_271 = tpu.memref_squeeze %dma_start3A_270 : memref<1x16xf32, #tpu.memory_space<vmem>> -> memref<16xf32, #tpu.memory_space<vmem>>
      %dma_start3A_272 = arith.constant 0 : i32
      %dma_start3A_273 = tpu.memref_slice %arg4[%squeeze3A_264, %dma_start3A_272] : memref<1000000x16xf32, #tpu.memory_space<hbm>> -> memref<1x16xf32, #tpu.memory_space<hbm>>
      %dma_start3A_274 = tpu.memref_squeeze %dma_start3A_273 : memref<1x16xf32, #tpu.memory_space<hbm>> -> memref<16xf32, #tpu.memory_space<hbm>>
      %dma_start3A_275 = arith.constant 0 : i32
      %dma_start3A_276 = tpu.memref_slice %arg8[%add3A_268, %dma_start3A_275] : memref<512x16xf32, #tpu.memory_space<vmem>> -> memref<1x16xf32, #tpu.memory_space<vmem>>
      %dma_start3A_277 = tpu.memref_squeeze %dma_start3A_276 : memref<1x16xf32, #tpu.memory_space<vmem>> -> memref<16xf32, #tpu.memory_space<vmem>>
      %dma_start3A_278 = arith.constant 0 : i32
      %dma_start3A_279 = tpu.memref_slice %arg4[%squeeze3A_264, %dma_start3A_278] : memref<1000000x16xf32, #tpu.memory_space<hbm>> -> memref<1x16xf32, #tpu.memory_space<hbm>>
      %dma_start3A_280 = tpu.memref_squeeze %dma_start3A_279 : memref<1x16xf32, #tpu.memory_space<hbm>> -> memref<16xf32, #tpu.memory_space<hbm>>
      tpu.enqueue_dma source(%dma_start3A_280 : memref<16xf32, #tpu.memory_space<hbm>>) target(%dma_start3A_277 : memref<16xf32, #tpu.memory_space<vmem>>) target_semaphore(%arg9 : memref<!tpu.dma_semaphore, #tpu.memory_space<semaphore_mem>>)
      %slice3A_281 = vector.extract_strided_slice %get3A_31 {offsets = [14], sizes = [1], strides = [1]} : vector<16xi32> to vector<1xi32>
      %squeeze3A_282 = vector.extract %slice3A_281[0] : i32 from vector<1xi32>
      %mul3A_283 = arith.constant 16 : i32
      %mul3A_284 = arith.muli %scan3A_25, %mul3A_283 : i32
      %add3A_285 = arith.constant 14 : i32
      %add3A_286 = arith.addi %mul3A_284, %add3A_285 : i32
      %dma_start3A_287 = arith.constant 0 : i32
      %dma_start3A_288 = tpu.memref_slice %arg8[%add3A_286, %dma_start3A_287] : memref<512x16xf32, #tpu.memory_space<vmem>> -> memref<1x16xf32, #tpu.memory_space<vmem>>
      %dma_start3A_289 = tpu.memref_squeeze %dma_start3A_288 : memref<1x16xf32, #tpu.memory_space<vmem>> -> memref<16xf32, #tpu.memory_space<vmem>>
      %dma_start3A_290 = arith.constant 0 : i32
      %dma_start3A_291 = tpu.memref_slice %arg4[%squeeze3A_282, %dma_start3A_290] : memref<1000000x16xf32, #tpu.memory_space<hbm>> -> memref<1x16xf32, #tpu.memory_space<hbm>>
      %dma_start3A_292 = tpu.memref_squeeze %dma_start3A_291 : memref<1x16xf32, #tpu.memory_space<hbm>> -> memref<16xf32, #tpu.memory_space<hbm>>
      %dma_start3A_293 = arith.constant 0 : i32
      %dma_start3A_294 = tpu.memref_slice %arg8[%add3A_286, %dma_start3A_293] : memref<512x16xf32, #tpu.memory_space<vmem>> -> memref<1x16xf32, #tpu.memory_space<vmem>>
      %dma_start3A_295 = tpu.memref_squeeze %dma_start3A_294 : memref<1x16xf32, #tpu.memory_space<vmem>> -> memref<16xf32, #tpu.memory_space<vmem>>
      %dma_start3A_296 = arith.constant 0 : i32
      %dma_start3A_297 = tpu.memref_slice %arg4[%squeeze3A_282, %dma_start3A_296] : memref<1000000x16xf32, #tpu.memory_space<hbm>> -> memref<1x16xf32, #tpu.memory_space<hbm>>
      %dma_start3A_298 = tpu.memref_squeeze %dma_start3A_297 : memref<1x16xf32, #tpu.memory_space<hbm>> -> memref<16xf32, #tpu.memory_space<hbm>>
      tpu.enqueue_dma source(%dma_start3A_298 : memref<16xf32, #tpu.memory_space<hbm>>) target(%dma_start3A_295 : memref<16xf32, #tpu.memory_space<vmem>>) target_semaphore(%arg9 : memref<!tpu.dma_semaphore, #tpu.memory_space<semaphore_mem>>)
      %slice3A_299 = vector.extract_strided_slice %get3A_31 {offsets = [15], sizes = [1], strides = [1]} : vector<16xi32> to vector<1xi32>
      %squeeze3A_300 = vector.extract %slice3A_299[0] : i32 from vector<1xi32>
      %mul3A_301 = arith.constant 16 : i32
      %mul3A_302 = arith.muli %scan3A_25, %mul3A_301 : i32
      %add3A_303 = arith.constant 15 : i32
      %add3A_304 = arith.addi %mul3A_302, %add3A_303 : i32
      %dma_start3A_305 = arith.constant 0 : i32
      %dma_start3A_306 = tpu.memref_slice %arg8[%add3A_304, %dma_start3A_305] : memref<512x16xf32, #tpu.memory_space<vmem>> -> memref<1x16xf32, #tpu.memory_space<vmem>>
      %dma_start3A_307 = tpu.memref_squeeze %dma_start3A_306 : memref<1x16xf32, #tpu.memory_space<vmem>> -> memref<16xf32, #tpu.memory_space<vmem>>
      %dma_start3A_308 = arith.constant 0 : i32
      %dma_start3A_309 = tpu.memref_slice %arg4[%squeeze3A_300, %dma_start3A_308] : memref<1000000x16xf32, #tpu.memory_space<hbm>> -> memref<1x16xf32, #tpu.memory_space<hbm>>
      %dma_start3A_310 = tpu.memref_squeeze %dma_start3A_309 : memref<1x16xf32, #tpu.memory_space<hbm>> -> memref<16xf32, #tpu.memory_space<hbm>>
      %dma_start3A_311 = arith.constant 0 : i32
      %dma_start3A_312 = tpu.memref_slice %arg8[%add3A_304, %dma_start3A_311] : memref<512x16xf32, #tpu.memory_space<vmem>> -> memref<1x16xf32, #tpu.memory_space<vmem>>
      %dma_start3A_313 = tpu.memref_squeeze %dma_start3A_312 : memref<1x16xf32, #tpu.memory_space<vmem>> -> memref<16xf32, #tpu.memory_space<vmem>>
      %dma_start3A_314 = arith.constant 0 : i32
      %dma_start3A_315 = tpu.memref_slice %arg4[%squeeze3A_300, %dma_start3A_314] : memref<1000000x16xf32, #tpu.memory_space<hbm>> -> memref<1x16xf32, #tpu.memory_space<hbm>>
      %dma_start3A_316 = tpu.memref_squeeze %dma_start3A_315 : memref<1x16xf32, #tpu.memory_space<hbm>> -> memref<16xf32, #tpu.memory_space<hbm>>
      tpu.enqueue_dma source(%dma_start3A_316 : memref<16xf32, #tpu.memory_space<hbm>>) target(%dma_start3A_313 : memref<16xf32, #tpu.memory_space<vmem>>) target_semaphore(%arg9 : memref<!tpu.dma_semaphore, #tpu.memory_space<semaphore_mem>>)
    }
    %scan3A_18 = arith.constant 32 : i32
    %dma_wait3A_19 = arith.constant 0 : i32
    %dma_wait3A_20 = arith.constant 0 : i32
    %dma_wait3A_21 = tpu.memref_slice %arg4[%dma_wait3A_19, %dma_wait3A_20] : memref<1000000x16xf32, #tpu.memory_space<hbm>> -> memref<512x16xf32, #tpu.memory_space<hbm>>
    %dma_wait3A_22 = arith.constant 0 : i32
    %dma_wait3A_23 = arith.constant 0 : i32
    %dma_wait3A_24 = tpu.memref_slice %arg4[%dma_wait3A_22, %dma_wait3A_23] : memref<1000000x16xf32, #tpu.memory_space<hbm>> -> memref<512x16xf32, #tpu.memory_space<hbm>>
    tpu.wait_dma2 semaphore(%arg9 : memref<!tpu.dma_semaphore, #tpu.memory_space<semaphore_mem>>) src(%dma_wait3A_24 : memref<512x16xf32, #tpu.memory_space<hbm>>) dst(%arg8 : memref<512x16xf32, #tpu.memory_space<vmem>>)
    "tpu.region"() ({
      %run_scoped3A = tpu.sem_alloc : memref<!tpu.dma_semaphore, #tpu.memory_space<semaphore_mem>>
      %dma_start3A = arith.constant 0 : i32
      %dma_start3A_25 = tpu.memref_slice %arg6[%mul3A_2, %dma_start3A] : memref<16384x16xf32, #tpu.memory_space<hbm>> -> memref<512x16xf32, #tpu.memory_space<hbm>>
      %dma_start3A_26 = arith.constant 0 : i32
      %dma_start3A_27 = tpu.memref_slice %arg6[%mul3A_2, %dma_start3A_26] : memref<16384x16xf32, #tpu.memory_space<hbm>> -> memref<512x16xf32, #tpu.memory_space<hbm>>
      tpu.enqueue_dma source(%arg8 : memref<512x16xf32, #tpu.memory_space<vmem>>) target(%dma_start3A_27 : memref<512x16xf32, #tpu.memory_space<hbm>>) target_semaphore(%run_scoped3A : memref<!tpu.dma_semaphore, #tpu.memory_space<semaphore_mem>>)
      %dma_wait3A_28 = arith.constant 0 : i32
      %dma_wait3A_29 = tpu.memref_slice %arg6[%mul3A_2, %dma_wait3A_28] : memref<16384x16xf32, #tpu.memory_space<hbm>> -> memref<512x16xf32, #tpu.memory_space<hbm>>
      %dma_wait3A_30 = arith.constant 0 : i32
      %dma_wait3A_31 = tpu.memref_slice %arg6[%mul3A_2, %dma_wait3A_30] : memref<16384x16xf32, #tpu.memory_space<hbm>> -> memref<512x16xf32, #tpu.memory_space<hbm>>
      tpu.wait_dma2 semaphore(%run_scoped3A : memref<!tpu.dma_semaphore, #tpu.memory_space<semaphore_mem>>) src(%arg8 : memref<512x16xf32, #tpu.memory_space<vmem>>) dst(%dma_wait3A_31 : memref<512x16xf32, #tpu.memory_space<hbm>>)
      tpu.yield
    }) : () -> ()
    return
  }
}

#map = affine_map<(d0, d1) -> (0, 0)>
#map1 = affine_map<(d0, d1) -> (0)>
module attributes {stable_mosaic.version = 14 : i64} {
  func.func @_hist_body(%arg0: i32, %arg1: i32, %arg2: memref<32x25600xi32, #tpu.memory_space<hbm>>, %arg3: memref<32x512xf32, #tpu.memory_space<hbm>>, %arg4: memref<16xf32, #tpu.memory_space<hbm>>, %arg5: memref<1000000x16xf32, #tpu.memory_space<hbm>>, %arg6: memref<16384x16xf32, #tpu.memory_space<hbm>>, %arg7: memref<16384x16xf32, #tpu.memory_space<hbm>>, %arg8: memref<25600xi32, #tpu.memory_space<vmem>>, %arg9: memref<1600x16xf32, #tpu.memory_space<vmem>>, %arg10: memref<1600x16xf32, #tpu.memory_space<vmem>>, %arg11: memref<512x16xf32, #tpu.memory_space<vmem>>, %arg12: memref<512x16xf32, #tpu.memory_space<vmem>>, %arg13: memref<512xf32, #tpu.memory_space<vmem>>, %arg14: memref<16xf32, #tpu.memory_space<vmem>>, %arg15: memref<!tpu.dma_semaphore, #tpu.memory_space<semaphore_mem>>, %arg16: memref<!tpu.dma_semaphore, #tpu.memory_space<semaphore_mem>>) attributes {dimension_semantics = [#tpu.dimension_semantics<core_parallel>, #tpu.dimension_semantics<subcore_parallel>], iteration_bounds = array<i64: 2, 16>, scalar_prefetch = 0 : i64, scratch_operands = 9 : i64, tpu.core_type = #tpu.core_type<sc_vector_subcore>, window_params = [{transform_indices = #map}, {transform_indices = #map}, {transform_indices = #map1}, {transform_indices = #map}, {transform_indices = #map}, {transform_indices = #map}]} {
    %mul3A = arith.constant 2 : i32
    %mul3A_0 = arith.muli %arg1, %mul3A : i32
    %add3A = arith.addi %mul3A_0, %arg0 : i32
    %mul3A_1 = arith.constant 512 : i32
    %mul3A_2 = arith.muli %add3A, %mul3A_1 : i32
    "tpu.region"() ({
      %run_scoped3A = tpu.sem_alloc : memref<!tpu.dma_semaphore, #tpu.memory_space<semaphore_mem>>
      %dma_start3A = arith.constant 0 : i32
      %dma_start3A_28 = tpu.memref_slice %arg2[%add3A, %dma_start3A] : memref<32x25600xi32, #tpu.memory_space<hbm>> -> memref<1x25600xi32, #tpu.memory_space<hbm>>
      %dma_start3A_29 = tpu.memref_squeeze %dma_start3A_28 : memref<1x25600xi32, #tpu.memory_space<hbm>> -> memref<25600xi32, #tpu.memory_space<hbm>>
      %dma_start3A_30 = arith.constant 0 : i32
      %dma_start3A_31 = tpu.memref_slice %arg2[%add3A, %dma_start3A_30] : memref<32x25600xi32, #tpu.memory_space<hbm>> -> memref<1x25600xi32, #tpu.memory_space<hbm>>
      %dma_start3A_32 = tpu.memref_squeeze %dma_start3A_31 : memref<1x25600xi32, #tpu.memory_space<hbm>> -> memref<25600xi32, #tpu.memory_space<hbm>>
      tpu.enqueue_dma source(%dma_start3A_32 : memref<25600xi32, #tpu.memory_space<hbm>>) target(%arg8 : memref<25600xi32, #tpu.memory_space<vmem>>) target_semaphore(%run_scoped3A : memref<!tpu.dma_semaphore, #tpu.memory_space<semaphore_mem>>)
      %dma_wait3A = arith.constant 0 : i32
      %dma_wait3A_33 = tpu.memref_slice %arg2[%add3A, %dma_wait3A] : memref<32x25600xi32, #tpu.memory_space<hbm>> -> memref<1x25600xi32, #tpu.memory_space<hbm>>
      %dma_wait3A_34 = tpu.memref_squeeze %dma_wait3A_33 : memref<1x25600xi32, #tpu.memory_space<hbm>> -> memref<25600xi32, #tpu.memory_space<hbm>>
      %dma_wait3A_35 = arith.constant 0 : i32
      %dma_wait3A_36 = tpu.memref_slice %arg2[%add3A, %dma_wait3A_35] : memref<32x25600xi32, #tpu.memory_space<hbm>> -> memref<1x25600xi32, #tpu.memory_space<hbm>>
      %dma_wait3A_37 = tpu.memref_squeeze %dma_wait3A_36 : memref<1x25600xi32, #tpu.memory_space<hbm>> -> memref<25600xi32, #tpu.memory_space<hbm>>
      tpu.wait_dma2 semaphore(%run_scoped3A : memref<!tpu.dma_semaphore, #tpu.memory_space<semaphore_mem>>) src(%dma_wait3A_37 : memref<25600xi32, #tpu.memory_space<hbm>>) dst(%arg8 : memref<25600xi32, #tpu.memory_space<vmem>>)
      tpu.yield
    }) : () -> ()
    "tpu.region"() ({
      %run_scoped3A = tpu.sem_alloc : memref<!tpu.dma_semaphore, #tpu.memory_space<semaphore_mem>>
      %dma_start3A = arith.constant 0 : i32
      %dma_start3A_28 = tpu.memref_slice %arg3[%add3A, %dma_start3A] : memref<32x512xf32, #tpu.memory_space<hbm>> -> memref<1x512xf32, #tpu.memory_space<hbm>>
      %dma_start3A_29 = tpu.memref_squeeze %dma_start3A_28 : memref<1x512xf32, #tpu.memory_space<hbm>> -> memref<512xf32, #tpu.memory_space<hbm>>
      %dma_start3A_30 = arith.constant 0 : i32
      %dma_start3A_31 = tpu.memref_slice %arg3[%add3A, %dma_start3A_30] : memref<32x512xf32, #tpu.memory_space<hbm>> -> memref<1x512xf32, #tpu.memory_space<hbm>>
      %dma_start3A_32 = tpu.memref_squeeze %dma_start3A_31 : memref<1x512xf32, #tpu.memory_space<hbm>> -> memref<512xf32, #tpu.memory_space<hbm>>
      tpu.enqueue_dma source(%dma_start3A_32 : memref<512xf32, #tpu.memory_space<hbm>>) target(%arg13 : memref<512xf32, #tpu.memory_space<vmem>>) target_semaphore(%run_scoped3A : memref<!tpu.dma_semaphore, #tpu.memory_space<semaphore_mem>>)
      %dma_wait3A = arith.constant 0 : i32
      %dma_wait3A_33 = tpu.memref_slice %arg3[%add3A, %dma_wait3A] : memref<32x512xf32, #tpu.memory_space<hbm>> -> memref<1x512xf32, #tpu.memory_space<hbm>>
      %dma_wait3A_34 = tpu.memref_squeeze %dma_wait3A_33 : memref<1x512xf32, #tpu.memory_space<hbm>> -> memref<512xf32, #tpu.memory_space<hbm>>
      %dma_wait3A_35 = arith.constant 0 : i32
      %dma_wait3A_36 = tpu.memref_slice %arg3[%add3A, %dma_wait3A_35] : memref<32x512xf32, #tpu.memory_space<hbm>> -> memref<1x512xf32, #tpu.memory_space<hbm>>
      %dma_wait3A_37 = tpu.memref_squeeze %dma_wait3A_36 : memref<1x512xf32, #tpu.memory_space<hbm>> -> memref<512xf32, #tpu.memory_space<hbm>>
      tpu.wait_dma2 semaphore(%run_scoped3A : memref<!tpu.dma_semaphore, #tpu.memory_space<semaphore_mem>>) src(%dma_wait3A_37 : memref<512xf32, #tpu.memory_space<hbm>>) dst(%arg13 : memref<512xf32, #tpu.memory_space<vmem>>)
      tpu.yield
    }) : () -> ()
    "tpu.region"() ({
      %run_scoped3A = tpu.sem_alloc : memref<!tpu.dma_semaphore, #tpu.memory_space<semaphore_mem>>
      tpu.enqueue_dma source(%arg4 : memref<16xf32, #tpu.memory_space<hbm>>) target(%arg14 : memref<16xf32, #tpu.memory_space<vmem>>) target_semaphore(%run_scoped3A : memref<!tpu.dma_semaphore, #tpu.memory_space<semaphore_mem>>)
      tpu.wait_dma2 semaphore(%run_scoped3A : memref<!tpu.dma_semaphore, #tpu.memory_space<semaphore_mem>>) src(%arg4 : memref<16xf32, #tpu.memory_space<hbm>>) dst(%arg14 : memref<16xf32, #tpu.memory_space<vmem>>)
      tpu.yield
    }) : () -> ()
    %scan3A = arith.constant 0 : i32
    %scan3A_3 = arith.constant 0 : i32
    %scan3A_4 = arith.constant 100 : i32
    %scan3A_5 = arith.addi %scan3A_3, %scan3A_4 : i32
    %scan3A_6 = arith.constant 1 : i32
    scf.for %scan3A_28 = %scan3A_3 to %scan3A_5 step %scan3A_6  : i32 {
      %mul3A_29 = arith.constant 16 : i32
      %mul3A_30 = arith.muli %scan3A_28, %mul3A_29 : i32
      %add3A_31 = arith.constant 0 : i32
      %add3A_32 = arith.addi %add3A_31, %mul3A_30 : i32
      %get3A_33 = arith.index_cast %add3A_32 : i32 to index
      %get3A_34 = tpu.vector_load %arg8[%get3A_33] {strides = array<i32>} : memref<25600xi32, #tpu.memory_space<vmem>>, vector<16xi32>,
      %get3A_35 = vector.shape_cast %get3A_34 : vector<16xi32> to vector<16xi32>
      %mul3A_36 = arith.constant 16 : i32
      %mul3A_37 = arith.muli %scan3A_28, %mul3A_36 : i32
      %dma_start3A = arith.constant 0 : i32
      %dma_start3A_38 = tpu.memref_slice %arg9[%mul3A_37, %dma_start3A] : memref<1600x16xf32, #tpu.memory_space<vmem>> -> memref<16x16xf32, #tpu.memory_space<vmem>>
      %dma_start3A_39 = arith.constant 0 : i32
      %dma_start3A_40 = arith.constant 0 : i32
      %dma_start3A_41 = tpu.memref_slice %arg5[%dma_start3A_39, %dma_start3A_40] : memref<1000000x16xf32, #tpu.memory_space<hbm>> -> memref<1000000x16xf32, #tpu.memory_space<hbm>>
      tpu.enqueue_indirect_dma source(%dma_start3A_41 : memref<1000000x16xf32, #tpu.memory_space<hbm>>) target(%dma_start3A_38 : memref<16x16xf32, #tpu.memory_space<vmem>>) offsets(%get3A_35 : vector<16xi32>) semaphore(%arg15 : memref<!tpu.dma_semaphore, #tpu.memory_space<semaphore_mem>>)
    }
    %scan3A_7 = arith.constant 100 : i32
    %scan3A_8 = arith.constant 0 : i32
    %scan3A_9 = arith.constant 0 : i32
    %scan3A_10 = arith.constant 100 : i32
    %scan3A_11 = arith.addi %scan3A_9, %scan3A_10 : i32
    %scan3A_12 = arith.constant 1 : i32
    scf.for %scan3A_28 = %scan3A_9 to %scan3A_11 step %scan3A_12  : i32 {
      %mul3A_29 = arith.constant 16 : i32
      %mul3A_30 = arith.muli %scan3A_28, %mul3A_29 : i32
      %add3A_31 = arith.constant 1600 : i32
      %add3A_32 = arith.addi %add3A_31, %mul3A_30 : i32
      %get3A_33 = arith.index_cast %add3A_32 : i32 to index
      %get3A_34 = tpu.vector_load %arg8[%get3A_33] {strides = array<i32>} : memref<25600xi32, #tpu.memory_space<vmem>>, vector<16xi32>,
      %get3A_35 = vector.shape_cast %get3A_34 : vector<16xi32> to vector<16xi32>
      %mul3A_36 = arith.constant 16 : i32
      %mul3A_37 = arith.muli %scan3A_28, %mul3A_36 : i32
      %dma_start3A = arith.constant 0 : i32
      %dma_start3A_38 = tpu.memref_slice %arg10[%mul3A_37, %dma_start3A] : memref<1600x16xf32, #tpu.memory_space<vmem>> -> memref<16x16xf32, #tpu.memory_space<vmem>>
      %dma_start3A_39 = arith.constant 0 : i32
      %dma_start3A_40 = arith.constant 0 : i32
      %dma_start3A_41 = tpu.memref_slice %arg5[%dma_start3A_39, %dma_start3A_40] : memref<1000000x16xf32, #tpu.memory_space<hbm>> -> memref<1000000x16xf32, #tpu.memory_space<hbm>>
      tpu.enqueue_indirect_dma source(%dma_start3A_41 : memref<1000000x16xf32, #tpu.memory_space<hbm>>) target(%dma_start3A_38 : memref<16x16xf32, #tpu.memory_space<vmem>>) offsets(%get3A_35 : vector<16xi32>) semaphore(%arg16 : memref<!tpu.dma_semaphore, #tpu.memory_space<semaphore_mem>>)
    }
    %scan3A_13 = arith.constant 100 : i32
    %get3A = arith.constant 0 : index
    %get3A_14 = tpu.vector_load %arg14[%get3A] {strides = array<i32>} : memref<16xf32, #tpu.memory_space<vmem>>, vector<16xf32>,
    %get3A_15 = vector.shape_cast %get3A_14 : vector<16xf32> to vector<16xf32>
    %scan3A_16 = arith.constant 0 : i32
    %scan3A_17 = arith.constant 0 : i32
    %scan3A_18 = arith.constant 32 : i32
    %scan3A_19 = arith.addi %scan3A_17, %scan3A_18 : i32
    %scan3A_20 = arith.constant 1 : i32
    scf.for %scan3A_28 = %scan3A_17 to %scan3A_19 step %scan3A_20  : i32 {
      %mul3A_29 = arith.constant 16 : i32
      %mul3A_30 = arith.muli %scan3A_28, %mul3A_29 : i32
      %get3A_31 = arith.index_cast %mul3A_30 : i32 to index
      %get3A_32 = tpu.vector_load %arg13[%get3A_31] {strides = array<i32>} : memref<512xf32, #tpu.memory_space<vmem>>, vector<16xf32>,
      %get3A_33 = vector.shape_cast %get3A_32 : vector<16xf32> to vector<16xf32>
      %slice3A = vector.extract_strided_slice %get3A_33 {offsets = [0], sizes = [1], strides = [1]} : vector<16xf32> to vector<1xf32>
      %squeeze3A = vector.extract %slice3A[0] : f32 from vector<1xf32>
      %mul3A_34 = vector.broadcast %squeeze3A : f32 to vector<16xf32>
      %mul3A_35 = arith.mulf %get3A_15, %mul3A_34 : vector<16xf32>
      %mul3A_36 = arith.constant 16 : i32
      %mul3A_37 = arith.muli %scan3A_28, %mul3A_36 : i32
      %add3A_38 = arith.constant 0 : i32
      %add3A_39 = arith.addi %mul3A_37, %add3A_38 : i32
      %swap3A = arith.index_cast %add3A_39 : i32 to index
      %swap3A_40 = arith.constant 0 : index
      %swap3A_41 = tpu.vector_load %arg12[%swap3A, %swap3A_40] {strides = array<i32>} : memref<512x16xf32, #tpu.memory_space<vmem>>, vector<1x16xf32>,
      %swap3A_42 = vector.shape_cast %swap3A_41 : vector<1x16xf32> to vector<16xf32>
      %swap3A_43 = vector.shape_cast %mul3A_35 : vector<16xf32> to vector<1x16xf32>
      tpu.vector_store %arg12[%swap3A, %swap3A_40], %swap3A_43 {strides = array<i32>} : memref<512x16xf32, #tpu.memory_space<vmem>>, vector<1x16xf32>,
      %slice3A_44 = vector.extract_strided_slice %get3A_33 {offsets = [1], sizes = [1], strides = [1]} : vector<16xf32> to vector<1xf32>
      %squeeze3A_45 = vector.extract %slice3A_44[0] : f32 from vector<1xf32>
      %mul3A_46 = vector.broadcast %squeeze3A_45 : f32 to vector<16xf32>
      %mul3A_47 = arith.mulf %get3A_15, %mul3A_46 : vector<16xf32>
      %mul3A_48 = arith.constant 16 : i32
      %mul3A_49 = arith.muli %scan3A_28, %mul3A_48 : i32
      %add3A_50 = arith.constant 1 : i32
      %add3A_51 = arith.addi %mul3A_49, %add3A_50 : i32
      %swap3A_52 = arith.index_cast %add3A_51 : i32 to index
      %swap3A_53 = arith.constant 0 : index
      %swap3A_54 = tpu.vector_load %arg12[%swap3A_52, %swap3A_53] {strides = array<i32>} : memref<512x16xf32, #tpu.memory_space<vmem>>, vector<1x16xf32>,
      %swap3A_55 = vector.shape_cast %swap3A_54 : vector<1x16xf32> to vector<16xf32>
      %swap3A_56 = vector.shape_cast %mul3A_47 : vector<16xf32> to vector<1x16xf32>
      tpu.vector_store %arg12[%swap3A_52, %swap3A_53], %swap3A_56 {strides = array<i32>} : memref<512x16xf32, #tpu.memory_space<vmem>>, vector<1x16xf32>,
      %slice3A_57 = vector.extract_strided_slice %get3A_33 {offsets = [2], sizes = [1], strides = [1]} : vector<16xf32> to vector<1xf32>
      %squeeze3A_58 = vector.extract %slice3A_57[0] : f32 from vector<1xf32>
      %mul3A_59 = vector.broadcast %squeeze3A_58 : f32 to vector<16xf32>
      %mul3A_60 = arith.mulf %get3A_15, %mul3A_59 : vector<16xf32>
      %mul3A_61 = arith.constant 16 : i32
      %mul3A_62 = arith.muli %scan3A_28, %mul3A_61 : i32
      %add3A_63 = arith.constant 2 : i32
      %add3A_64 = arith.addi %mul3A_62, %add3A_63 : i32
      %swap3A_65 = arith.index_cast %add3A_64 : i32 to index
      %swap3A_66 = arith.constant 0 : index
      %swap3A_67 = tpu.vector_load %arg12[%swap3A_65, %swap3A_66] {strides = array<i32>} : memref<512x16xf32, #tpu.memory_space<vmem>>, vector<1x16xf32>,
      %swap3A_68 = vector.shape_cast %swap3A_67 : vector<1x16xf32> to vector<16xf32>
      %swap3A_69 = vector.shape_cast %mul3A_60 : vector<16xf32> to vector<1x16xf32>
      tpu.vector_store %arg12[%swap3A_65, %swap3A_66], %swap3A_69 {strides = array<i32>} : memref<512x16xf32, #tpu.memory_space<vmem>>, vector<1x16xf32>,
      %slice3A_70 = vector.extract_strided_slice %get3A_33 {offsets = [3], sizes = [1], strides = [1]} : vector<16xf32> to vector<1xf32>
      %squeeze3A_71 = vector.extract %slice3A_70[0] : f32 from vector<1xf32>
      %mul3A_72 = vector.broadcast %squeeze3A_71 : f32 to vector<16xf32>
      %mul3A_73 = arith.mulf %get3A_15, %mul3A_72 : vector<16xf32>
      %mul3A_74 = arith.constant 16 : i32
      %mul3A_75 = arith.muli %scan3A_28, %mul3A_74 : i32
      %add3A_76 = arith.constant 3 : i32
      %add3A_77 = arith.addi %mul3A_75, %add3A_76 : i32
      %swap3A_78 = arith.index_cast %add3A_77 : i32 to index
      %swap3A_79 = arith.constant 0 : index
      %swap3A_80 = tpu.vector_load %arg12[%swap3A_78, %swap3A_79] {strides = array<i32>} : memref<512x16xf32, #tpu.memory_space<vmem>>, vector<1x16xf32>,
      %swap3A_81 = vector.shape_cast %swap3A_80 : vector<1x16xf32> to vector<16xf32>
      %swap3A_82 = vector.shape_cast %mul3A_73 : vector<16xf32> to vector<1x16xf32>
      tpu.vector_store %arg12[%swap3A_78, %swap3A_79], %swap3A_82 {strides = array<i32>} : memref<512x16xf32, #tpu.memory_space<vmem>>, vector<1x16xf32>,
      %slice3A_83 = vector.extract_strided_slice %get3A_33 {offsets = [4], sizes = [1], strides = [1]} : vector<16xf32> to vector<1xf32>
      %squeeze3A_84 = vector.extract %slice3A_83[0] : f32 from vector<1xf32>
      %mul3A_85 = vector.broadcast %squeeze3A_84 : f32 to vector<16xf32>
      %mul3A_86 = arith.mulf %get3A_15, %mul3A_85 : vector<16xf32>
      %mul3A_87 = arith.constant 16 : i32
      %mul3A_88 = arith.muli %scan3A_28, %mul3A_87 : i32
      %add3A_89 = arith.constant 4 : i32
      %add3A_90 = arith.addi %mul3A_88, %add3A_89 : i32
      %swap3A_91 = arith.index_cast %add3A_90 : i32 to index
      %swap3A_92 = arith.constant 0 : index
      %swap3A_93 = tpu.vector_load %arg12[%swap3A_91, %swap3A_92] {strides = array<i32>} : memref<512x16xf32, #tpu.memory_space<vmem>>, vector<1x16xf32>,
      %swap3A_94 = vector.shape_cast %swap3A_93 : vector<1x16xf32> to vector<16xf32>
      %swap3A_95 = vector.shape_cast %mul3A_86 : vector<16xf32> to vector<1x16xf32>
      tpu.vector_store %arg12[%swap3A_91, %swap3A_92], %swap3A_95 {strides = array<i32>} : memref<512x16xf32, #tpu.memory_space<vmem>>, vector<1x16xf32>,
      %slice3A_96 = vector.extract_strided_slice %get3A_33 {offsets = [5], sizes = [1], strides = [1]} : vector<16xf32> to vector<1xf32>
      %squeeze3A_97 = vector.extract %slice3A_96[0] : f32 from vector<1xf32>
      %mul3A_98 = vector.broadcast %squeeze3A_97 : f32 to vector<16xf32>
      %mul3A_99 = arith.mulf %get3A_15, %mul3A_98 : vector<16xf32>
      %mul3A_100 = arith.constant 16 : i32
      %mul3A_101 = arith.muli %scan3A_28, %mul3A_100 : i32
      %add3A_102 = arith.constant 5 : i32
      %add3A_103 = arith.addi %mul3A_101, %add3A_102 : i32
      %swap3A_104 = arith.index_cast %add3A_103 : i32 to index
      %swap3A_105 = arith.constant 0 : index
      %swap3A_106 = tpu.vector_load %arg12[%swap3A_104, %swap3A_105] {strides = array<i32>} : memref<512x16xf32, #tpu.memory_space<vmem>>, vector<1x16xf32>,
      %swap3A_107 = vector.shape_cast %swap3A_106 : vector<1x16xf32> to vector<16xf32>
      %swap3A_108 = vector.shape_cast %mul3A_99 : vector<16xf32> to vector<1x16xf32>
      tpu.vector_store %arg12[%swap3A_104, %swap3A_105], %swap3A_108 {strides = array<i32>} : memref<512x16xf32, #tpu.memory_space<vmem>>, vector<1x16xf32>,
      %slice3A_109 = vector.extract_strided_slice %get3A_33 {offsets = [6], sizes = [1], strides = [1]} : vector<16xf32> to vector<1xf32>
      %squeeze3A_110 = vector.extract %slice3A_109[0] : f32 from vector<1xf32>
      %mul3A_111 = vector.broadcast %squeeze3A_110 : f32 to vector<16xf32>
      %mul3A_112 = arith.mulf %get3A_15, %mul3A_111 : vector<16xf32>
      %mul3A_113 = arith.constant 16 : i32
      %mul3A_114 = arith.muli %scan3A_28, %mul3A_113 : i32
      %add3A_115 = arith.constant 6 : i32
      %add3A_116 = arith.addi %mul3A_114, %add3A_115 : i32
      %swap3A_117 = arith.index_cast %add3A_116 : i32 to index
      %swap3A_118 = arith.constant 0 : index
      %swap3A_119 = tpu.vector_load %arg12[%swap3A_117, %swap3A_118] {strides = array<i32>} : memref<512x16xf32, #tpu.memory_space<vmem>>, vector<1x16xf32>,
      %swap3A_120 = vector.shape_cast %swap3A_119 : vector<1x16xf32> to vector<16xf32>
      %swap3A_121 = vector.shape_cast %mul3A_112 : vector<16xf32> to vector<1x16xf32>
      tpu.vector_store %arg12[%swap3A_117, %swap3A_118], %swap3A_121 {strides = array<i32>} : memref<512x16xf32, #tpu.memory_space<vmem>>, vector<1x16xf32>,
      %slice3A_122 = vector.extract_strided_slice %get3A_33 {offsets = [7], sizes = [1], strides = [1]} : vector<16xf32> to vector<1xf32>
      %squeeze3A_123 = vector.extract %slice3A_122[0] : f32 from vector<1xf32>
      %mul3A_124 = vector.broadcast %squeeze3A_123 : f32 to vector<16xf32>
      %mul3A_125 = arith.mulf %get3A_15, %mul3A_124 : vector<16xf32>
      %mul3A_126 = arith.constant 16 : i32
      %mul3A_127 = arith.muli %scan3A_28, %mul3A_126 : i32
      %add3A_128 = arith.constant 7 : i32
      %add3A_129 = arith.addi %mul3A_127, %add3A_128 : i32
      %swap3A_130 = arith.index_cast %add3A_129 : i32 to index
      %swap3A_131 = arith.constant 0 : index
      %swap3A_132 = tpu.vector_load %arg12[%swap3A_130, %swap3A_131] {strides = array<i32>} : memref<512x16xf32, #tpu.memory_space<vmem>>, vector<1x16xf32>,
      %swap3A_133 = vector.shape_cast %swap3A_132 : vector<1x16xf32> to vector<16xf32>
      %swap3A_134 = vector.shape_cast %mul3A_125 : vector<16xf32> to vector<1x16xf32>
      tpu.vector_store %arg12[%swap3A_130, %swap3A_131], %swap3A_134 {strides = array<i32>} : memref<512x16xf32, #tpu.memory_space<vmem>>, vector<1x16xf32>,
      %slice3A_135 = vector.extract_strided_slice %get3A_33 {offsets = [8], sizes = [1], strides = [1]} : vector<16xf32> to vector<1xf32>
      %squeeze3A_136 = vector.extract %slice3A_135[0] : f32 from vector<1xf32>
      %mul3A_137 = vector.broadcast %squeeze3A_136 : f32 to vector<16xf32>
      %mul3A_138 = arith.mulf %get3A_15, %mul3A_137 : vector<16xf32>
      %mul3A_139 = arith.constant 16 : i32
      %mul3A_140 = arith.muli %scan3A_28, %mul3A_139 : i32
      %add3A_141 = arith.constant 8 : i32
      %add3A_142 = arith.addi %mul3A_140, %add3A_141 : i32
      %swap3A_143 = arith.index_cast %add3A_142 : i32 to index
      %swap3A_144 = arith.constant 0 : index
      %swap3A_145 = tpu.vector_load %arg12[%swap3A_143, %swap3A_144] {strides = array<i32>} : memref<512x16xf32, #tpu.memory_space<vmem>>, vector<1x16xf32>,
      %swap3A_146 = vector.shape_cast %swap3A_145 : vector<1x16xf32> to vector<16xf32>
      %swap3A_147 = vector.shape_cast %mul3A_138 : vector<16xf32> to vector<1x16xf32>
      tpu.vector_store %arg12[%swap3A_143, %swap3A_144], %swap3A_147 {strides = array<i32>} : memref<512x16xf32, #tpu.memory_space<vmem>>, vector<1x16xf32>,
      %slice3A_148 = vector.extract_strided_slice %get3A_33 {offsets = [9], sizes = [1], strides = [1]} : vector<16xf32> to vector<1xf32>
      %squeeze3A_149 = vector.extract %slice3A_148[0] : f32 from vector<1xf32>
      %mul3A_150 = vector.broadcast %squeeze3A_149 : f32 to vector<16xf32>
      %mul3A_151 = arith.mulf %get3A_15, %mul3A_150 : vector<16xf32>
      %mul3A_152 = arith.constant 16 : i32
      %mul3A_153 = arith.muli %scan3A_28, %mul3A_152 : i32
      %add3A_154 = arith.constant 9 : i32
      %add3A_155 = arith.addi %mul3A_153, %add3A_154 : i32
      %swap3A_156 = arith.index_cast %add3A_155 : i32 to index
      %swap3A_157 = arith.constant 0 : index
      %swap3A_158 = tpu.vector_load %arg12[%swap3A_156, %swap3A_157] {strides = array<i32>} : memref<512x16xf32, #tpu.memory_space<vmem>>, vector<1x16xf32>,
      %swap3A_159 = vector.shape_cast %swap3A_158 : vector<1x16xf32> to vector<16xf32>
      %swap3A_160 = vector.shape_cast %mul3A_151 : vector<16xf32> to vector<1x16xf32>
      tpu.vector_store %arg12[%swap3A_156, %swap3A_157], %swap3A_160 {strides = array<i32>} : memref<512x16xf32, #tpu.memory_space<vmem>>, vector<1x16xf32>,
      %slice3A_161 = vector.extract_strided_slice %get3A_33 {offsets = [10], sizes = [1], strides = [1]} : vector<16xf32> to vector<1xf32>
      %squeeze3A_162 = vector.extract %slice3A_161[0] : f32 from vector<1xf32>
      %mul3A_163 = vector.broadcast %squeeze3A_162 : f32 to vector<16xf32>
      %mul3A_164 = arith.mulf %get3A_15, %mul3A_163 : vector<16xf32>
      %mul3A_165 = arith.constant 16 : i32
      %mul3A_166 = arith.muli %scan3A_28, %mul3A_165 : i32
      %add3A_167 = arith.constant 10 : i32
      %add3A_168 = arith.addi %mul3A_166, %add3A_167 : i32
      %swap3A_169 = arith.index_cast %add3A_168 : i32 to index
      %swap3A_170 = arith.constant 0 : index
      %swap3A_171 = tpu.vector_load %arg12[%swap3A_169, %swap3A_170] {strides = array<i32>} : memref<512x16xf32, #tpu.memory_space<vmem>>, vector<1x16xf32>,
      %swap3A_172 = vector.shape_cast %swap3A_171 : vector<1x16xf32> to vector<16xf32>
      %swap3A_173 = vector.shape_cast %mul3A_164 : vector<16xf32> to vector<1x16xf32>
      tpu.vector_store %arg12[%swap3A_169, %swap3A_170], %swap3A_173 {strides = array<i32>} : memref<512x16xf32, #tpu.memory_space<vmem>>, vector<1x16xf32>,
      %slice3A_174 = vector.extract_strided_slice %get3A_33 {offsets = [11], sizes = [1], strides = [1]} : vector<16xf32> to vector<1xf32>
      %squeeze3A_175 = vector.extract %slice3A_174[0] : f32 from vector<1xf32>
      %mul3A_176 = vector.broadcast %squeeze3A_175 : f32 to vector<16xf32>
      %mul3A_177 = arith.mulf %get3A_15, %mul3A_176 : vector<16xf32>
      %mul3A_178 = arith.constant 16 : i32
      %mul3A_179 = arith.muli %scan3A_28, %mul3A_178 : i32
      %add3A_180 = arith.constant 11 : i32
      %add3A_181 = arith.addi %mul3A_179, %add3A_180 : i32
      %swap3A_182 = arith.index_cast %add3A_181 : i32 to index
      %swap3A_183 = arith.constant 0 : index
      %swap3A_184 = tpu.vector_load %arg12[%swap3A_182, %swap3A_183] {strides = array<i32>} : memref<512x16xf32, #tpu.memory_space<vmem>>, vector<1x16xf32>,
      %swap3A_185 = vector.shape_cast %swap3A_184 : vector<1x16xf32> to vector<16xf32>
      %swap3A_186 = vector.shape_cast %mul3A_177 : vector<16xf32> to vector<1x16xf32>
      tpu.vector_store %arg12[%swap3A_182, %swap3A_183], %swap3A_186 {strides = array<i32>} : memref<512x16xf32, #tpu.memory_space<vmem>>, vector<1x16xf32>,
      %slice3A_187 = vector.extract_strided_slice %get3A_33 {offsets = [12], sizes = [1], strides = [1]} : vector<16xf32> to vector<1xf32>
      %squeeze3A_188 = vector.extract %slice3A_187[0] : f32 from vector<1xf32>
      %mul3A_189 = vector.broadcast %squeeze3A_188 : f32 to vector<16xf32>
      %mul3A_190 = arith.mulf %get3A_15, %mul3A_189 : vector<16xf32>
      %mul3A_191 = arith.constant 16 : i32
      %mul3A_192 = arith.muli %scan3A_28, %mul3A_191 : i32
      %add3A_193 = arith.constant 12 : i32
      %add3A_194 = arith.addi %mul3A_192, %add3A_193 : i32
      %swap3A_195 = arith.index_cast %add3A_194 : i32 to index
      %swap3A_196 = arith.constant 0 : index
      %swap3A_197 = tpu.vector_load %arg12[%swap3A_195, %swap3A_196] {strides = array<i32>} : memref<512x16xf32, #tpu.memory_space<vmem>>, vector<1x16xf32>,
      %swap3A_198 = vector.shape_cast %swap3A_197 : vector<1x16xf32> to vector<16xf32>
      %swap3A_199 = vector.shape_cast %mul3A_190 : vector<16xf32> to vector<1x16xf32>
      tpu.vector_store %arg12[%swap3A_195, %swap3A_196], %swap3A_199 {strides = array<i32>} : memref<512x16xf32, #tpu.memory_space<vmem>>, vector<1x16xf32>,
      %slice3A_200 = vector.extract_strided_slice %get3A_33 {offsets = [13], sizes = [1], strides = [1]} : vector<16xf32> to vector<1xf32>
      %squeeze3A_201 = vector.extract %slice3A_200[0] : f32 from vector<1xf32>
      %mul3A_202 = vector.broadcast %squeeze3A_201 : f32 to vector<16xf32>
      %mul3A_203 = arith.mulf %get3A_15, %mul3A_202 : vector<16xf32>
      %mul3A_204 = arith.constant 16 : i32
      %mul3A_205 = arith.muli %scan3A_28, %mul3A_204 : i32
      %add3A_206 = arith.constant 13 : i32
      %add3A_207 = arith.addi %mul3A_205, %add3A_206 : i32
      %swap3A_208 = arith.index_cast %add3A_207 : i32 to index
      %swap3A_209 = arith.constant 0 : index
      %swap3A_210 = tpu.vector_load %arg12[%swap3A_208, %swap3A_209] {strides = array<i32>} : memref<512x16xf32, #tpu.memory_space<vmem>>, vector<1x16xf32>,
      %swap3A_211 = vector.shape_cast %swap3A_210 : vector<1x16xf32> to vector<16xf32>
      %swap3A_212 = vector.shape_cast %mul3A_203 : vector<16xf32> to vector<1x16xf32>
      tpu.vector_store %arg12[%swap3A_208, %swap3A_209], %swap3A_212 {strides = array<i32>} : memref<512x16xf32, #tpu.memory_space<vmem>>, vector<1x16xf32>,
      %slice3A_213 = vector.extract_strided_slice %get3A_33 {offsets = [14], sizes = [1], strides = [1]} : vector<16xf32> to vector<1xf32>
      %squeeze3A_214 = vector.extract %slice3A_213[0] : f32 from vector<1xf32>
      %mul3A_215 = vector.broadcast %squeeze3A_214 : f32 to vector<16xf32>
      %mul3A_216 = arith.mulf %get3A_15, %mul3A_215 : vector<16xf32>
      %mul3A_217 = arith.constant 16 : i32
      %mul3A_218 = arith.muli %scan3A_28, %mul3A_217 : i32
      %add3A_219 = arith.constant 14 : i32
      %add3A_220 = arith.addi %mul3A_218, %add3A_219 : i32
      %swap3A_221 = arith.index_cast %add3A_220 : i32 to index
      %swap3A_222 = arith.constant 0 : index
      %swap3A_223 = tpu.vector_load %arg12[%swap3A_221, %swap3A_222] {strides = array<i32>} : memref<512x16xf32, #tpu.memory_space<vmem>>, vector<1x16xf32>,
      %swap3A_224 = vector.shape_cast %swap3A_223 : vector<1x16xf32> to vector<16xf32>
      %swap3A_225 = vector.shape_cast %mul3A_216 : vector<16xf32> to vector<1x16xf32>
      tpu.vector_store %arg12[%swap3A_221, %swap3A_222], %swap3A_225 {strides = array<i32>} : memref<512x16xf32, #tpu.memory_space<vmem>>, vector<1x16xf32>,
      %slice3A_226 = vector.extract_strided_slice %get3A_33 {offsets = [15], sizes = [1], strides = [1]} : vector<16xf32> to vector<1xf32>
      %squeeze3A_227 = vector.extract %slice3A_226[0] : f32 from vector<1xf32>
      %mul3A_228 = vector.broadcast %squeeze3A_227 : f32 to vector<16xf32>
      %mul3A_229 = arith.mulf %get3A_15, %mul3A_228 : vector<16xf32>
      %mul3A_230 = arith.constant 16 : i32
      %mul3A_231 = arith.muli %scan3A_28, %mul3A_230 : i32
      %add3A_232 = arith.constant 15 : i32
      %add3A_233 = arith.addi %mul3A_231, %add3A_232 : i32
      %swap3A_234 = arith.index_cast %add3A_233 : i32 to index
      %swap3A_235 = arith.constant 0 : index
      %swap3A_236 = tpu.vector_load %arg12[%swap3A_234, %swap3A_235] {strides = array<i32>} : memref<512x16xf32, #tpu.memory_space<vmem>>, vector<1x16xf32>,
      %swap3A_237 = vector.shape_cast %swap3A_236 : vector<1x16xf32> to vector<16xf32>
      %swap3A_238 = vector.shape_cast %mul3A_229 : vector<16xf32> to vector<1x16xf32>
      tpu.vector_store %arg12[%swap3A_234, %swap3A_235], %swap3A_238 {strides = array<i32>} : memref<512x16xf32, #tpu.memory_space<vmem>>, vector<1x16xf32>,
    }
    %scan3A_21 = arith.constant 32 : i32
    "tpu.region"() ({
      %run_scoped3A = tpu.sem_alloc : memref<!tpu.dma_semaphore, #tpu.memory_space<semaphore_mem>>
      %dma_start3A = arith.constant 0 : i32
      %dma_start3A_28 = tpu.memref_slice %arg7[%mul3A_2, %dma_start3A] : memref<16384x16xf32, #tpu.memory_space<hbm>> -> memref<512x16xf32, #tpu.memory_space<hbm>>
      %dma_start3A_29 = arith.constant 0 : i32
      %dma_start3A_30 = tpu.memref_slice %arg7[%mul3A_2, %dma_start3A_29] : memref<16384x16xf32, #tpu.memory_space<hbm>> -> memref<512x16xf32, #tpu.memory_space<hbm>>
      tpu.enqueue_dma source(%arg12 : memref<512x16xf32, #tpu.memory_space<vmem>>) target(%dma_start3A_30 : memref<512x16xf32, #tpu.memory_space<hbm>>) target_semaphore(%run_scoped3A : memref<!tpu.dma_semaphore, #tpu.memory_space<semaphore_mem>>)
      %dma_wait3A = arith.constant 0 : i32
      %dma_wait3A_31 = tpu.memref_slice %arg7[%mul3A_2, %dma_wait3A] : memref<16384x16xf32, #tpu.memory_space<hbm>> -> memref<512x16xf32, #tpu.memory_space<hbm>>
      %dma_wait3A_32 = arith.constant 0 : i32
      %dma_wait3A_33 = tpu.memref_slice %arg7[%mul3A_2, %dma_wait3A_32] : memref<16384x16xf32, #tpu.memory_space<hbm>> -> memref<512x16xf32, #tpu.memory_space<hbm>>
      tpu.wait_dma2 semaphore(%run_scoped3A : memref<!tpu.dma_semaphore, #tpu.memory_space<semaphore_mem>>) src(%arg12 : memref<512x16xf32, #tpu.memory_space<vmem>>) dst(%dma_wait3A_33 : memref<512x16xf32, #tpu.memory_space<hbm>>)
      tpu.yield
    }) : () -> ()
    %scan3A_22 = arith.constant 0 : i32
    %scan3A_23 = arith.constant 0 : i32
    %scan3A_24 = arith.constant 8 : i32
    %scan3A_25 = arith.addi %scan3A_23, %scan3A_24 : i32
    %scan3A_26 = arith.constant 1 : i32
    scf.for %scan3A_28 = %scan3A_23 to %scan3A_25 step %scan3A_26  : i32 {
      %mul3A_29 = arith.constant 2 : i32
      %mul3A_30 = arith.muli %mul3A_29, %scan3A_28 : i32
      %add3A_31 = arith.constant 0 : i32
      %add3A_32 = arith.addi %mul3A_30, %add3A_31 : i32
      %mul3A_33 = arith.constant 1600 : i32
      %mul3A_34 = arith.muli %add3A_32, %mul3A_33 : i32
      %dma_wait3A = tpu.memref_slice %arg8[%mul3A_34] : memref<25600xi32, #tpu.memory_space<vmem>> -> memref<1600xi32, #tpu.memory_space<vmem>>
      %dma_wait3A_35 = arith.constant 0 : i32
      %dma_wait3A_36 = arith.constant 0 : i32
      %dma_wait3A_37 = tpu.memref_slice %arg5[%dma_wait3A_35, %dma_wait3A_36] : memref<1000000x16xf32, #tpu.memory_space<hbm>> -> memref<1000000x16xf32, #tpu.memory_space<hbm>>
      tpu.wait_indirect_dma semaphore(%arg15 : memref<!tpu.dma_semaphore, #tpu.memory_space<semaphore_mem>>) src(%dma_wait3A_37 : memref<1000000x16xf32, #tpu.memory_space<hbm>>) dst(%arg9 : memref<1600x16xf32, #tpu.memory_space<vmem>>)
      %scan3A_38 = arith.constant 0 : i32
      %scan3A_39 = arith.constant 0 : i32
      %scan3A_40 = arith.constant 32 : i32
      %scan3A_41 = arith.addi %scan3A_39, %scan3A_40 : i32
      %scan3A_42 = arith.constant 1 : i32
      scf.for %scan3A_71 = %scan3A_39 to %scan3A_41 step %scan3A_42  : i32 {
        %mul3A_72 = arith.constant 50 : i32
        %mul3A_73 = arith.muli %scan3A_71, %mul3A_72 : i32
        %get3A_74 = arith.index_cast %mul3A_73 : i32 to index
        %get3A_75 = arith.constant 0 : index
        %get3A_76 = tpu.vector_load %arg9[%get3A_74, %get3A_75] {strides = array<i32>} : memref<1600x16xf32, #tpu.memory_space<vmem>>, vector<1x16xf32>,
        %get3A_77 = vector.shape_cast %get3A_76 : vector<1x16xf32> to vector<16xf32>
        %add3A_78 = arith.constant 1 : i32
        %add3A_79 = arith.addi %mul3A_73, %add3A_78 : i32
        %get3A_80 = arith.index_cast %add3A_79 : i32 to index
        %get3A_81 = arith.constant 0 : index
        %get3A_82 = tpu.vector_load %arg9[%get3A_80, %get3A_81] {strides = array<i32>} : memref<1600x16xf32, #tpu.memory_space<vmem>>, vector<1x16xf32>,
        %get3A_83 = vector.shape_cast %get3A_82 : vector<1x16xf32> to vector<16xf32>
        %add3A_84 = arith.constant 2 : i32
        %add3A_85 = arith.addi %mul3A_73, %add3A_84 : i32
        %get3A_86 = arith.index_cast %add3A_85 : i32 to index
        %get3A_87 = arith.constant 0 : index
        %get3A_88 = tpu.vector_load %arg9[%get3A_86, %get3A_87] {strides = array<i32>} : memref<1600x16xf32, #tpu.memory_space<vmem>>, vector<1x16xf32>,
        %get3A_89 = vector.shape_cast %get3A_88 : vector<1x16xf32> to vector<16xf32>
        %add3A_90 = arith.addf %get3A_77, %get3A_89 : vector<16xf32>
        %add3A_91 = arith.constant 2 : i32
        %add3A_92 = arith.addi %mul3A_73, %add3A_91 : i32
        %add3A_93 = arith.constant 1 : i32
        %add3A_94 = arith.addi %add3A_92, %add3A_93 : i32
        %get3A_95 = arith.index_cast %add3A_94 : i32 to index
        %get3A_96 = arith.constant 0 : index
        %get3A_97 = tpu.vector_load %arg9[%get3A_95, %get3A_96] {strides = array<i32>} : memref<1600x16xf32, #tpu.memory_space<vmem>>, vector<1x16xf32>,
        %get3A_98 = vector.shape_cast %get3A_97 : vector<1x16xf32> to vector<16xf32>
        %add3A_99 = arith.addf %get3A_83, %get3A_98 : vector<16xf32>
        %add3A_100 = arith.constant 4 : i32
        %add3A_101 = arith.addi %mul3A_73, %add3A_100 : i32
        %get3A_102 = arith.index_cast %add3A_101 : i32 to index
        %get3A_103 = arith.constant 0 : index
        %get3A_104 = tpu.vector_load %arg9[%get3A_102, %get3A_103] {strides = array<i32>} : memref<1600x16xf32, #tpu.memory_space<vmem>>, vector<1x16xf32>,
        %get3A_105 = vector.shape_cast %get3A_104 : vector<1x16xf32> to vector<16xf32>
        %add3A_106 = arith.addf %add3A_90, %get3A_105 : vector<16xf32>
        %add3A_107 = arith.constant 4 : i32
        %add3A_108 = arith.addi %mul3A_73, %add3A_107 : i32
        %add3A_109 = arith.constant 1 : i32
        %add3A_110 = arith.addi %add3A_108, %add3A_109 : i32
        %get3A_111 = arith.index_cast %add3A_110 : i32 to index
        %get3A_112 = arith.constant 0 : index
        %get3A_113 = tpu.vector_load %arg9[%get3A_111, %get3A_112] {strides = array<i32>} : memref<1600x16xf32, #tpu.memory_space<vmem>>, vector<1x16xf32>,
        %get3A_114 = vector.shape_cast %get3A_113 : vector<1x16xf32> to vector<16xf32>
        %add3A_115 = arith.addf %add3A_99, %get3A_114 : vector<16xf32>
        %add3A_116 = arith.constant 6 : i32
        %add3A_117 = arith.addi %mul3A_73, %add3A_116 : i32
        %get3A_118 = arith.index_cast %add3A_117 : i32 to index
        %get3A_119 = arith.constant 0 : index
        %get3A_120 = tpu.vector_load %arg9[%get3A_118, %get3A_119] {strides = array<i32>} : memref<1600x16xf32, #tpu.memory_space<vmem>>, vector<1x16xf32>,
        %get3A_121 = vector.shape_cast %get3A_120 : vector<1x16xf32> to vector<16xf32>
        %add3A_122 = arith.addf %add3A_106, %get3A_121 : vector<16xf32>
        %add3A_123 = arith.constant 6 : i32
        %add3A_124 = arith.addi %mul3A_73, %add3A_123 : i32
        %add3A_125 = arith.constant 1 : i32
        %add3A_126 = arith.addi %add3A_124, %add3A_125 : i32
        %get3A_127 = arith.index_cast %add3A_126 : i32 to index
        %get3A_128 = arith.constant 0 : index
        %get3A_129 = tpu.vector_load %arg9[%get3A_127, %get3A_128] {strides = array<i32>} : memref<1600x16xf32, #tpu.memory_space<vmem>>, vector<1x16xf32>,
        %get3A_130 = vector.shape_cast %get3A_129 : vector<1x16xf32> to vector<16xf32>
        %add3A_131 = arith.addf %add3A_115, %get3A_130 : vector<16xf32>
        %add3A_132 = arith.constant 8 : i32
        %add3A_133 = arith.addi %mul3A_73, %add3A_132 : i32
        %get3A_134 = arith.index_cast %add3A_133 : i32 to index
        %get3A_135 = arith.constant 0 : index
        %get3A_136 = tpu.vector_load %arg9[%get3A_134, %get3A_135] {strides = array<i32>} : memref<1600x16xf32, #tpu.memory_space<vmem>>, vector<1x16xf32>,
        %get3A_137 = vector.shape_cast %get3A_136 : vector<1x16xf32> to vector<16xf32>
        %add3A_138 = arith.addf %add3A_122, %get3A_137 : vector<16xf32>
        %add3A_139 = arith.constant 8 : i32
        %add3A_140 = arith.addi %mul3A_73, %add3A_139 : i32
        %add3A_141 = arith.constant 1 : i32
        %add3A_142 = arith.addi %add3A_140, %add3A_141 : i32
        %get3A_143 = arith.index_cast %add3A_142 : i32 to index
        %get3A_144 = arith.constant 0 : index
        %get3A_145 = tpu.vector_load %arg9[%get3A_143, %get3A_144] {strides = array<i32>} : memref<1600x16xf32, #tpu.memory_space<vmem>>, vector<1x16xf32>,
        %get3A_146 = vector.shape_cast %get3A_145 : vector<1x16xf32> to vector<16xf32>
        %add3A_147 = arith.addf %add3A_131, %get3A_146 : vector<16xf32>
        %add3A_148 = arith.constant 10 : i32
        %add3A_149 = arith.addi %mul3A_73, %add3A_148 : i32
        %get3A_150 = arith.index_cast %add3A_149 : i32 to index
        %get3A_151 = arith.constant 0 : index
        %get3A_152 = tpu.vector_load %arg9[%get3A_150, %get3A_151] {strides = array<i32>} : memref<1600x16xf32, #tpu.memory_space<vmem>>, vector<1x16xf32>,
        %get3A_153 = vector.shape_cast %get3A_152 : vector<1x16xf32> to vector<16xf32>
        %add3A_154 = arith.addf %add3A_138, %get3A_153 : vector<16xf32>
        %add3A_155 = arith.constant 10 : i32
        %add3A_156 = arith.addi %mul3A_73, %add3A_155 : i32
        %add3A_157 = arith.constant 1 : i32
        %add3A_158 = arith.addi %add3A_156, %add3A_157 : i32
        %get3A_159 = arith.index_cast %add3A_158 : i32 to index
        %get3A_160 = arith.constant 0 : index
        %get3A_161 = tpu.vector_load %arg9[%get3A_159, %get3A_160] {strides = array<i32>} : memref<1600x16xf32, #tpu.memory_space<vmem>>, vector<1x16xf32>,
        %get3A_162 = vector.shape_cast %get3A_161 : vector<1x16xf32> to vector<16xf32>
        %add3A_163 = arith.addf %add3A_147, %get3A_162 : vector<16xf32>
        %add3A_164 = arith.constant 12 : i32
        %add3A_165 = arith.addi %mul3A_73, %add3A_164 : i32
        %get3A_166 = arith.index_cast %add3A_165 : i32 to index
        %get3A_167 = arith.constant 0 : index
        %get3A_168 = tpu.vector_load %arg9[%get3A_166, %get3A_167] {strides = array<i32>} : memref<1600x16xf32, #tpu.memory_space<vmem>>, vector<1x16xf32>,
        %get3A_169 = vector.shape_cast %get3A_168 : vector<1x16xf32> to vector<16xf32>
        %add3A_170 = arith.addf %add3A_154, %get3A_169 : vector<16xf32>
        %add3A_171 = arith.constant 12 : i32
        %add3A_172 = arith.addi %mul3A_73, %add3A_171 : i32
        %add3A_173 = arith.constant 1 : i32
        %add3A_174 = arith.addi %add3A_172, %add3A_173 : i32
        %get3A_175 = arith.index_cast %add3A_174 : i32 to index
        %get3A_176 = arith.constant 0 : index
        %get3A_177 = tpu.vector_load %arg9[%get3A_175, %get3A_176] {strides = array<i32>} : memref<1600x16xf32, #tpu.memory_space<vmem>>, vector<1x16xf32>,
        %get3A_178 = vector.shape_cast %get3A_177 : vector<1x16xf32> to vector<16xf32>
        %add3A_179 = arith.addf %add3A_163, %get3A_178 : vector<16xf32>
        %add3A_180 = arith.constant 14 : i32
        %add3A_181 = arith.addi %mul3A_73, %add3A_180 : i32
        %get3A_182 = arith.index_cast %add3A_181 : i32 to index
        %get3A_183 = arith.constant 0 : index
        %get3A_184 = tpu.vector_load %arg9[%get3A_182, %get3A_183] {strides = array<i32>} : memref<1600x16xf32, #tpu.memory_space<vmem>>, vector<1x16xf32>,
        %get3A_185 = vector.shape_cast %get3A_184 : vector<1x16xf32> to vector<16xf32>
        %add3A_186 = arith.addf %add3A_170, %get3A_185 : vector<16xf32>
        %add3A_187 = arith.constant 14 : i32
        %add3A_188 = arith.addi %mul3A_73, %add3A_187 : i32
        %add3A_189 = arith.constant 1 : i32
        %add3A_190 = arith.addi %add3A_188, %add3A_189 : i32
        %get3A_191 = arith.index_cast %add3A_190 : i32 to index
        %get3A_192 = arith.constant 0 : index
        %get3A_193 = tpu.vector_load %arg9[%get3A_191, %get3A_192] {strides = array<i32>} : memref<1600x16xf32, #tpu.memory_space<vmem>>, vector<1x16xf32>,
        %get3A_194 = vector.shape_cast %get3A_193 : vector<1x16xf32> to vector<16xf32>
        %add3A_195 = arith.addf %add3A_179, %get3A_194 : vector<16xf32>
        %add3A_196 = arith.constant 16 : i32
        %add3A_197 = arith.addi %mul3A_73, %add3A_196 : i32
        %get3A_198 = arith.index_cast %add3A_197 : i32 to index
        %get3A_199 = arith.constant 0 : index
        %get3A_200 = tpu.vector_load %arg9[%get3A_198, %get3A_199] {strides = array<i32>} : memref<1600x16xf32, #tpu.memory_space<vmem>>, vector<1x16xf32>,
        %get3A_201 = vector.shape_cast %get3A_200 : vector<1x16xf32> to vector<16xf32>
        %add3A_202 = arith.addf %add3A_186, %get3A_201 : vector<16xf32>
        %add3A_203 = arith.constant 16 : i32
        %add3A_204 = arith.addi %mul3A_73, %add3A_203 : i32
        %add3A_205 = arith.constant 1 : i32
        %add3A_206 = arith.addi %add3A_204, %add3A_205 : i32
        %get3A_207 = arith.index_cast %add3A_206 : i32 to index
        %get3A_208 = arith.constant 0 : index
        %get3A_209 = tpu.vector_load %arg9[%get3A_207, %get3A_208] {strides = array<i32>} : memref<1600x16xf32, #tpu.memory_space<vmem>>, vector<1x16xf32>,
        %get3A_210 = vector.shape_cast %get3A_209 : vector<1x16xf32> to vector<16xf32>
        %add3A_211 = arith.addf %add3A_195, %get3A_210 : vector<16xf32>
        %add3A_212 = arith.constant 18 : i32
        %add3A_213 = arith.addi %mul3A_73, %add3A_212 : i32
        %get3A_214 = arith.index_cast %add3A_213 : i32 to index
        %get3A_215 = arith.constant 0 : index
        %get3A_216 = tpu.vector_load %arg9[%get3A_214, %get3A_215] {strides = array<i32>} : memref<1600x16xf32, #tpu.memory_space<vmem>>, vector<1x16xf32>,
        %get3A_217 = vector.shape_cast %get3A_216 : vector<1x16xf32> to vector<16xf32>
        %add3A_218 = arith.addf %add3A_202, %get3A_217 : vector<16xf32>
        %add3A_219 = arith.constant 18 : i32
        %add3A_220 = arith.addi %mul3A_73, %add3A_219 : i32
        %add3A_221 = arith.constant 1 : i32
        %add3A_222 = arith.addi %add3A_220, %add3A_221 : i32
        %get3A_223 = arith.index_cast %add3A_222 : i32 to index
        %get3A_224 = arith.constant 0 : index
        %get3A_225 = tpu.vector_load %arg9[%get3A_223, %get3A_224] {strides = array<i32>} : memref<1600x16xf32, #tpu.memory_space<vmem>>, vector<1x16xf32>,
        %get3A_226 = vector.shape_cast %get3A_225 : vector<1x16xf32> to vector<16xf32>
        %add3A_227 = arith.addf %add3A_211, %get3A_226 : vector<16xf32>
        %add3A_228 = arith.constant 20 : i32
        %add3A_229 = arith.addi %mul3A_73, %add3A_228 : i32
        %get3A_230 = arith.index_cast %add3A_229 : i32 to index
        %get3A_231 = arith.constant 0 : index
        %get3A_232 = tpu.vector_load %arg9[%get3A_230, %get3A_231] {strides = array<i32>} : memref<1600x16xf32, #tpu.memory_space<vmem>>, vector<1x16xf32>,
        %get3A_233 = vector.shape_cast %get3A_232 : vector<1x16xf32> to vector<16xf32>
        %add3A_234 = arith.addf %add3A_218, %get3A_233 : vector<16xf32>
        %add3A_235 = arith.constant 20 : i32
        %add3A_236 = arith.addi %mul3A_73, %add3A_235 : i32
        %add3A_237 = arith.constant 1 : i32
        %add3A_238 = arith.addi %add3A_236, %add3A_237 : i32
        %get3A_239 = arith.index_cast %add3A_238 : i32 to index
        %get3A_240 = arith.constant 0 : index
        %get3A_241 = tpu.vector_load %arg9[%get3A_239, %get3A_240] {strides = array<i32>} : memref<1600x16xf32, #tpu.memory_space<vmem>>, vector<1x16xf32>,
        %get3A_242 = vector.shape_cast %get3A_241 : vector<1x16xf32> to vector<16xf32>
        %add3A_243 = arith.addf %add3A_227, %get3A_242 : vector<16xf32>
        %add3A_244 = arith.constant 22 : i32
        %add3A_245 = arith.addi %mul3A_73, %add3A_244 : i32
        %get3A_246 = arith.index_cast %add3A_245 : i32 to index
        %get3A_247 = arith.constant 0 : index
        %get3A_248 = tpu.vector_load %arg9[%get3A_246, %get3A_247] {strides = array<i32>} : memref<1600x16xf32, #tpu.memory_space<vmem>>, vector<1x16xf32>,
        %get3A_249 = vector.shape_cast %get3A_248 : vector<1x16xf32> to vector<16xf32>
        %add3A_250 = arith.addf %add3A_234, %get3A_249 : vector<16xf32>
        %add3A_251 = arith.constant 22 : i32
        %add3A_252 = arith.addi %mul3A_73, %add3A_251 : i32
        %add3A_253 = arith.constant 1 : i32
        %add3A_254 = arith.addi %add3A_252, %add3A_253 : i32
        %get3A_255 = arith.index_cast %add3A_254 : i32 to index
        %get3A_256 = arith.constant 0 : index
        %get3A_257 = tpu.vector_load %arg9[%get3A_255, %get3A_256] {strides = array<i32>} : memref<1600x16xf32, #tpu.memory_space<vmem>>, vector<1x16xf32>,
        %get3A_258 = vector.shape_cast %get3A_257 : vector<1x16xf32> to vector<16xf32>
        %add3A_259 = arith.addf %add3A_243, %get3A_258 : vector<16xf32>
        %add3A_260 = arith.constant 24 : i32
        %add3A_261 = arith.addi %mul3A_73, %add3A_260 : i32
        %get3A_262 = arith.index_cast %add3A_261 : i32 to index
        %get3A_263 = arith.constant 0 : index
        %get3A_264 = tpu.vector_load %arg9[%get3A_262, %get3A_263] {strides = array<i32>} : memref<1600x16xf32, #tpu.memory_space<vmem>>, vector<1x16xf32>,
        %get3A_265 = vector.shape_cast %get3A_264 : vector<1x16xf32> to vector<16xf32>
        %add3A_266 = arith.addf %add3A_250, %get3A_265 : vector<16xf32>
        %add3A_267 = arith.constant 24 : i32
        %add3A_268 = arith.addi %mul3A_73, %add3A_267 : i32
        %add3A_269 = arith.constant 1 : i32
        %add3A_270 = arith.addi %add3A_268, %add3A_269 : i32
        %get3A_271 = arith.index_cast %add3A_270 : i32 to index
        %get3A_272 = arith.constant 0 : index
        %get3A_273 = tpu.vector_load %arg9[%get3A_271, %get3A_272] {strides = array<i32>} : memref<1600x16xf32, #tpu.memory_space<vmem>>, vector<1x16xf32>,
        %get3A_274 = vector.shape_cast %get3A_273 : vector<1x16xf32> to vector<16xf32>
        %add3A_275 = arith.addf %add3A_259, %get3A_274 : vector<16xf32>
        %add3A_276 = arith.constant 26 : i32
        %add3A_277 = arith.addi %mul3A_73, %add3A_276 : i32
        %get3A_278 = arith.index_cast %add3A_277 : i32 to index
        %get3A_279 = arith.constant 0 : index
        %get3A_280 = tpu.vector_load %arg9[%get3A_278, %get3A_279] {strides = array<i32>} : memref<1600x16xf32, #tpu.memory_space<vmem>>, vector<1x16xf32>,
        %get3A_281 = vector.shape_cast %get3A_280 : vector<1x16xf32> to vector<16xf32>
        %add3A_282 = arith.addf %add3A_266, %get3A_281 : vector<16xf32>
        %add3A_283 = arith.constant 26 : i32
        %add3A_284 = arith.addi %mul3A_73, %add3A_283 : i32
        %add3A_285 = arith.constant 1 : i32
        %add3A_286 = arith.addi %add3A_284, %add3A_285 : i32
        %get3A_287 = arith.index_cast %add3A_286 : i32 to index
        %get3A_288 = arith.constant 0 : index
        %get3A_289 = tpu.vector_load %arg9[%get3A_287, %get3A_288] {strides = array<i32>} : memref<1600x16xf32, #tpu.memory_space<vmem>>, vector<1x16xf32>,
        %get3A_290 = vector.shape_cast %get3A_289 : vector<1x16xf32> to vector<16xf32>
        %add3A_291 = arith.addf %add3A_275, %get3A_290 : vector<16xf32>
        %add3A_292 = arith.constant 28 : i32
        %add3A_293 = arith.addi %mul3A_73, %add3A_292 : i32
        %get3A_294 = arith.index_cast %add3A_293 : i32 to index
        %get3A_295 = arith.constant 0 : index
        %get3A_296 = tpu.vector_load %arg9[%get3A_294, %get3A_295] {strides = array<i32>} : memref<1600x16xf32, #tpu.memory_space<vmem>>, vector<1x16xf32>,
        %get3A_297 = vector.shape_cast %get3A_296 : vector<1x16xf32> to vector<16xf32>
        %add3A_298 = arith.addf %add3A_282, %get3A_297 : vector<16xf32>
        %add3A_299 = arith.constant 28 : i32
        %add3A_300 = arith.addi %mul3A_73, %add3A_299 : i32
        %add3A_301 = arith.constant 1 : i32
        %add3A_302 = arith.addi %add3A_300, %add3A_301 : i32
        %get3A_303 = arith.index_cast %add3A_302 : i32 to index
        %get3A_304 = arith.constant 0 : index
        %get3A_305 = tpu.vector_load %arg9[%get3A_303, %get3A_304] {strides = array<i32>} : memref<1600x16xf32, #tpu.memory_space<vmem>>, vector<1x16xf32>,
        %get3A_306 = vector.shape_cast %get3A_305 : vector<1x16xf32> to vector<16xf32>
        %add3A_307 = arith.addf %add3A_291, %get3A_306 : vector<16xf32>
        %add3A_308 = arith.constant 30 : i32
        %add3A_309 = arith.addi %mul3A_73, %add3A_308 : i32
        %get3A_310 = arith.index_cast %add3A_309 : i32 to index
        %get3A_311 = arith.constant 0 : index
        %get3A_312 = tpu.vector_load %arg9[%get3A_310, %get3A_311] {strides = array<i32>} : memref<1600x16xf32, #tpu.memory_space<vmem>>, vector<1x16xf32>,
        %get3A_313 = vector.shape_cast %get3A_312 : vector<1x16xf32> to vector<16xf32>
        %add3A_314 = arith.addf %add3A_298, %get3A_313 : vector<16xf32>
        %add3A_315 = arith.constant 30 : i32
        %add3A_316 = arith.addi %mul3A_73, %add3A_315 : i32
        %add3A_317 = arith.constant 1 : i32
        %add3A_318 = arith.addi %add3A_316, %add3A_317 : i32
        %get3A_319 = arith.index_cast %add3A_318 : i32 to index
        %get3A_320 = arith.constant 0 : index
        %get3A_321 = tpu.vector_load %arg9[%get3A_319, %get3A_320] {strides = array<i32>} : memref<1600x16xf32, #tpu.memory_space<vmem>>, vector<1x16xf32>,
        %get3A_322 = vector.shape_cast %get3A_321 : vector<1x16xf32> to vector<16xf32>
        %add3A_323 = arith.addf %add3A_307, %get3A_322 : vector<16xf32>
        %add3A_324 = arith.constant 32 : i32
        %add3A_325 = arith.addi %mul3A_73, %add3A_324 : i32
        %get3A_326 = arith.index_cast %add3A_325 : i32 to index
        %get3A_327 = arith.constant 0 : index
        %get3A_328 = tpu.vector_load %arg9[%get3A_326, %get3A_327] {strides = array<i32>} : memref<1600x16xf32, #tpu.memory_space<vmem>>, vector<1x16xf32>,
        %get3A_329 = vector.shape_cast %get3A_328 : vector<1x16xf32> to vector<16xf32>
        %add3A_330 = arith.addf %add3A_314, %get3A_329 : vector<16xf32>
        %add3A_331 = arith.constant 32 : i32
        %add3A_332 = arith.addi %mul3A_73, %add3A_331 : i32
        %add3A_333 = arith.constant 1 : i32
        %add3A_334 = arith.addi %add3A_332, %add3A_333 : i32
        %get3A_335 = arith.index_cast %add3A_334 : i32 to index
        %get3A_336 = arith.constant 0 : index
        %get3A_337 = tpu.vector_load %arg9[%get3A_335, %get3A_336] {strides = array<i32>} : memref<1600x16xf32, #tpu.memory_space<vmem>>, vector<1x16xf32>,
        %get3A_338 = vector.shape_cast %get3A_337 : vector<1x16xf32> to vector<16xf32>
        %add3A_339 = arith.addf %add3A_323, %get3A_338 : vector<16xf32>
        %add3A_340 = arith.constant 34 : i32
        %add3A_341 = arith.addi %mul3A_73, %add3A_340 : i32
        %get3A_342 = arith.index_cast %add3A_341 : i32 to index
        %get3A_343 = arith.constant 0 : index
        %get3A_344 = tpu.vector_load %arg9[%get3A_342, %get3A_343] {strides = array<i32>} : memref<1600x16xf32, #tpu.memory_space<vmem>>, vector<1x16xf32>,
        %get3A_345 = vector.shape_cast %get3A_344 : vector<1x16xf32> to vector<16xf32>
        %add3A_346 = arith.addf %add3A_330, %get3A_345 : vector<16xf32>
        %add3A_347 = arith.constant 34 : i32
        %add3A_348 = arith.addi %mul3A_73, %add3A_347 : i32
        %add3A_349 = arith.constant 1 : i32
        %add3A_350 = arith.addi %add3A_348, %add3A_349 : i32
        %get3A_351 = arith.index_cast %add3A_350 : i32 to index
        %get3A_352 = arith.constant 0 : index
        %get3A_353 = tpu.vector_load %arg9[%get3A_351, %get3A_352] {strides = array<i32>} : memref<1600x16xf32, #tpu.memory_space<vmem>>, vector<1x16xf32>,
        %get3A_354 = vector.shape_cast %get3A_353 : vector<1x16xf32> to vector<16xf32>
        %add3A_355 = arith.addf %add3A_339, %get3A_354 : vector<16xf32>
        %add3A_356 = arith.constant 36 : i32
        %add3A_357 = arith.addi %mul3A_73, %add3A_356 : i32
        %get3A_358 = arith.index_cast %add3A_357 : i32 to index
        %get3A_359 = arith.constant 0 : index
        %get3A_360 = tpu.vector_load %arg9[%get3A_358, %get3A_359] {strides = array<i32>} : memref<1600x16xf32, #tpu.memory_space<vmem>>, vector<1x16xf32>,
        %get3A_361 = vector.shape_cast %get3A_360 : vector<1x16xf32> to vector<16xf32>
        %add3A_362 = arith.addf %add3A_346, %get3A_361 : vector<16xf32>
        %add3A_363 = arith.constant 36 : i32
        %add3A_364 = arith.addi %mul3A_73, %add3A_363 : i32
        %add3A_365 = arith.constant 1 : i32
        %add3A_366 = arith.addi %add3A_364, %add3A_365 : i32
        %get3A_367 = arith.index_cast %add3A_366 : i32 to index
        %get3A_368 = arith.constant 0 : index
        %get3A_369 = tpu.vector_load %arg9[%get3A_367, %get3A_368] {strides = array<i32>} : memref<1600x16xf32, #tpu.memory_space<vmem>>, vector<1x16xf32>,
        %get3A_370 = vector.shape_cast %get3A_369 : vector<1x16xf32> to vector<16xf32>
        %add3A_371 = arith.addf %add3A_355, %get3A_370 : vector<16xf32>
        %add3A_372 = arith.constant 38 : i32
        %add3A_373 = arith.addi %mul3A_73, %add3A_372 : i32
        %get3A_374 = arith.index_cast %add3A_373 : i32 to index
        %get3A_375 = arith.constant 0 : index
        %get3A_376 = tpu.vector_load %arg9[%get3A_374, %get3A_375] {strides = array<i32>} : memref<1600x16xf32, #tpu.memory_space<vmem>>, vector<1x16xf32>,
        %get3A_377 = vector.shape_cast %get3A_376 : vector<1x16xf32> to vector<16xf32>
        %add3A_378 = arith.addf %add3A_362, %get3A_377 : vector<16xf32>
        %add3A_379 = arith.constant 38 : i32
        %add3A_380 = arith.addi %mul3A_73, %add3A_379 : i32
        %add3A_381 = arith.constant 1 : i32
        %add3A_382 = arith.addi %add3A_380, %add3A_381 : i32
        %get3A_383 = arith.index_cast %add3A_382 : i32 to index
        %get3A_384 = arith.constant 0 : index
        %get3A_385 = tpu.vector_load %arg9[%get3A_383, %get3A_384] {strides = array<i32>} : memref<1600x16xf32, #tpu.memory_space<vmem>>, vector<1x16xf32>,
        %get3A_386 = vector.shape_cast %get3A_385 : vector<1x16xf32> to vector<16xf32>
        %add3A_387 = arith.addf %add3A_371, %get3A_386 : vector<16xf32>
        %add3A_388 = arith.constant 40 : i32
        %add3A_389 = arith.addi %mul3A_73, %add3A_388 : i32
        %get3A_390 = arith.index_cast %add3A_389 : i32 to index
        %get3A_391 = arith.constant 0 : index
        %get3A_392 = tpu.vector_load %arg9[%get3A_390, %get3A_391] {strides = array<i32>} : memref<1600x16xf32, #tpu.memory_space<vmem>>, vector<1x16xf32>,
        %get3A_393 = vector.shape_cast %get3A_392 : vector<1x16xf32> to vector<16xf32>
        %add3A_394 = arith.addf %add3A_378, %get3A_393 : vector<16xf32>
        %add3A_395 = arith.constant 40 : i32
        %add3A_396 = arith.addi %mul3A_73, %add3A_395 : i32
        %add3A_397 = arith.constant 1 : i32
        %add3A_398 = arith.addi %add3A_396, %add3A_397 : i32
        %get3A_399 = arith.index_cast %add3A_398 : i32 to index
        %get3A_400 = arith.constant 0 : index
        %get3A_401 = tpu.vector_load %arg9[%get3A_399, %get3A_400] {strides = array<i32>} : memref<1600x16xf32, #tpu.memory_space<vmem>>, vector<1x16xf32>,
        %get3A_402 = vector.shape_cast %get3A_401 : vector<1x16xf32> to vector<16xf32>
        %add3A_403 = arith.addf %add3A_387, %get3A_402 : vector<16xf32>
        %add3A_404 = arith.constant 42 : i32
        %add3A_405 = arith.addi %mul3A_73, %add3A_404 : i32
        %get3A_406 = arith.index_cast %add3A_405 : i32 to index
        %get3A_407 = arith.constant 0 : index
        %get3A_408 = tpu.vector_load %arg9[%get3A_406, %get3A_407] {strides = array<i32>} : memref<1600x16xf32, #tpu.memory_space<vmem>>, vector<1x16xf32>,
        %get3A_409 = vector.shape_cast %get3A_408 : vector<1x16xf32> to vector<16xf32>
        %add3A_410 = arith.addf %add3A_394, %get3A_409 : vector<16xf32>
        %add3A_411 = arith.constant 42 : i32
        %add3A_412 = arith.addi %mul3A_73, %add3A_411 : i32
        %add3A_413 = arith.constant 1 : i32
        %add3A_414 = arith.addi %add3A_412, %add3A_413 : i32
        %get3A_415 = arith.index_cast %add3A_414 : i32 to index
        %get3A_416 = arith.constant 0 : index
        %get3A_417 = tpu.vector_load %arg9[%get3A_415, %get3A_416] {strides = array<i32>} : memref<1600x16xf32, #tpu.memory_space<vmem>>, vector<1x16xf32>,
        %get3A_418 = vector.shape_cast %get3A_417 : vector<1x16xf32> to vector<16xf32>
        %add3A_419 = arith.addf %add3A_403, %get3A_418 : vector<16xf32>
        %add3A_420 = arith.constant 44 : i32
        %add3A_421 = arith.addi %mul3A_73, %add3A_420 : i32
        %get3A_422 = arith.index_cast %add3A_421 : i32 to index
        %get3A_423 = arith.constant 0 : index
        %get3A_424 = tpu.vector_load %arg9[%get3A_422, %get3A_423] {strides = array<i32>} : memref<1600x16xf32, #tpu.memory_space<vmem>>, vector<1x16xf32>,
        %get3A_425 = vector.shape_cast %get3A_424 : vector<1x16xf32> to vector<16xf32>
        %add3A_426 = arith.addf %add3A_410, %get3A_425 : vector<16xf32>
        %add3A_427 = arith.constant 44 : i32
        %add3A_428 = arith.addi %mul3A_73, %add3A_427 : i32
        %add3A_429 = arith.constant 1 : i32
        %add3A_430 = arith.addi %add3A_428, %add3A_429 : i32
        %get3A_431 = arith.index_cast %add3A_430 : i32 to index
        %get3A_432 = arith.constant 0 : index
        %get3A_433 = tpu.vector_load %arg9[%get3A_431, %get3A_432] {strides = array<i32>} : memref<1600x16xf32, #tpu.memory_space<vmem>>, vector<1x16xf32>,
        %get3A_434 = vector.shape_cast %get3A_433 : vector<1x16xf32> to vector<16xf32>
        %add3A_435 = arith.addf %add3A_419, %get3A_434 : vector<16xf32>
        %add3A_436 = arith.constant 46 : i32
        %add3A_437 = arith.addi %mul3A_73, %add3A_436 : i32
        %get3A_438 = arith.index_cast %add3A_437 : i32 to index
        %get3A_439 = arith.constant 0 : index
        %get3A_440 = tpu.vector_load %arg9[%get3A_438, %get3A_439] {strides = array<i32>} : memref<1600x16xf32, #tpu.memory_space<vmem>>, vector<1x16xf32>,
        %get3A_441 = vector.shape_cast %get3A_440 : vector<1x16xf32> to vector<16xf32>
        %add3A_442 = arith.addf %add3A_426, %get3A_441 : vector<16xf32>
        %add3A_443 = arith.constant 46 : i32
        %add3A_444 = arith.addi %mul3A_73, %add3A_443 : i32
        %add3A_445 = arith.constant 1 : i32
        %add3A_446 = arith.addi %add3A_444, %add3A_445 : i32
        %get3A_447 = arith.index_cast %add3A_446 : i32 to index
        %get3A_448 = arith.constant 0 : index
        %get3A_449 = tpu.vector_load %arg9[%get3A_447, %get3A_448] {strides = array<i32>} : memref<1600x16xf32, #tpu.memory_space<vmem>>, vector<1x16xf32>,
        %get3A_450 = vector.shape_cast %get3A_449 : vector<1x16xf32> to vector<16xf32>
        %add3A_451 = arith.addf %add3A_435, %get3A_450 : vector<16xf32>
        %add3A_452 = arith.constant 48 : i32
        %add3A_453 = arith.addi %mul3A_73, %add3A_452 : i32
        %get3A_454 = arith.index_cast %add3A_453 : i32 to index
        %get3A_455 = arith.constant 0 : index
        %get3A_456 = tpu.vector_load %arg9[%get3A_454, %get3A_455] {strides = array<i32>} : memref<1600x16xf32, #tpu.memory_space<vmem>>, vector<1x16xf32>,
        %get3A_457 = vector.shape_cast %get3A_456 : vector<1x16xf32> to vector<16xf32>
        %add3A_458 = arith.addf %add3A_442, %get3A_457 : vector<16xf32>
        %add3A_459 = arith.constant 48 : i32
        %add3A_460 = arith.addi %mul3A_73, %add3A_459 : i32
        %add3A_461 = arith.constant 1 : i32
        %add3A_462 = arith.addi %add3A_460, %add3A_461 : i32
        %get3A_463 = arith.index_cast %add3A_462 : i32 to index
        %get3A_464 = arith.constant 0 : index
        %get3A_465 = tpu.vector_load %arg9[%get3A_463, %get3A_464] {strides = array<i32>} : memref<1600x16xf32, #tpu.memory_space<vmem>>, vector<1x16xf32>,
        %get3A_466 = vector.shape_cast %get3A_465 : vector<1x16xf32> to vector<16xf32>
        %add3A_467 = arith.addf %add3A_451, %get3A_466 : vector<16xf32>
        %add3A_468 = arith.addf %add3A_458, %add3A_467 : vector<16xf32>
        %mul3A_469 = arith.constant 2.000000e-02 : f32
        %mul3A_470 = vector.broadcast %mul3A_469 : f32 to vector<16xf32>
        %mul3A_471 = arith.mulf %add3A_468, %mul3A_470 : vector<16xf32>
        %mul3A_472 = arith.constant 32 : i32
        %mul3A_473 = arith.muli %add3A_32, %mul3A_472 : i32
        %add3A_474 = arith.addi %mul3A_473, %scan3A_71 : i32
        %swap3A = arith.index_cast %add3A_474 : i32 to index
        %swap3A_475 = arith.constant 0 : index
        %swap3A_476 = tpu.vector_load %arg11[%swap3A, %swap3A_475] {strides = array<i32>} : memref<512x16xf32, #tpu.memory_space<vmem>>, vector<1x16xf32>,
        %swap3A_477 = vector.shape_cast %swap3A_476 : vector<1x16xf32> to vector<16xf32>
        %swap3A_478 = vector.shape_cast %mul3A_471 : vector<16xf32> to vector<1x16xf32>
        tpu.vector_store %arg11[%swap3A, %swap3A_475], %swap3A_478 {strides = array<i32>} : memref<512x16xf32, #tpu.memory_space<vmem>>, vector<1x16xf32>,
      }
      %scan3A_43 = arith.constant 32 : i32
      %add3A_44 = arith.constant 2 : i32
      %add3A_45 = arith.addi %add3A_32, %add3A_44 : i32
      %lt3A = arith.constant 16 : i32
      %lt3A_46 = arith.cmpi slt, %add3A_45, %lt3A : i32
      %convert_element_type3A = arith.extui %lt3A_46 : i1 to i32
      %cond3A = arith.constant 0 : i32
      %cond3A_47 = arith.cmpi ne, %convert_element_type3A, %cond3A : i32
      scf.if %cond3A_47 {
        %scan3A_71 = arith.constant 0 : i32
        %scan3A_72 = arith.constant 0 : i32
        %scan3A_73 = arith.constant 100 : i32
        %scan3A_74 = arith.addi %scan3A_72, %scan3A_73 : i32
        %scan3A_75 = arith.constant 1 : i32
        scf.for %scan3A_77 = %scan3A_72 to %scan3A_74 step %scan3A_75  : i32 {
          %mul3A_78 = arith.constant 1600 : i32
          %mul3A_79 = arith.muli %add3A_45, %mul3A_78 : i32
          %mul3A_80 = arith.constant 16 : i32
          %mul3A_81 = arith.muli %scan3A_77, %mul3A_80 : i32
          %add3A_82 = arith.addi %mul3A_79, %mul3A_81 : i32
          %get3A_83 = arith.index_cast %add3A_82 : i32 to index
          %get3A_84 = tpu.vector_load %arg8[%get3A_83] {strides = array<i32>} : memref<25600xi32, #tpu.memory_space<vmem>>, vector<16xi32>,
          %get3A_85 = vector.shape_cast %get3A_84 : vector<16xi32> to vector<16xi32>
          %mul3A_86 = arith.constant 16 : i32
          %mul3A_87 = arith.muli %scan3A_77, %mul3A_86 : i32
          %dma_start3A = arith.constant 0 : i32
          %dma_start3A_88 = tpu.memref_slice %arg9[%mul3A_87, %dma_start3A] : memref<1600x16xf32, #tpu.memory_space<vmem>> -> memref<16x16xf32, #tpu.memory_space<vmem>>
          %dma_start3A_89 = arith.constant 0 : i32
          %dma_start3A_90 = arith.constant 0 : i32
          %dma_start3A_91 = tpu.memref_slice %arg5[%dma_start3A_89, %dma_start3A_90] : memref<1000000x16xf32, #tpu.memory_space<hbm>> -> memref<1000000x16xf32, #tpu.memory_space<hbm>>
          tpu.enqueue_indirect_dma source(%dma_start3A_91 : memref<1000000x16xf32, #tpu.memory_space<hbm>>) target(%dma_start3A_88 : memref<16x16xf32, #tpu.memory_space<vmem>>) offsets(%get3A_85 : vector<16xi32>) semaphore(%arg15 : memref<!tpu.dma_semaphore, #tpu.memory_space<semaphore_mem>>)
        }
        %scan3A_76 = arith.constant 100 : i32
      } else {
      }
      %mul3A_48 = arith.constant 2 : i32
      %mul3A_49 = arith.muli %mul3A_48, %scan3A_28 : i32
      %add3A_50 = arith.constant 1 : i32
      %add3A_51 = arith.addi %mul3A_49, %add3A_50 : i32
      %mul3A_52 = arith.constant 1600 : i32
      %mul3A_53 = arith.muli %add3A_51, %mul3A_52 : i32
      %dma_wait3A_54 = tpu.memref_slice %arg8[%mul3A_53] : memref<25600xi32, #tpu.memory_space<vmem>> -> memref<1600xi32, #tpu.memory_space<vmem>>
      %dma_wait3A_55 = arith.constant 0 : i32
      %dma_wait3A_56 = arith.constant 0 : i32
      %dma_wait3A_57 = tpu.memref_slice %arg5[%dma_wait3A_55, %dma_wait3A_56] : memref<1000000x16xf32, #tpu.memory_space<hbm>> -> memref<1000000x16xf32, #tpu.memory_space<hbm>>
      tpu.wait_indirect_dma semaphore(%arg16 : memref<!tpu.dma_semaphore, #tpu.memory_space<semaphore_mem>>) src(%dma_wait3A_57 : memref<1000000x16xf32, #tpu.memory_space<hbm>>) dst(%arg10 : memref<1600x16xf32, #tpu.memory_space<vmem>>)
      %scan3A_58 = arith.constant 0 : i32
      %scan3A_59 = arith.constant 0 : i32
      %scan3A_60 = arith.constant 32 : i32
      %scan3A_61 = arith.addi %scan3A_59, %scan3A_60 : i32
      %scan3A_62 = arith.constant 1 : i32
      scf.for %scan3A_71 = %scan3A_59 to %scan3A_61 step %scan3A_62  : i32 {
        %mul3A_72 = arith.constant 50 : i32
        %mul3A_73 = arith.muli %scan3A_71, %mul3A_72 : i32
        %get3A_74 = arith.index_cast %mul3A_73 : i32 to index
        %get3A_75 = arith.constant 0 : index
        %get3A_76 = tpu.vector_load %arg10[%get3A_74, %get3A_75] {strides = array<i32>} : memref<1600x16xf32, #tpu.memory_space<vmem>>, vector<1x16xf32>,
        %get3A_77 = vector.shape_cast %get3A_76 : vector<1x16xf32> to vector<16xf32>
        %add3A_78 = arith.constant 1 : i32
        %add3A_79 = arith.addi %mul3A_73, %add3A_78 : i32
        %get3A_80 = arith.index_cast %add3A_79 : i32 to index
        %get3A_81 = arith.constant 0 : index
        %get3A_82 = tpu.vector_load %arg10[%get3A_80, %get3A_81] {strides = array<i32>} : memref<1600x16xf32, #tpu.memory_space<vmem>>, vector<1x16xf32>,
        %get3A_83 = vector.shape_cast %get3A_82 : vector<1x16xf32> to vector<16xf32>
        %add3A_84 = arith.constant 2 : i32
        %add3A_85 = arith.addi %mul3A_73, %add3A_84 : i32
        %get3A_86 = arith.index_cast %add3A_85 : i32 to index
        %get3A_87 = arith.constant 0 : index
        %get3A_88 = tpu.vector_load %arg10[%get3A_86, %get3A_87] {strides = array<i32>} : memref<1600x16xf32, #tpu.memory_space<vmem>>, vector<1x16xf32>,
        %get3A_89 = vector.shape_cast %get3A_88 : vector<1x16xf32> to vector<16xf32>
        %add3A_90 = arith.addf %get3A_77, %get3A_89 : vector<16xf32>
        %add3A_91 = arith.constant 2 : i32
        %add3A_92 = arith.addi %mul3A_73, %add3A_91 : i32
        %add3A_93 = arith.constant 1 : i32
        %add3A_94 = arith.addi %add3A_92, %add3A_93 : i32
        %get3A_95 = arith.index_cast %add3A_94 : i32 to index
        %get3A_96 = arith.constant 0 : index
        %get3A_97 = tpu.vector_load %arg10[%get3A_95, %get3A_96] {strides = array<i32>} : memref<1600x16xf32, #tpu.memory_space<vmem>>, vector<1x16xf32>,
        %get3A_98 = vector.shape_cast %get3A_97 : vector<1x16xf32> to vector<16xf32>
        %add3A_99 = arith.addf %get3A_83, %get3A_98 : vector<16xf32>
        %add3A_100 = arith.constant 4 : i32
        %add3A_101 = arith.addi %mul3A_73, %add3A_100 : i32
        %get3A_102 = arith.index_cast %add3A_101 : i32 to index
        %get3A_103 = arith.constant 0 : index
        %get3A_104 = tpu.vector_load %arg10[%get3A_102, %get3A_103] {strides = array<i32>} : memref<1600x16xf32, #tpu.memory_space<vmem>>, vector<1x16xf32>,
        %get3A_105 = vector.shape_cast %get3A_104 : vector<1x16xf32> to vector<16xf32>
        %add3A_106 = arith.addf %add3A_90, %get3A_105 : vector<16xf32>
        %add3A_107 = arith.constant 4 : i32
        %add3A_108 = arith.addi %mul3A_73, %add3A_107 : i32
        %add3A_109 = arith.constant 1 : i32
        %add3A_110 = arith.addi %add3A_108, %add3A_109 : i32
        %get3A_111 = arith.index_cast %add3A_110 : i32 to index
        %get3A_112 = arith.constant 0 : index
        %get3A_113 = tpu.vector_load %arg10[%get3A_111, %get3A_112] {strides = array<i32>} : memref<1600x16xf32, #tpu.memory_space<vmem>>, vector<1x16xf32>,
        %get3A_114 = vector.shape_cast %get3A_113 : vector<1x16xf32> to vector<16xf32>
        %add3A_115 = arith.addf %add3A_99, %get3A_114 : vector<16xf32>
        %add3A_116 = arith.constant 6 : i32
        %add3A_117 = arith.addi %mul3A_73, %add3A_116 : i32
        %get3A_118 = arith.index_cast %add3A_117 : i32 to index
        %get3A_119 = arith.constant 0 : index
        %get3A_120 = tpu.vector_load %arg10[%get3A_118, %get3A_119] {strides = array<i32>} : memref<1600x16xf32, #tpu.memory_space<vmem>>, vector<1x16xf32>,
        %get3A_121 = vector.shape_cast %get3A_120 : vector<1x16xf32> to vector<16xf32>
        %add3A_122 = arith.addf %add3A_106, %get3A_121 : vector<16xf32>
        %add3A_123 = arith.constant 6 : i32
        %add3A_124 = arith.addi %mul3A_73, %add3A_123 : i32
        %add3A_125 = arith.constant 1 : i32
        %add3A_126 = arith.addi %add3A_124, %add3A_125 : i32
        %get3A_127 = arith.index_cast %add3A_126 : i32 to index
        %get3A_128 = arith.constant 0 : index
        %get3A_129 = tpu.vector_load %arg10[%get3A_127, %get3A_128] {strides = array<i32>} : memref<1600x16xf32, #tpu.memory_space<vmem>>, vector<1x16xf32>,
        %get3A_130 = vector.shape_cast %get3A_129 : vector<1x16xf32> to vector<16xf32>
        %add3A_131 = arith.addf %add3A_115, %get3A_130 : vector<16xf32>
        %add3A_132 = arith.constant 8 : i32
        %add3A_133 = arith.addi %mul3A_73, %add3A_132 : i32
        %get3A_134 = arith.index_cast %add3A_133 : i32 to index
        %get3A_135 = arith.constant 0 : index
        %get3A_136 = tpu.vector_load %arg10[%get3A_134, %get3A_135] {strides = array<i32>} : memref<1600x16xf32, #tpu.memory_space<vmem>>, vector<1x16xf32>,
        %get3A_137 = vector.shape_cast %get3A_136 : vector<1x16xf32> to vector<16xf32>
        %add3A_138 = arith.addf %add3A_122, %get3A_137 : vector<16xf32>
        %add3A_139 = arith.constant 8 : i32
        %add3A_140 = arith.addi %mul3A_73, %add3A_139 : i32
        %add3A_141 = arith.constant 1 : i32
        %add3A_142 = arith.addi %add3A_140, %add3A_141 : i32
        %get3A_143 = arith.index_cast %add3A_142 : i32 to index
        %get3A_144 = arith.constant 0 : index
        %get3A_145 = tpu.vector_load %arg10[%get3A_143, %get3A_144] {strides = array<i32>} : memref<1600x16xf32, #tpu.memory_space<vmem>>, vector<1x16xf32>,
        %get3A_146 = vector.shape_cast %get3A_145 : vector<1x16xf32> to vector<16xf32>
        %add3A_147 = arith.addf %add3A_131, %get3A_146 : vector<16xf32>
        %add3A_148 = arith.constant 10 : i32
        %add3A_149 = arith.addi %mul3A_73, %add3A_148 : i32
        %get3A_150 = arith.index_cast %add3A_149 : i32 to index
        %get3A_151 = arith.constant 0 : index
        %get3A_152 = tpu.vector_load %arg10[%get3A_150, %get3A_151] {strides = array<i32>} : memref<1600x16xf32, #tpu.memory_space<vmem>>, vector<1x16xf32>,
        %get3A_153 = vector.shape_cast %get3A_152 : vector<1x16xf32> to vector<16xf32>
        %add3A_154 = arith.addf %add3A_138, %get3A_153 : vector<16xf32>
        %add3A_155 = arith.constant 10 : i32
        %add3A_156 = arith.addi %mul3A_73, %add3A_155 : i32
        %add3A_157 = arith.constant 1 : i32
        %add3A_158 = arith.addi %add3A_156, %add3A_157 : i32
        %get3A_159 = arith.index_cast %add3A_158 : i32 to index
        %get3A_160 = arith.constant 0 : index
        %get3A_161 = tpu.vector_load %arg10[%get3A_159, %get3A_160] {strides = array<i32>} : memref<1600x16xf32, #tpu.memory_space<vmem>>, vector<1x16xf32>,
        %get3A_162 = vector.shape_cast %get3A_161 : vector<1x16xf32> to vector<16xf32>
        %add3A_163 = arith.addf %add3A_147, %get3A_162 : vector<16xf32>
        %add3A_164 = arith.constant 12 : i32
        %add3A_165 = arith.addi %mul3A_73, %add3A_164 : i32
        %get3A_166 = arith.index_cast %add3A_165 : i32 to index
        %get3A_167 = arith.constant 0 : index
        %get3A_168 = tpu.vector_load %arg10[%get3A_166, %get3A_167] {strides = array<i32>} : memref<1600x16xf32, #tpu.memory_space<vmem>>, vector<1x16xf32>,
        %get3A_169 = vector.shape_cast %get3A_168 : vector<1x16xf32> to vector<16xf32>
        %add3A_170 = arith.addf %add3A_154, %get3A_169 : vector<16xf32>
        %add3A_171 = arith.constant 12 : i32
        %add3A_172 = arith.addi %mul3A_73, %add3A_171 : i32
        %add3A_173 = arith.constant 1 : i32
        %add3A_174 = arith.addi %add3A_172, %add3A_173 : i32
        %get3A_175 = arith.index_cast %add3A_174 : i32 to index
        %get3A_176 = arith.constant 0 : index
        %get3A_177 = tpu.vector_load %arg10[%get3A_175, %get3A_176] {strides = array<i32>} : memref<1600x16xf32, #tpu.memory_space<vmem>>, vector<1x16xf32>,
        %get3A_178 = vector.shape_cast %get3A_177 : vector<1x16xf32> to vector<16xf32>
        %add3A_179 = arith.addf %add3A_163, %get3A_178 : vector<16xf32>
        %add3A_180 = arith.constant 14 : i32
        %add3A_181 = arith.addi %mul3A_73, %add3A_180 : i32
        %get3A_182 = arith.index_cast %add3A_181 : i32 to index
        %get3A_183 = arith.constant 0 : index
        %get3A_184 = tpu.vector_load %arg10[%get3A_182, %get3A_183] {strides = array<i32>} : memref<1600x16xf32, #tpu.memory_space<vmem>>, vector<1x16xf32>,
        %get3A_185 = vector.shape_cast %get3A_184 : vector<1x16xf32> to vector<16xf32>
        %add3A_186 = arith.addf %add3A_170, %get3A_185 : vector<16xf32>
        %add3A_187 = arith.constant 14 : i32
        %add3A_188 = arith.addi %mul3A_73, %add3A_187 : i32
        %add3A_189 = arith.constant 1 : i32
        %add3A_190 = arith.addi %add3A_188, %add3A_189 : i32
        %get3A_191 = arith.index_cast %add3A_190 : i32 to index
        %get3A_192 = arith.constant 0 : index
        %get3A_193 = tpu.vector_load %arg10[%get3A_191, %get3A_192] {strides = array<i32>} : memref<1600x16xf32, #tpu.memory_space<vmem>>, vector<1x16xf32>,
        %get3A_194 = vector.shape_cast %get3A_193 : vector<1x16xf32> to vector<16xf32>
        %add3A_195 = arith.addf %add3A_179, %get3A_194 : vector<16xf32>
        %add3A_196 = arith.constant 16 : i32
        %add3A_197 = arith.addi %mul3A_73, %add3A_196 : i32
        %get3A_198 = arith.index_cast %add3A_197 : i32 to index
        %get3A_199 = arith.constant 0 : index
        %get3A_200 = tpu.vector_load %arg10[%get3A_198, %get3A_199] {strides = array<i32>} : memref<1600x16xf32, #tpu.memory_space<vmem>>, vector<1x16xf32>,
        %get3A_201 = vector.shape_cast %get3A_200 : vector<1x16xf32> to vector<16xf32>
        %add3A_202 = arith.addf %add3A_186, %get3A_201 : vector<16xf32>
        %add3A_203 = arith.constant 16 : i32
        %add3A_204 = arith.addi %mul3A_73, %add3A_203 : i32
        %add3A_205 = arith.constant 1 : i32
        %add3A_206 = arith.addi %add3A_204, %add3A_205 : i32
        %get3A_207 = arith.index_cast %add3A_206 : i32 to index
        %get3A_208 = arith.constant 0 : index
        %get3A_209 = tpu.vector_load %arg10[%get3A_207, %get3A_208] {strides = array<i32>} : memref<1600x16xf32, #tpu.memory_space<vmem>>, vector<1x16xf32>,
        %get3A_210 = vector.shape_cast %get3A_209 : vector<1x16xf32> to vector<16xf32>
        %add3A_211 = arith.addf %add3A_195, %get3A_210 : vector<16xf32>
        %add3A_212 = arith.constant 18 : i32
        %add3A_213 = arith.addi %mul3A_73, %add3A_212 : i32
        %get3A_214 = arith.index_cast %add3A_213 : i32 to index
        %get3A_215 = arith.constant 0 : index
        %get3A_216 = tpu.vector_load %arg10[%get3A_214, %get3A_215] {strides = array<i32>} : memref<1600x16xf32, #tpu.memory_space<vmem>>, vector<1x16xf32>,
        %get3A_217 = vector.shape_cast %get3A_216 : vector<1x16xf32> to vector<16xf32>
        %add3A_218 = arith.addf %add3A_202, %get3A_217 : vector<16xf32>
        %add3A_219 = arith.constant 18 : i32
        %add3A_220 = arith.addi %mul3A_73, %add3A_219 : i32
        %add3A_221 = arith.constant 1 : i32
        %add3A_222 = arith.addi %add3A_220, %add3A_221 : i32
        %get3A_223 = arith.index_cast %add3A_222 : i32 to index
        %get3A_224 = arith.constant 0 : index
        %get3A_225 = tpu.vector_load %arg10[%get3A_223, %get3A_224] {strides = array<i32>} : memref<1600x16xf32, #tpu.memory_space<vmem>>, vector<1x16xf32>,
        %get3A_226 = vector.shape_cast %get3A_225 : vector<1x16xf32> to vector<16xf32>
        %add3A_227 = arith.addf %add3A_211, %get3A_226 : vector<16xf32>
        %add3A_228 = arith.constant 20 : i32
        %add3A_229 = arith.addi %mul3A_73, %add3A_228 : i32
        %get3A_230 = arith.index_cast %add3A_229 : i32 to index
        %get3A_231 = arith.constant 0 : index
        %get3A_232 = tpu.vector_load %arg10[%get3A_230, %get3A_231] {strides = array<i32>} : memref<1600x16xf32, #tpu.memory_space<vmem>>, vector<1x16xf32>,
        %get3A_233 = vector.shape_cast %get3A_232 : vector<1x16xf32> to vector<16xf32>
        %add3A_234 = arith.addf %add3A_218, %get3A_233 : vector<16xf32>
        %add3A_235 = arith.constant 20 : i32
        %add3A_236 = arith.addi %mul3A_73, %add3A_235 : i32
        %add3A_237 = arith.constant 1 : i32
        %add3A_238 = arith.addi %add3A_236, %add3A_237 : i32
        %get3A_239 = arith.index_cast %add3A_238 : i32 to index
        %get3A_240 = arith.constant 0 : index
        %get3A_241 = tpu.vector_load %arg10[%get3A_239, %get3A_240] {strides = array<i32>} : memref<1600x16xf32, #tpu.memory_space<vmem>>, vector<1x16xf32>,
        %get3A_242 = vector.shape_cast %get3A_241 : vector<1x16xf32> to vector<16xf32>
        %add3A_243 = arith.addf %add3A_227, %get3A_242 : vector<16xf32>
        %add3A_244 = arith.constant 22 : i32
        %add3A_245 = arith.addi %mul3A_73, %add3A_244 : i32
        %get3A_246 = arith.index_cast %add3A_245 : i32 to index
        %get3A_247 = arith.constant 0 : index
        %get3A_248 = tpu.vector_load %arg10[%get3A_246, %get3A_247] {strides = array<i32>} : memref<1600x16xf32, #tpu.memory_space<vmem>>, vector<1x16xf32>,
        %get3A_249 = vector.shape_cast %get3A_248 : vector<1x16xf32> to vector<16xf32>
        %add3A_250 = arith.addf %add3A_234, %get3A_249 : vector<16xf32>
        %add3A_251 = arith.constant 22 : i32
        %add3A_252 = arith.addi %mul3A_73, %add3A_251 : i32
        %add3A_253 = arith.constant 1 : i32
        %add3A_254 = arith.addi %add3A_252, %add3A_253 : i32
        %get3A_255 = arith.index_cast %add3A_254 : i32 to index
        %get3A_256 = arith.constant 0 : index
        %get3A_257 = tpu.vector_load %arg10[%get3A_255, %get3A_256] {strides = array<i32>} : memref<1600x16xf32, #tpu.memory_space<vmem>>, vector<1x16xf32>,
        %get3A_258 = vector.shape_cast %get3A_257 : vector<1x16xf32> to vector<16xf32>
        %add3A_259 = arith.addf %add3A_243, %get3A_258 : vector<16xf32>
        %add3A_260 = arith.constant 24 : i32
        %add3A_261 = arith.addi %mul3A_73, %add3A_260 : i32
        %get3A_262 = arith.index_cast %add3A_261 : i32 to index
        %get3A_263 = arith.constant 0 : index
        %get3A_264 = tpu.vector_load %arg10[%get3A_262, %get3A_263] {strides = array<i32>} : memref<1600x16xf32, #tpu.memory_space<vmem>>, vector<1x16xf32>,
        %get3A_265 = vector.shape_cast %get3A_264 : vector<1x16xf32> to vector<16xf32>
        %add3A_266 = arith.addf %add3A_250, %get3A_265 : vector<16xf32>
        %add3A_267 = arith.constant 24 : i32
        %add3A_268 = arith.addi %mul3A_73, %add3A_267 : i32
        %add3A_269 = arith.constant 1 : i32
        %add3A_270 = arith.addi %add3A_268, %add3A_269 : i32
        %get3A_271 = arith.index_cast %add3A_270 : i32 to index
        %get3A_272 = arith.constant 0 : index
        %get3A_273 = tpu.vector_load %arg10[%get3A_271, %get3A_272] {strides = array<i32>} : memref<1600x16xf32, #tpu.memory_space<vmem>>, vector<1x16xf32>,
        %get3A_274 = vector.shape_cast %get3A_273 : vector<1x16xf32> to vector<16xf32>
        %add3A_275 = arith.addf %add3A_259, %get3A_274 : vector<16xf32>
        %add3A_276 = arith.constant 26 : i32
        %add3A_277 = arith.addi %mul3A_73, %add3A_276 : i32
        %get3A_278 = arith.index_cast %add3A_277 : i32 to index
        %get3A_279 = arith.constant 0 : index
        %get3A_280 = tpu.vector_load %arg10[%get3A_278, %get3A_279] {strides = array<i32>} : memref<1600x16xf32, #tpu.memory_space<vmem>>, vector<1x16xf32>,
        %get3A_281 = vector.shape_cast %get3A_280 : vector<1x16xf32> to vector<16xf32>
        %add3A_282 = arith.addf %add3A_266, %get3A_281 : vector<16xf32>
        %add3A_283 = arith.constant 26 : i32
        %add3A_284 = arith.addi %mul3A_73, %add3A_283 : i32
        %add3A_285 = arith.constant 1 : i32
        %add3A_286 = arith.addi %add3A_284, %add3A_285 : i32
        %get3A_287 = arith.index_cast %add3A_286 : i32 to index
        %get3A_288 = arith.constant 0 : index
        %get3A_289 = tpu.vector_load %arg10[%get3A_287, %get3A_288] {strides = array<i32>} : memref<1600x16xf32, #tpu.memory_space<vmem>>, vector<1x16xf32>,
        %get3A_290 = vector.shape_cast %get3A_289 : vector<1x16xf32> to vector<16xf32>
        %add3A_291 = arith.addf %add3A_275, %get3A_290 : vector<16xf32>
        %add3A_292 = arith.constant 28 : i32
        %add3A_293 = arith.addi %mul3A_73, %add3A_292 : i32
        %get3A_294 = arith.index_cast %add3A_293 : i32 to index
        %get3A_295 = arith.constant 0 : index
        %get3A_296 = tpu.vector_load %arg10[%get3A_294, %get3A_295] {strides = array<i32>} : memref<1600x16xf32, #tpu.memory_space<vmem>>, vector<1x16xf32>,
        %get3A_297 = vector.shape_cast %get3A_296 : vector<1x16xf32> to vector<16xf32>
        %add3A_298 = arith.addf %add3A_282, %get3A_297 : vector<16xf32>
        %add3A_299 = arith.constant 28 : i32
        %add3A_300 = arith.addi %mul3A_73, %add3A_299 : i32
        %add3A_301 = arith.constant 1 : i32
        %add3A_302 = arith.addi %add3A_300, %add3A_301 : i32
        %get3A_303 = arith.index_cast %add3A_302 : i32 to index
        %get3A_304 = arith.constant 0 : index
        %get3A_305 = tpu.vector_load %arg10[%get3A_303, %get3A_304] {strides = array<i32>} : memref<1600x16xf32, #tpu.memory_space<vmem>>, vector<1x16xf32>,
        %get3A_306 = vector.shape_cast %get3A_305 : vector<1x16xf32> to vector<16xf32>
        %add3A_307 = arith.addf %add3A_291, %get3A_306 : vector<16xf32>
        %add3A_308 = arith.constant 30 : i32
        %add3A_309 = arith.addi %mul3A_73, %add3A_308 : i32
        %get3A_310 = arith.index_cast %add3A_309 : i32 to index
        %get3A_311 = arith.constant 0 : index
        %get3A_312 = tpu.vector_load %arg10[%get3A_310, %get3A_311] {strides = array<i32>} : memref<1600x16xf32, #tpu.memory_space<vmem>>, vector<1x16xf32>,
        %get3A_313 = vector.shape_cast %get3A_312 : vector<1x16xf32> to vector<16xf32>
        %add3A_314 = arith.addf %add3A_298, %get3A_313 : vector<16xf32>
        %add3A_315 = arith.constant 30 : i32
        %add3A_316 = arith.addi %mul3A_73, %add3A_315 : i32
        %add3A_317 = arith.constant 1 : i32
        %add3A_318 = arith.addi %add3A_316, %add3A_317 : i32
        %get3A_319 = arith.index_cast %add3A_318 : i32 to index
        %get3A_320 = arith.constant 0 : index
        %get3A_321 = tpu.vector_load %arg10[%get3A_319, %get3A_320] {strides = array<i32>} : memref<1600x16xf32, #tpu.memory_space<vmem>>, vector<1x16xf32>,
        %get3A_322 = vector.shape_cast %get3A_321 : vector<1x16xf32> to vector<16xf32>
        %add3A_323 = arith.addf %add3A_307, %get3A_322 : vector<16xf32>
        %add3A_324 = arith.constant 32 : i32
        %add3A_325 = arith.addi %mul3A_73, %add3A_324 : i32
        %get3A_326 = arith.index_cast %add3A_325 : i32 to index
        %get3A_327 = arith.constant 0 : index
        %get3A_328 = tpu.vector_load %arg10[%get3A_326, %get3A_327] {strides = array<i32>} : memref<1600x16xf32, #tpu.memory_space<vmem>>, vector<1x16xf32>,
        %get3A_329 = vector.shape_cast %get3A_328 : vector<1x16xf32> to vector<16xf32>
        %add3A_330 = arith.addf %add3A_314, %get3A_329 : vector<16xf32>
        %add3A_331 = arith.constant 32 : i32
        %add3A_332 = arith.addi %mul3A_73, %add3A_331 : i32
        %add3A_333 = arith.constant 1 : i32
        %add3A_334 = arith.addi %add3A_332, %add3A_333 : i32
        %get3A_335 = arith.index_cast %add3A_334 : i32 to index
        %get3A_336 = arith.constant 0 : index
        %get3A_337 = tpu.vector_load %arg10[%get3A_335, %get3A_336] {strides = array<i32>} : memref<1600x16xf32, #tpu.memory_space<vmem>>, vector<1x16xf32>,
        %get3A_338 = vector.shape_cast %get3A_337 : vector<1x16xf32> to vector<16xf32>
        %add3A_339 = arith.addf %add3A_323, %get3A_338 : vector<16xf32>
        %add3A_340 = arith.constant 34 : i32
        %add3A_341 = arith.addi %mul3A_73, %add3A_340 : i32
        %get3A_342 = arith.index_cast %add3A_341 : i32 to index
        %get3A_343 = arith.constant 0 : index
        %get3A_344 = tpu.vector_load %arg10[%get3A_342, %get3A_343] {strides = array<i32>} : memref<1600x16xf32, #tpu.memory_space<vmem>>, vector<1x16xf32>,
        %get3A_345 = vector.shape_cast %get3A_344 : vector<1x16xf32> to vector<16xf32>
        %add3A_346 = arith.addf %add3A_330, %get3A_345 : vector<16xf32>
        %add3A_347 = arith.constant 34 : i32
        %add3A_348 = arith.addi %mul3A_73, %add3A_347 : i32
        %add3A_349 = arith.constant 1 : i32
        %add3A_350 = arith.addi %add3A_348, %add3A_349 : i32
        %get3A_351 = arith.index_cast %add3A_350 : i32 to index
        %get3A_352 = arith.constant 0 : index
        %get3A_353 = tpu.vector_load %arg10[%get3A_351, %get3A_352] {strides = array<i32>} : memref<1600x16xf32, #tpu.memory_space<vmem>>, vector<1x16xf32>,
        %get3A_354 = vector.shape_cast %get3A_353 : vector<1x16xf32> to vector<16xf32>
        %add3A_355 = arith.addf %add3A_339, %get3A_354 : vector<16xf32>
        %add3A_356 = arith.constant 36 : i32
        %add3A_357 = arith.addi %mul3A_73, %add3A_356 : i32
        %get3A_358 = arith.index_cast %add3A_357 : i32 to index
        %get3A_359 = arith.constant 0 : index
        %get3A_360 = tpu.vector_load %arg10[%get3A_358, %get3A_359] {strides = array<i32>} : memref<1600x16xf32, #tpu.memory_space<vmem>>, vector<1x16xf32>,
        %get3A_361 = vector.shape_cast %get3A_360 : vector<1x16xf32> to vector<16xf32>
        %add3A_362 = arith.addf %add3A_346, %get3A_361 : vector<16xf32>
        %add3A_363 = arith.constant 36 : i32
        %add3A_364 = arith.addi %mul3A_73, %add3A_363 : i32
        %add3A_365 = arith.constant 1 : i32
        %add3A_366 = arith.addi %add3A_364, %add3A_365 : i32
        %get3A_367 = arith.index_cast %add3A_366 : i32 to index
        %get3A_368 = arith.constant 0 : index
        %get3A_369 = tpu.vector_load %arg10[%get3A_367, %get3A_368] {strides = array<i32>} : memref<1600x16xf32, #tpu.memory_space<vmem>>, vector<1x16xf32>,
        %get3A_370 = vector.shape_cast %get3A_369 : vector<1x16xf32> to vector<16xf32>
        %add3A_371 = arith.addf %add3A_355, %get3A_370 : vector<16xf32>
        %add3A_372 = arith.constant 38 : i32
        %add3A_373 = arith.addi %mul3A_73, %add3A_372 : i32
        %get3A_374 = arith.index_cast %add3A_373 : i32 to index
        %get3A_375 = arith.constant 0 : index
        %get3A_376 = tpu.vector_load %arg10[%get3A_374, %get3A_375] {strides = array<i32>} : memref<1600x16xf32, #tpu.memory_space<vmem>>, vector<1x16xf32>,
        %get3A_377 = vector.shape_cast %get3A_376 : vector<1x16xf32> to vector<16xf32>
        %add3A_378 = arith.addf %add3A_362, %get3A_377 : vector<16xf32>
        %add3A_379 = arith.constant 38 : i32
        %add3A_380 = arith.addi %mul3A_73, %add3A_379 : i32
        %add3A_381 = arith.constant 1 : i32
        %add3A_382 = arith.addi %add3A_380, %add3A_381 : i32
        %get3A_383 = arith.index_cast %add3A_382 : i32 to index
        %get3A_384 = arith.constant 0 : index
        %get3A_385 = tpu.vector_load %arg10[%get3A_383, %get3A_384] {strides = array<i32>} : memref<1600x16xf32, #tpu.memory_space<vmem>>, vector<1x16xf32>,
        %get3A_386 = vector.shape_cast %get3A_385 : vector<1x16xf32> to vector<16xf32>
        %add3A_387 = arith.addf %add3A_371, %get3A_386 : vector<16xf32>
        %add3A_388 = arith.constant 40 : i32
        %add3A_389 = arith.addi %mul3A_73, %add3A_388 : i32
        %get3A_390 = arith.index_cast %add3A_389 : i32 to index
        %get3A_391 = arith.constant 0 : index
        %get3A_392 = tpu.vector_load %arg10[%get3A_390, %get3A_391] {strides = array<i32>} : memref<1600x16xf32, #tpu.memory_space<vmem>>, vector<1x16xf32>,
        %get3A_393 = vector.shape_cast %get3A_392 : vector<1x16xf32> to vector<16xf32>
        %add3A_394 = arith.addf %add3A_378, %get3A_393 : vector<16xf32>
        %add3A_395 = arith.constant 40 : i32
        %add3A_396 = arith.addi %mul3A_73, %add3A_395 : i32
        %add3A_397 = arith.constant 1 : i32
        %add3A_398 = arith.addi %add3A_396, %add3A_397 : i32
        %get3A_399 = arith.index_cast %add3A_398 : i32 to index
        %get3A_400 = arith.constant 0 : index
        %get3A_401 = tpu.vector_load %arg10[%get3A_399, %get3A_400] {strides = array<i32>} : memref<1600x16xf32, #tpu.memory_space<vmem>>, vector<1x16xf32>,
        %get3A_402 = vector.shape_cast %get3A_401 : vector<1x16xf32> to vector<16xf32>
        %add3A_403 = arith.addf %add3A_387, %get3A_402 : vector<16xf32>
        %add3A_404 = arith.constant 42 : i32
        %add3A_405 = arith.addi %mul3A_73, %add3A_404 : i32
        %get3A_406 = arith.index_cast %add3A_405 : i32 to index
        %get3A_407 = arith.constant 0 : index
        %get3A_408 = tpu.vector_load %arg10[%get3A_406, %get3A_407] {strides = array<i32>} : memref<1600x16xf32, #tpu.memory_space<vmem>>, vector<1x16xf32>,
        %get3A_409 = vector.shape_cast %get3A_408 : vector<1x16xf32> to vector<16xf32>
        %add3A_410 = arith.addf %add3A_394, %get3A_409 : vector<16xf32>
        %add3A_411 = arith.constant 42 : i32
        %add3A_412 = arith.addi %mul3A_73, %add3A_411 : i32
        %add3A_413 = arith.constant 1 : i32
        %add3A_414 = arith.addi %add3A_412, %add3A_413 : i32
        %get3A_415 = arith.index_cast %add3A_414 : i32 to index
        %get3A_416 = arith.constant 0 : index
        %get3A_417 = tpu.vector_load %arg10[%get3A_415, %get3A_416] {strides = array<i32>} : memref<1600x16xf32, #tpu.memory_space<vmem>>, vector<1x16xf32>,
        %get3A_418 = vector.shape_cast %get3A_417 : vector<1x16xf32> to vector<16xf32>
        %add3A_419 = arith.addf %add3A_403, %get3A_418 : vector<16xf32>
        %add3A_420 = arith.constant 44 : i32
        %add3A_421 = arith.addi %mul3A_73, %add3A_420 : i32
        %get3A_422 = arith.index_cast %add3A_421 : i32 to index
        %get3A_423 = arith.constant 0 : index
        %get3A_424 = tpu.vector_load %arg10[%get3A_422, %get3A_423] {strides = array<i32>} : memref<1600x16xf32, #tpu.memory_space<vmem>>, vector<1x16xf32>,
        %get3A_425 = vector.shape_cast %get3A_424 : vector<1x16xf32> to vector<16xf32>
        %add3A_426 = arith.addf %add3A_410, %get3A_425 : vector<16xf32>
        %add3A_427 = arith.constant 44 : i32
        %add3A_428 = arith.addi %mul3A_73, %add3A_427 : i32
        %add3A_429 = arith.constant 1 : i32
        %add3A_430 = arith.addi %add3A_428, %add3A_429 : i32
        %get3A_431 = arith.index_cast %add3A_430 : i32 to index
        %get3A_432 = arith.constant 0 : index
        %get3A_433 = tpu.vector_load %arg10[%get3A_431, %get3A_432] {strides = array<i32>} : memref<1600x16xf32, #tpu.memory_space<vmem>>, vector<1x16xf32>,
        %get3A_434 = vector.shape_cast %get3A_433 : vector<1x16xf32> to vector<16xf32>
        %add3A_435 = arith.addf %add3A_419, %get3A_434 : vector<16xf32>
        %add3A_436 = arith.constant 46 : i32
        %add3A_437 = arith.addi %mul3A_73, %add3A_436 : i32
        %get3A_438 = arith.index_cast %add3A_437 : i32 to index
        %get3A_439 = arith.constant 0 : index
        %get3A_440 = tpu.vector_load %arg10[%get3A_438, %get3A_439] {strides = array<i32>} : memref<1600x16xf32, #tpu.memory_space<vmem>>, vector<1x16xf32>,
        %get3A_441 = vector.shape_cast %get3A_440 : vector<1x16xf32> to vector<16xf32>
        %add3A_442 = arith.addf %add3A_426, %get3A_441 : vector<16xf32>
        %add3A_443 = arith.constant 46 : i32
        %add3A_444 = arith.addi %mul3A_73, %add3A_443 : i32
        %add3A_445 = arith.constant 1 : i32
        %add3A_446 = arith.addi %add3A_444, %add3A_445 : i32
        %get3A_447 = arith.index_cast %add3A_446 : i32 to index
        %get3A_448 = arith.constant 0 : index
        %get3A_449 = tpu.vector_load %arg10[%get3A_447, %get3A_448] {strides = array<i32>} : memref<1600x16xf32, #tpu.memory_space<vmem>>, vector<1x16xf32>,
        %get3A_450 = vector.shape_cast %get3A_449 : vector<1x16xf32> to vector<16xf32>
        %add3A_451 = arith.addf %add3A_435, %get3A_450 : vector<16xf32>
        %add3A_452 = arith.constant 48 : i32
        %add3A_453 = arith.addi %mul3A_73, %add3A_452 : i32
        %get3A_454 = arith.index_cast %add3A_453 : i32 to index
        %get3A_455 = arith.constant 0 : index
        %get3A_456 = tpu.vector_load %arg10[%get3A_454, %get3A_455] {strides = array<i32>} : memref<1600x16xf32, #tpu.memory_space<vmem>>, vector<1x16xf32>,
        %get3A_457 = vector.shape_cast %get3A_456 : vector<1x16xf32> to vector<16xf32>
        %add3A_458 = arith.addf %add3A_442, %get3A_457 : vector<16xf32>
        %add3A_459 = arith.constant 48 : i32
        %add3A_460 = arith.addi %mul3A_73, %add3A_459 : i32
        %add3A_461 = arith.constant 1 : i32
        %add3A_462 = arith.addi %add3A_460, %add3A_461 : i32
        %get3A_463 = arith.index_cast %add3A_462 : i32 to index
        %get3A_464 = arith.constant 0 : index
        %get3A_465 = tpu.vector_load %arg10[%get3A_463, %get3A_464] {strides = array<i32>} : memref<1600x16xf32, #tpu.memory_space<vmem>>, vector<1x16xf32>,
        %get3A_466 = vector.shape_cast %get3A_465 : vector<1x16xf32> to vector<16xf32>
        %add3A_467 = arith.addf %add3A_451, %get3A_466 : vector<16xf32>
        %add3A_468 = arith.addf %add3A_458, %add3A_467 : vector<16xf32>
        %mul3A_469 = arith.constant 2.000000e-02 : f32
        %mul3A_470 = vector.broadcast %mul3A_469 : f32 to vector<16xf32>
        %mul3A_471 = arith.mulf %add3A_468, %mul3A_470 : vector<16xf32>
        %mul3A_472 = arith.constant 32 : i32
        %mul3A_473 = arith.muli %add3A_51, %mul3A_472 : i32
        %add3A_474 = arith.addi %mul3A_473, %scan3A_71 : i32
        %swap3A = arith.index_cast %add3A_474 : i32 to index
        %swap3A_475 = arith.constant 0 : index
        %swap3A_476 = tpu.vector_load %arg11[%swap3A, %swap3A_475] {strides = array<i32>} : memref<512x16xf32, #tpu.memory_space<vmem>>, vector<1x16xf32>,
        %swap3A_477 = vector.shape_cast %swap3A_476 : vector<1x16xf32> to vector<16xf32>
        %swap3A_478 = vector.shape_cast %mul3A_471 : vector<16xf32> to vector<1x16xf32>
        tpu.vector_store %arg11[%swap3A, %swap3A_475], %swap3A_478 {strides = array<i32>} : memref<512x16xf32, #tpu.memory_space<vmem>>, vector<1x16xf32>,
      }
      %scan3A_63 = arith.constant 32 : i32
      %add3A_64 = arith.constant 2 : i32
      %add3A_65 = arith.addi %add3A_51, %add3A_64 : i32
      %lt3A_66 = arith.constant 16 : i32
      %lt3A_67 = arith.cmpi slt, %add3A_65, %lt3A_66 : i32
      %convert_element_type3A_68 = arith.extui %lt3A_67 : i1 to i32
      %cond3A_69 = arith.constant 0 : i32
      %cond3A_70 = arith.cmpi ne, %convert_element_type3A_68, %cond3A_69 : i32
      scf.if %cond3A_70 {
        %scan3A_71 = arith.constant 0 : i32
        %scan3A_72 = arith.constant 0 : i32
        %scan3A_73 = arith.constant 100 : i32
        %scan3A_74 = arith.addi %scan3A_72, %scan3A_73 : i32
        %scan3A_75 = arith.constant 1 : i32
        scf.for %scan3A_77 = %scan3A_72 to %scan3A_74 step %scan3A_75  : i32 {
          %mul3A_78 = arith.constant 1600 : i32
          %mul3A_79 = arith.muli %add3A_65, %mul3A_78 : i32
          %mul3A_80 = arith.constant 16 : i32
          %mul3A_81 = arith.muli %scan3A_77, %mul3A_80 : i32
          %add3A_82 = arith.addi %mul3A_79, %mul3A_81 : i32
          %get3A_83 = arith.index_cast %add3A_82 : i32 to index
          %get3A_84 = tpu.vector_load %arg8[%get3A_83] {strides = array<i32>} : memref<25600xi32, #tpu.memory_space<vmem>>, vector<16xi32>,
          %get3A_85 = vector.shape_cast %get3A_84 : vector<16xi32> to vector<16xi32>
          %mul3A_86 = arith.constant 16 : i32
          %mul3A_87 = arith.muli %scan3A_77, %mul3A_86 : i32
          %dma_start3A = arith.constant 0 : i32
          %dma_start3A_88 = tpu.memref_slice %arg10[%mul3A_87, %dma_start3A] : memref<1600x16xf32, #tpu.memory_space<vmem>> -> memref<16x16xf32, #tpu.memory_space<vmem>>
          %dma_start3A_89 = arith.constant 0 : i32
          %dma_start3A_90 = arith.constant 0 : i32
          %dma_start3A_91 = tpu.memref_slice %arg5[%dma_start3A_89, %dma_start3A_90] : memref<1000000x16xf32, #tpu.memory_space<hbm>> -> memref<1000000x16xf32, #tpu.memory_space<hbm>>
          tpu.enqueue_indirect_dma source(%dma_start3A_91 : memref<1000000x16xf32, #tpu.memory_space<hbm>>) target(%dma_start3A_88 : memref<16x16xf32, #tpu.memory_space<vmem>>) offsets(%get3A_85 : vector<16xi32>) semaphore(%arg16 : memref<!tpu.dma_semaphore, #tpu.memory_space<semaphore_mem>>)
        }
        %scan3A_76 = arith.constant 100 : i32
      } else {
      }
    }
    %scan3A_27 = arith.constant 8 : i32
    "tpu.region"() ({
      %run_scoped3A = tpu.sem_alloc : memref<!tpu.dma_semaphore, #tpu.memory_space<semaphore_mem>>
      %dma_start3A = arith.constant 0 : i32
      %dma_start3A_28 = tpu.memref_slice %arg6[%mul3A_2, %dma_start3A] : memref<16384x16xf32, #tpu.memory_space<hbm>> -> memref<512x16xf32, #tpu.memory_space<hbm>>
      %dma_start3A_29 = arith.constant 0 : i32
      %dma_start3A_30 = tpu.memref_slice %arg6[%mul3A_2, %dma_start3A_29] : memref<16384x16xf32, #tpu.memory_space<hbm>> -> memref<512x16xf32, #tpu.memory_space<hbm>>
      tpu.enqueue_dma source(%arg11 : memref<512x16xf32, #tpu.memory_space<vmem>>) target(%dma_start3A_30 : memref<512x16xf32, #tpu.memory_space<hbm>>) target_semaphore(%run_scoped3A : memref<!tpu.dma_semaphore, #tpu.memory_space<semaphore_mem>>)
      %dma_wait3A = arith.constant 0 : i32
      %dma_wait3A_31 = tpu.memref_slice %arg6[%mul3A_2, %dma_wait3A] : memref<16384x16xf32, #tpu.memory_space<hbm>> -> memref<512x16xf32, #tpu.memory_space<hbm>>
      %dma_wait3A_32 = arith.constant 0 : i32
      %dma_wait3A_33 = tpu.memref_slice %arg6[%mul3A_2, %dma_wait3A_32] : memref<16384x16xf32, #tpu.memory_space<hbm>> -> memref<512x16xf32, #tpu.memory_space<hbm>>
      tpu.wait_dma2 semaphore(%run_scoped3A : memref<!tpu.dma_semaphore, #tpu.memory_space<semaphore_mem>>) src(%arg11 : memref<512x16xf32, #tpu.memory_space<vmem>>) dst(%dma_wait3A_33 : memref<512x16xf32, #tpu.memory_space<hbm>>)
      tpu.yield
    }) : () -> ()
    return
  }
}

</mosaic_0001>

<sc_bundles>
// kernel: kernel.4.cloned.1.call-start
scs
__scs_entry_jumppad:
0x0: {  	(pc) =	sbr.rel $0x88, $3  }
0x1: {  	(tag) =	ssettag $0x0;
	lr =	simm.s32 $0x1  }
0x2: {  	[smem:$0x3F99] =	sst lr;
	_ =	strace $0xD0000000  }
0x3: {  	_ = 	snop  }
0x4: {  	_ = 	snop  }
0x5: {  	_ = 	snop  }
0x6: {  	_ = 	snop  }
0x7: {  	_ = 	snop  }
__scs_overlays_trampoline_lowered:
0x8: {  	[smem:$0x3FA8] =	sst s0  }
0x9: {  	[smem:$0x3FA9] =	sst s1  }
0xa: {  	[smem:$0x3FAA] =	sst s2  }
0xb: {  	[smem:$0x3FAB] =	sst s3  }
0xc: {  	[smem:$0x3FAC] =	sst s4  }
0xd: {  	[smem:$0x3FAD] =	sst s5  }
0xe: {  	[smem:$0x3FAE] =	sst s6  }
0xf: {  	[smem:$0x3FAF] =	sst s7  }
0x10: {  	[smem:$0x3FB0] =	sst s8  }
0x11: {  	[smem:$0x3FB1] =	sst s9;
	s0 =	simm.s32 @!p0 $0x0  }
0x12: {  	s1 =	sld [smem:$0x3F97];
	s0 =	simm.s32 @p0 $0x1  }
0x13: {  	[smem:$0x3FB2] =	sst s0;
	s0 =	simm.s32 @!p1 $0x0  }
0x14: {  	s2 =	sld [smem:$0x3F96];
	s0 =	simm.s32 @p1 $0x1  }
0x15: {  	[smem:$0x3FB3] =	sst s0;
	s0 =	simm.s32 @!p2 $0x0  }
0x16: {  	s3 =	sld [smem:$0x3FDB];
	s0 =	simm.s32 @p2 $0x1  }
0x17: {  	s4 =	simm.s32 $0x1BF5;
	[smem:$0x3FB5] =	sst s0  }
0x18: {  	s0 =	sld [smem:$0x3F98];
	_ =	swait.ge [sflag:s4], $0x0  }
0x19: {  	s7 =	sld [smem:$0x3F99]  }
0x1a: {  	s8 =	sadd.s32 $0xFFFFE003, lr  }
0x1b: {  	s9 =	sadd.s32 $0xFFFFFEF7, lr;
	s5 =	simm.s32 $0xFFFFFFFF;
	p2 =	slt.u32 s8, $0xFFFFF086  }
0x1c: {  	p1 =	slt.u32 s9, $0xF7A;
	s5 =	simm.s32 @!p2 $0x0  }
0x1d: {  	s5 =	simm.s32 @p1 $0x1;
	p0 =	seq.s32 s7, s2  }
0x1e: {  	s7 =	smul.u32 @!p0 $0xF7A, s2;
	p2 =	seq.s32 @!p0 s5, $0x0  }
0x1f: {  	s9 =	smul.u32 $0xF7A, s1;
	s8 =	simm.s32 @!p0 $0x1BF5;
	p2 =	por !p2, p0  }
0x20: {  	[sflag:s8] =	ssyncset.s32 @!p0 $0xFFFFF086;
	s6 =	sadd.s32 @!p0 s3, s7;
	s7 =	simm.s32 @!p0 $0x108  }
0x21: {  	s3 =	sadd.s32 s3, s9;
	s6 =	sadd.s32 @!p0 $0x88, s6;
	s7 =	simm.s32 @p2 $0x1082  }
0x22: {  	[simem:s7], [sflag:s8] =	dma.local @!p0 [hbm:s6], $0xF7A  }
0x23: {  	s9 =	sor.u32 $0xD0000000, s2;
	s6 =	simm.s32 $0x108;
	_ =	swait.ge @!p0 [sflag:s8], $0x0  }
0x24: {  	s3 =	sadd.s32 $0x88, s3;
	s6 =	simm.s32 @!p1 $0x1082;
	[sflag:s4] =	ssyncset.s32 $0xFFFFF086  }
0x25: {  	[simem:s6], [sflag:s4] =	dma.local [hbm:s3], $0xF7A  }
0x26: {  	[smem:$0x3F99] =	sst s1;
	(tag) =	ssettag s2;
	_ =	strace s9  }
0x27: {  	s1 =	sld [smem:$0x3FA9]  }
0x28: {  	s2 =	sld [smem:$0x3FAA]  }
0x29: {  	s4 =	sld [smem:$0x3FAC]  }
0x2a: {  	p0 =	seq.s32 s5, $0x0;
	s5 =	sld [smem:$0x3FAD]  }
0x2b: {  	s6 =	sld [smem:$0x3FAE]  }
0x2c: {  	s7 =	sld [smem:$0x3FAF]  }
0x2d: {  	s3 =	simm.s32 $0x108;
	s8 =	sld [smem:$0x3FB0]  }
0x2e: {  	s3 =	simm.s32 @!p0 $0x1082;
	s9 =	sld [smem:$0x3FB1]  }
0x2f: {  	lr =	sadd.s32 s0, s3;
	s0 =	sld [smem:$0x3FA8]  }
0x30: {  	s3 =	sld [smem:$0x3FAB]  }
0x31: {  	[smem:$0x3FB4] =	sst s10  }
0x32: {  	s10 =	sld [smem:$0x3FB2];
	_ =	sdelay $0x3  }
0x33: {  	p0 =	seq.s32 s10, $0x1;
	s10 =	sld [smem:$0x3FB4];
	_ =	sdelay $0x3  }
0x34: {  	[smem:$0x3FB4] =	sst s10  }
0x35: {  	s10 =	sld [smem:$0x3FB3];
	_ =	sdelay $0x3  }
0x36: {  	p1 =	seq.s32 s10, $0x1;
	s10 =	sld [smem:$0x3FB4];
	_ =	sdelay $0x3  }
0x37: {  	[smem:$0x3FB4] =	sst s10  }
0x38: {  	s10 =	sld [smem:$0x3FB5]  }
0x39: {  	_ = 	snop;
	(pc) =	sbr.ind lr, $3  }
0x3a: {  	_ = 	snop  }
0x3b: {  	_ = 	snop  }
0x3c: {  	p2 =	seq.s32 s10, $0x1;
	s10 =	sld [smem:$0x3FB4]  }
0x3d: {  	_ =	shalt  }
0x3e: {  	_ =	shalt  }
0x3f: {  	_ =	shalt  }
0x40: {  	_ =	shalt  }
0x41: {  	_ =	shalt  }
0x42: {  	_ =	shalt  }
0x43: {  	_ =	shalt  }
0x44: {  	_ =	shalt  }
0x45: {  	_ =	shalt  }
0x46: {  	_ =	shalt  }
0x47: {  	_ =	shalt  }
0x48: {  	_ =	shalt  }
0x49: {  	_ =	shalt  }
0x4a: {  	_ =	shalt  }
0x4b: {  	_ =	shalt  }
0x4c: {  	_ =	shalt  }
0x4d: {  	_ =	shalt  }
0x4e: {  	_ =	shalt  }
0x4f: {  	_ =	shalt  }
0x50: {  	_ =	shalt  }
0x51: {  	_ =	shalt  }
0x52: {  	_ =	shalt  }
0x53: {  	_ =	shalt  }
0x54: {  	_ =	shalt  }
0x55: {  	_ =	shalt  }
0x56: {  	_ =	shalt  }
0x57: {  	_ =	shalt  }
0x58: {  	_ =	shalt  }
0x59: {  	_ =	shalt  }
0x5a: {  	_ =	shalt  }
0x5b: {  	_ =	shalt  }
0x5c: {  	_ =	shalt  }
0x5d: {  	_ =	shalt  }
0x5e: {  	_ =	shalt  }
0x5f: {  	_ =	shalt  }
0x60: {  	_ =	shalt  }
0x61: {  	_ =	shalt  }
0x62: {  	_ =	shalt  }
0x63: {  	_ =	shalt  }
0x64: {  	_ =	shalt  }
0x65: {  	_ =	shalt  }
0x66: {  	_ =	shalt  }
0x67: {  	_ =	shalt  }
0x68: {  	_ =	shalt  }
0x69: {  	_ =	shalt  }
0x6a: {  	_ =	shalt  }
0x6b: {  	_ =	shalt  }
0x6c: {  	_ =	shalt  }
0x6d: {  	_ =	shalt  }
0x6e: {  	_ =	shalt  }
0x6f: {  	_ =	shalt  }
0x70: {  	_ =	shalt  }
0x71: {  	_ =	shalt  }
0x72: {  	_ =	shalt  }
0x73: {  	_ =	shalt  }
0x74: {  	_ =	shalt  }
0x75: {  	_ =	shalt  }
0x76: {  	_ =	shalt  }
0x77: {  	_ =	shalt  }
0x78: {  	_ =	shalt  }
0x79: {  	_ =	shalt  }
0x7a: {  	_ =	shalt  }
0x7b: {  	_ =	shalt  }
0x7c: {  	_ =	shalt  }
0x7d: {  	_ =	shalt  }
0x7e: {  	_ =	shalt  }
0x7f: {  	_ =	shalt  }
0x80: {  	_ =	shalt  }
0x81: {  	_ =	shalt  }
0x82: {  	_ =	shalt  }
0x83: {  	_ =	shalt  }
0x84: {  	_ =	shalt  }
0x85: {  	_ =	shalt  }
0x86: {  	_ =	shalt  }
0x87: {  	_ =	shalt  }
.Lfunc_end0:
.L_simem_size_0:
called_computation_lowered:
.L_overlay_start_0:
0x88: {  	s2 =	sld [smem:$0x3FD9]  }
0x89: {  	s3 =	sld [smem:$0x3FFE];
	_ =	sdelay $0x1  }
0x8a: {  	s1 =	srdreg.scid  }
0x8b: {  	s0 =	sand.u32 $0x1, s1  }
0x8c: {  	s15 =	sshll.u32 s0, $0xA;
	s2 =	sadd.s32 s3, s2  }
0x8d: {  	s2 =	sadd.s32 s2, s15  }
0x8e: {  	[smem:$0x3FC0] =	sst s2  }
0x8f: {  	_ = 	snop  }
0x90: {  	s4 =	sld [smem:$0x3FD0];
	_ =	sdelay $0x1  }
0x91: {  	s2 =	sld [smem:$0x3FC6]  }
0x92: {  	s5 =	simm.s32 $0xB;
	s6 =	simm.s32 $0x10;
	s16 =	sld [smem:$0x3FC2]  }
0x93: {  	[smem:s6], [sflag:s5] =	dma.local [hbm:s4], $0x1  }
0x94: {  	_ =	swait.eq [sflag:s5], $0x1  }
0x95: {  	[sflag:s5] =	ssyncset.done $0x0  }
0x96: {  	[sflag:s5] =	ssyncadd.s32 $0xFFFFFFFF  }
0x97: {  	s17 =	sld [smem:$0x13];
	(tm) =	ssettm $0x1  }
0x98: {  	s18 =	sld [smem:$0x3FFB];
	_ =	sdelay $0x3  }
0x99: {  	_ =	strace s18  }
0x9a: {  	s4 =	sld [smem:$0x3FFC];
	_ =	sdelay $0x3  }
0x9b: {  	_ =	strace s4  }
0x9c: {  	s4 =	sld [smem:$0x3FFD];
	_ =	sdelay $0x3  }
0x9d: {  	_ =	strace s4  }
0x9e: {  	_ =	strace $0x8FFFFFFF  }
0x9f: {  	s19 =	sld [smem:$0x3FDB];
	_ =	sdelay $0x1  }
0xa0: {  	s20 =	simm.s32 $_scs_section_size  }
0xa1: {  	s7 =	simm.s32 $_size__tile_overlayer_lowered;
	s8 =	simm.s32 $_tile_overlayer_lowered  }
0xa2: {  	s9 =	simm.s32 $0x1BFF;
	s21 =	sshll.u32 s8, $0x1;
	s6 =	sadd.s32 s20, s19  }
0xa3: {  	s22 =	simm.s32 $0x0;
	s7 =	sshll.u32 s7, $0x1;
	s8 =	sadd.s32 s21, s6  }
0xa4: {  	[timem:s22], [sflag:s9] =	dma.local [hbm:s8], s7  }
0xa5: {  	_ =	swait.ge [sflag:s9], s7  }
0xa6: {  	s7 =	ssub.s32 $0x0, s7;
	[sflag:s9] =	ssyncset.done $0x0  }
0xa7: {  	[sflag:s9] =	ssyncadd.s32 s7;
	_ =	sdelay $0x1  }
0xa8: {  	s23 =	simm.s32 $0x1B8B  }
0xa9: {  	_ =	swait.ge [sflag:s23], $0x1  }
0xaa: {  	[sflag:s23] =	ssyncset.done $0x0  }
0xab: {  	[sflag:s23] =	ssyncadd.s32 $0xFFFFFFFF  }
0xac: {  	s7 =	sld [smem:$0x0]  }
0xad: {  	s8 =	sand.u32 $0xFFFFFFFE, s1  }
0xae: {  	p0 =	sne.s32 s1, s8  }
0xaf: {  	s8 =	sshll.u32 @p0 s8, $0xE  }
0xb0: {  	s8 =	sadd.s32 @p0 $0x11B8D, s8;
	s9 =	sshll.u32 @p0 s7, $0x11  }
0xb1: {  	s8 =	sor.u32 @p0 s9, s8  }
0xb2: {  	[sflag:s8] =	ssyncadd.remote.s32 @p0 $0x1;
	_ =	sdelay $0x1  }
0xb3: {  	s8 =	simm.s32 @p0 $0x1B8D  }
0xb4: {  	_ =	swait.eq @p0 [sflag:s8], $0x1  }
0xb5: {  	[sflag:s8] =	ssyncadd.s32 @p0 $0xFFFFFFFF  }
0xb6: {  	s9 =	sshll.u32 @!p0 s1, $0xE  }
0xb7: {  	s9 =	sor.u32 @!p0 $0x4000, s9;
	s8 =	simm.s32 @!p0 $0x1B8D  }
0xb8: {  	s7 =	sshll.u32 @!p0 s7, $0x11;
	s9 =	sadd.s32 @!p0 $0x11B8D, s9;
	_ =	swait.eq @!p0 [sflag:s8], $0x1  }
0xb9: {  	s7 =	sor.u32 @!p0 s7, s9;
	[sflag:s8] =	ssyncadd.s32 @!p0 $0xFFFFFFFF  }
0xba: {  	s25 =	simm.s32 $0x1B8E;
	s24 =	sld [smem:$0x3FFE];
	[sflag:s7] =	ssyncadd.remote.s32 @!p0 $0x1  }
0xbb: {  	s26 =	simm.s32 $execute0_lowered;
	[smem:$0x3FD2] =	sst s25  }
0xbc: {  	s8 =	sshll.u32 s26, $0x1;
	_ =	strace $0x80000049;
	[dreg:$0x1] =	wrdreg $0xFFFFFFFF  }
0xbd: {  	s28 =	simm.s32 $_size_execute0_lowered;
	s6 =	sadd.s32 s6, s8;
	[dreg:$0x0] =	wrdreg $0x0  }
0xbe: {  	s8 =	sshll.u32 s28, $0x1;
	[dreg:$0x2] =	wrdreg s6  }
0xbf: {  	[dreg:$0x3] =	wrdreg s8  }
0xc0: {  	[dreg:$0x4] =	wrdreg $0xC0  }
0xc1: {  	_ =	task [dreg:s22], $0x5FFFF  }
0xc2: {  	[dreg:$0x1] =	wrdreg $0xFFFFFFFF  }
0xc3: {  	[dreg:$0x0] =	wrdreg $0x60  }
0xc4: {  	[dreg:$0x2] =	wrdreg s24  }
0xc5: {  	[dreg:$0x3] =	wrdreg s2  }
0xc6: {  	[dreg:$0x4] =	wrdreg s16  }
0xc7: {  	[dreg:$0x5] =	wrdreg s17  }
0xc8: {  	[dreg:$0x6] =	wrdreg $0x9  }
0xc9: {  	_ =	task.clear_ibuf [dreg:s22], $0x7FFFF;
	_ =	strace $0x90000049  }
0xca: {  	s29 =	simm.s32 $0x9;
	_ =	strace $0x8000004B  }
0xcb: {  	_ =	swait.ge [sflag:s29], $0x1  }
0xcc: {  	[sflag:s29] =	ssyncadd.s32 $0xFFFFFFFF  }
0xcd: {  	_ =	strace $0x9000004B  }
0xce: {  	_ =	sfence  }
0xcf: {  	s30 =	sld [smem:$0x0];
	_ =	sdelay $0x2  }
0xd0: {  	s31 =	sshll.u32 s1, $0xD;
	s1 =	sshrl.u32 s1, $0x2  }
0xd1: {  	s3 =	sand.u32 $0x4000, s31;
	s1 =	sadd.s32 s1, s30  }
0xd2: {  	s0 =	sor.u32 s3, s0;
	s1 =	sshll.u32 s1, $0x11  }
0xd3: {  	s0 =	sor.u32 s1, s0  }
0xd4: {  	s0 =	sadd.s32 $0x8F2B, s0  }
0xd5: {  	[sflag:s0] =	ssyncadd.remote.s32 $0x1  }
0xd6: {  	_ =	sfence.sel $0xFFFF  }
0xd7: {  	[dreg:$0x0] =	wrdreg $0xFFFFFFFF;
	(pc) =	sbr.abs _section_cstart, $3  }
0xd8: {  	[dreg:$0x1] =	wrdreg $0xFFFFFFFF  }
0xd9: {  	_ =	task.clear_ibuf [dreg:s22], $0x2FFFF;
	_ =	strace $0x9FFFFFFF  }
0xda: {  	(tm) =	ssettm $0x7FFFFFFF  }
0xdb: {  	_ =	shalt  }
tec
execute0_lowered:
.L_overlay_start_1:
0x0: {  	(tag) =	ssettag $0x1  }
0x1: {  	s5 =	rddreg [dreg:$0x0]  }
0x2: {  	s6 =	rddreg [dreg:$0x1]  }
0x3: {  	s2 =	rddreg [dreg:$0x2];
	s1 =	srdreg.scid  }
0x4: {  	s0 =	stileid.u32;
	s8 =	rddreg [dreg:$0x3]  }
0x5: {  	s3 =	simm.s32 $0x0;
	s13 =	simm.s32 $0x14C00;
	s14 =	simm.s32 $0x1  }
0x6: {  	s15 =	simm.s32 $0x2;
	s16 =	simm.s32 $0x12C00;
	s17 =	simm.s32 $0x0  }
0x7: {  	s4 =	sand.u32 $0x1, s1;
	s7 =	sshll.u32 s0, $0x1;
	[smem:$0x7FF] =	sst s3  }
0x8: {  	s1 =	rddreg [dreg:$0x4];
	s7 =	sor.u32 s4, s7;
	_ =	strace $0x8000004A  }
0x9: {  	s11 =	ssub.s32 $0x2, s4;
	s4 =	sadd.s32 $0x2E48200, s5;
	s9 =	smul.u32 $0xC80, s7  }
.Ltmp0:
0xa: {  	s10 =	sshll.u32 s7, $0xA;
	s31 =	sshrl.u32 s11, $0x1;
	(pc) =	sbr.rel .LBB2_1-.Ltmp0, $4  }
0xb: {  	s7 =	sshll.u32 s7, $0x6;
	s12 =	sadd.s32 s10, s5;
	s11 =	ssub.s32 s11, s31  }
0xc: {  	s6 =	sadd.s32 s6, s7;
	s8 =	sadd.s32 s8, s10;
	s10 =	simm.s32 $0x3  }
0xd: {  	s9 =	sadd.s32 s9, s5;
	s7 =	sadd.s32 $0x1F1EE00, s12;
	s12 =	simm.s32 $0x16E00  }
0xe: {  	vm0 =	vmmov $0xffff;
	s5 =	sadd.s32 $0x1F05E00, s9;
	s9 =	smax.u32 s11, $0x1;
	s11 =	simm.s32 $0x16C00  }
.LBB2_23:
0xf: {  	s17 =	sadd.s32 $0x1, s17  }
0x10: {  	p0 =	sne.s32 s17, s9  }
.Ltmp1:
0x11: {  	_ = 	snop;
	(pc) =	sbr.rel @!p0 .LBB2_24-.Ltmp1, $4  }
0x12: {  	[hbm4b:s8+s3] =	stream.linear.scatter [tilespmem:s16], [sflag:$0x3], $0x2000, $0x38;
	[tilespmem:$0x16E10] =	vst v63  }
0x13: {  	_ =	swait.ge [sflag:s10], $0x2000  }
0x14: {  	[sflag:s10] =	ssyncset.done $0x0  }
0x15: {  	[sflag:s10] =	ssyncadd.s32 $0xFFFFE000  }
.LBB2_1:
0x16: {  	[tilespmem:s3], [sflag:$0x3] =	stream.linear.gather [hbm4b:s5+s3], $0x6400, $0x38;
	[tilespmem:$0x16E10] =	vst v63  }
0x17: {  	_ =	swait.ge [sflag:s10], $0x6400  }
0x18: {  	[sflag:s10] =	ssyncset.done $0x0  }
0x19: {  	[sflag:s10] =	ssyncadd.s32 $0xFFFF9C00  }
0x1a: {  	[tilespmem:s11], [sflag:$0x3] =	stream.linear.gather [hbm4b:s6+s3], $0x200, $0x38;
	[tilespmem:$0x16E10] =	vst v63  }
0x1b: {  	_ =	swait.ge [sflag:s10], $0x200  }
0x1c: {  	[sflag:s10] =	ssyncset.done $0x0  }
0x1d: {  	[sflag:s10] =	ssyncadd.s32 $0xFFFFFE00  }
0x1e: {  	[tilespmem:s12], [sflag:$0x3] =	stream.linear.gather [hbm4b:s2+s3], $0x10, $0x38;
	[tilespmem:$0x16E10] =	vst v63  }
0x1f: {  	_ =	swait.ge [sflag:s10], $0x10  }
0x20: {  	[sflag:s10] =	ssyncset.done $0x0  }
0x21: {  	s18 =	simm.s32 $0x0;
	[sflag:s10] =	ssyncadd.s32 $0xFFFFFFF0  }
0x22: {  	v0 =	vld [tilespmem:s18+$0x0];
	_ =	sdelay $0x6  }
0x23: {  	s19 =	simm.s32 $0x10;
	s18 =	simm.s32 $0x6400  }
0x24: {  	[tilespmem:s18], [sflag:$0x1] =	stream.indirect_vreg.gather [hbm4b:s4+s3], $0x10, v0, vm0, $0xb8;
	[tilespmem:$0x16E10] =	vst v63  }
0x25: {  	v0 =	vld [tilespmem:s19+$0x0];
	s19 =	simm.s32 $0x80  }
.LBB2_2:
0x26: {  	p0 =	sne.s32 s19, $0x18C0;
	_ =	sdelay $0x3  }
.Ltmp2:
0x27: {  	(pc) =	sbr.rel @p0 .LBB2_2-.Ltmp2, $4  }
0x28: {  	_ = 	snop  }
0x29: {  	s21 =	sshra.s32 s19, $0x2;
	s20 =	simm.s32 $0x0;
	s18 =	sadd.s32 $0x100, s18  }
0x2a: {  	[tilespmem:s18], [sflag:$0x1] =	stream.indirect_vreg.gather [hbm4b:s4+s20], $0x10, v0, vm0, $0xb8;
	[tilespmem:$0x16E10] =	vst v63  }
0x2b: {  	s19 =	sadd.s32 $0x40, s19;
	v0 =	vld [tilespmem:s21+$0x0]  }
0x2c: {  	_ =	sdelay $0x3  }
0x2d: {  	p1 =	por $0x1, $0x1  }
.Ltmp3:
0x2e: {  	_ = 	snop;
	(pc) =	sbr.rel @!p1 .LBB2_4-.Ltmp3, $4  }
0x2f: {  	_ = 	snop  }
0x30: {  	s18 =	sadd.s32 $0x100, s18;
	s19 =	simm.s32 $0x0  }
0x31: {  	[tilespmem:s18], [sflag:$0x1] =	stream.indirect_vreg.gather [hbm4b:s4+s20], $0x10, v0, vm0, $0xb8;
	[tilespmem:$0x16E10] =	vst v63  }
0x32: {  	p0 =	por $0x0, $0x0;
	s18 =	simm.s32 $0xC800;
	v0 =	vld [tilespmem:s19+$0x640]  }
0x33: {  	_ =	sdelay $0x3  }
0x34: {  	p1 =	por $0x1, $0x1  }
.Ltmp4:
0x35: {  	_ = 	snop;
	(pc) =	sbr.rel @!p1 .LBB2_6-.Ltmp4, $4  }
0x36: {  	_ = 	snop  }
0x37: {  	s19 =	simm.s32 $0x10  }
0x38: {  	[tilespmem:s18], [sflag:$0x2] =	stream.indirect_vreg.gather [hbm4b:s4+s3], $0x10, v0, vm0, $0xb8;
	[tilespmem:$0x16E10] =	vst v63  }
0x39: {  	s20 =	simm.s32 $0x80;
	p0 =	por $0x1, $0x1;
	v0 =	vld [tilespmem:s19+$0x640];
	s19 =	simm.s32 $0xC800  }
.LBB2_7:
0x3a: {  	p1 =	sne.s32 s20, $0x18C0;
	_ =	sdelay $0x3  }
.Ltmp5:
0x3b: {  	(pc) =	sbr.rel @p1 .LBB2_7-.Ltmp5, $4  }
0x3c: {  	_ = 	snop  }
0x3d: {  	s21 =	sshra.s32 s20, $0x2;
	s19 =	sadd.s32 $0x100, s19  }
0x3e: {  	[tilespmem:s19], [sflag:$0x2] =	stream.indirect_vreg.gather [hbm4b:s4+s3], $0x10, v0, vm0, $0xb8;
	[tilespmem:$0x16E10] =	vst v63  }
0x3f: {  	s20 =	sadd.s32 $0x40, s20;
	v0 =	vld [tilespmem:s21+$0x640]  }
.LBB2_8:
0x40: {  	_ =	sdelay $0x5  }
0x41: {  	s19 =	sadd.s32 @p0 $0x100, s19  }
0x42: {  	s31 =	simm.s32 $0x0;
	s18 =	smov.u32 @p0 s19  }
0x43: {  	[tilespmem:s18], [sflag:$0x2] =	stream.indirect_vreg.gather [hbm4b:s4+s3], $0x10, v0, vm0, $0xb8;
	[tilespmem:$0x16E10] =	vst v63  }
0x44: {  	v1 =	vld [tilespmem:s31+$0x16C00];
	_ =	sdelay $0x1  }
0x45: {  	v0 =	vld [tilespmem:$0x16E00];
	_ =	sdelay $0x2  }
0x46: {  	v2 =	vbroadcast v1, $0x0  }
0x47: {  	v3 =	vbroadcast v1, $0x1  }
0x48: {  	v4 =	vbroadcast v1, $0x2;
	v2 =	vmul.f32 v2, v0  }
0x49: {  	s18 =	simm.s32 $0x14C80;
	v5 =	vbroadcast v1, $0x3;
	v3 =	vmul.f32 v3, v0  }
0x4a: {  	v6 =	vbroadcast v1, $0x5;
	v4 =	vmul.f32 v4, v0;
	[tilespmem:s18+$0xFFFFFF80] =	vst v2  }
0x4b: {  	v59 =	vbroadcast v1, $0xA;
	v5 =	vmul.f32 v5, v0;
	[tilespmem:s18+$0xFFFFFF90] =	vst v3  }
0x4c: {  	v6 =	vmul.f32 v6, v0;
	v2 =	vbroadcast v1, $0x4;
	[tilespmem:s18+$0xFFFFFFA0] =	vst v4  }
0x4d: {  	v60 =	vmul.f32 v59, v0;
	v3 =	vbroadcast v1, $0x6;
	[tilespmem:s18+$0xFFFFFFB0] =	vst v5  }
0x4e: {  	v61 =	vbroadcast v1, $0xD;
	[tilespmem:s18+$0xFFFFFFD0] =	vst v6;
	v2 =	vmul.f32 v2, v0  }
0x4f: {  	v57 =	vbroadcast v1, $0x7;
	[tilespmem:s18+$0x20] =	vst v60;
	v3 =	vmul.f32 v3, v0  }
0x50: {  	v63 =	vmul.f32 v61, v0;
	[tilespmem:s18+$0xFFFFFFC0] =	vst v2;
	v2 =	vbroadcast v1, $0x8  }
0x51: {  	v4 =	vmul.f32 v57, v0;
	[tilespmem:s18+$0xFFFFFFE0] =	vst v3;
	v3 =	vbroadcast v1, $0xB  }
0x52: {  	v58 =	vbroadcast v1, $0x9;
	[tilespmem:s18+$0x50] =	vst v63;
	v2 =	vmul.f32 v2, v0  }
0x53: {  	v62 =	vbroadcast v1, $0xE;
	[tilespmem:s18+$0xFFFFFFF0] =	vst v4;
	v3 =	vmul.f32 v3, v0  }
0x54: {  	v5 =	vmul.f32 v58, v0;
	[tilespmem:s18+$0x0] =	vst v2;
	v2 =	vbroadcast v1, $0xC  }
0x55: {  	v1 =	vbroadcast v1, $0xF;
	[tilespmem:s18+$0x30] =	vst v3;
	v3 =	vmul.f32 v62, v0  }
0x56: {  	[tilespmem:s18+$0x10] =	vst v5;
	v2 =	vmul.f32 v2, v0  }
0x57: {  	v1 =	vmul.f32 v1, v0;
	[tilespmem:s18+$0x60] =	vst v3  }
0x58: {  	[tilespmem:s18+$0x40] =	vst v2  }
0x59: {  	s20 =	simm.s32 $0x10;
	s19 =	simm.s32 $0x80;
	[tilespmem:s18+$0x70] =	vst v1  }
.LBB2_9:
0x5a: {  	p0 =	sne.s32 s19, $0x7C0;
	v1 =	vld [tilespmem:s20+$0x16C00];
	_ =	sdelay $0x4  }
0x5b: {  	v2 =	vbroadcast v1, $0x0;
	v3 =	vbroadcast v1, $0x1  }
0x5c: {  	v4 =	vbroadcast v1, $0x2;
	v5 =	vbroadcast v1, $0x3  }
0x5d: {  	v2 =	vmul.f32 v2, v0;
	v3 =	vmul.f32 v3, v0  }
0x5e: {  	s18 =	sadd.s32 $0x100, s18;
	v4 =	vmul.f32 v4, v0;
	v5 =	vmul.f32 v5, v0  }
0x5f: {  	v6 =	vbroadcast v1, $0x5;
	[tilespmem:s18+$0xFFFFFF80] =	vst v2;
	v2 =	vbroadcast v1, $0x4  }
0x60: {  	v7 =	vbroadcast v1, $0x7;
	[tilespmem:s18+$0xFFFFFF90] =	vst v3;
	v3 =	vbroadcast v1, $0x6  }
0x61: {  	[tilespmem:s18+$0xFFFFFFA0] =	vst v4;
	v2 =	vmul.f32 v2, v0;
	v4 =	vmul.f32 v6, v0  }
0x62: {  	[tilespmem:s18+$0xFFFFFFB0] =	vst v5;
	v3 =	vmul.f32 v3, v0;
	v5 =	vmul.f32 v7, v0  }
0x63: {  	v6 =	vbroadcast v1, $0x9;
	[tilespmem:s18+$0xFFFFFFC0] =	vst v2;
	v2 =	vbroadcast v1, $0x8  }
0x64: {  	v7 =	vbroadcast v1, $0xB;
	[tilespmem:s18+$0xFFFFFFD0] =	vst v4;
	v4 =	vbroadcast v1, $0xA  }
0x65: {  	[tilespmem:s18+$0xFFFFFFE0] =	vst v3;
	v2 =	vmul.f32 v2, v0;
	v3 =	vmul.f32 v6, v0  }
0x66: {  	[tilespmem:s18+$0xFFFFFFF0] =	vst v5;
	v4 =	vmul.f32 v4, v0;
	v5 =	vmul.f32 v7, v0  }
0x67: {  	v6 =	vbroadcast v1, $0xD;
	[tilespmem:s18+$0x0] =	vst v2;
	v2 =	vbroadcast v1, $0xC  }
0x68: {  	[tilespmem:s18+$0x10] =	vst v3;
	v3 =	vbroadcast v1, $0xE;
	v1 =	vbroadcast v1, $0xF  }
0x69: {  	[tilespmem:s18+$0x20] =	vst v4;
	v2 =	vmul.f32 v2, v0;
	v4 =	vmul.f32 v6, v0  }
.Ltmp6:
0x6a: {  	[tilespmem:s18+$0x30] =	vst v5;
	v3 =	vmul.f32 v3, v0;
	v1 =	vmul.f32 v1, v0;
	(pc) =	sbr.rel @p0 .LBB2_9-.Ltmp6, $4  }
0x6b: {  	[tilespmem:s18+$0x40] =	vst v2  }
0x6c: {  	[tilespmem:s18+$0x50] =	vst v4  }
0x6d: {  	[tilespmem:s18+$0x60] =	vst v3  }
0x6e: {  	s20 =	sshra.s32 s19, $0x2;
	s19 =	sadd.s32 $0x40, s19;
	[tilespmem:s18+$0x70] =	vst v1  }
0x6f: {  	v1 =	vld [tilespmem:s20+$0x16C00];
	_ =	sdelay $0x4  }
0x70: {  	v2 =	vbroadcast v1, $0x0  }
0x71: {  	v3 =	vbroadcast v1, $0x1;
	v4 =	vbroadcast v1, $0x2  }
0x72: {  	v5 =	vbroadcast v1, $0x3;
	v50 =	vbroadcast v1, $0x4  }
0x73: {  	v6 =	vbroadcast v1, $0x5;
	v51 =	vbroadcast v1, $0x6  }
0x74: {  	v52 =	vbroadcast v1, $0x7;
	v53 =	vbroadcast v1, $0x8  }
0x75: {  	v54 =	vbroadcast v1, $0x9;
	v2 =	vmul.f32 v2, v0  }
0x76: {  	s18 =	sadd.s32 $0x100, s18;
	v55 =	vbroadcast v1, $0xA;
	v3 =	vmul.f32 v3, v0  }
0x77: {  	v56 =	vbroadcast v1, $0xB;
	v4 =	vmul.f32 v4, v0;
	[tilespmem:s18+$0xFFFFFF80] =	vst v2  }
0x78: {  	v58 =	vbroadcast v1, $0xC;
	v5 =	vmul.f32 v5, v0;
	[tilespmem:s18+$0xFFFFFF90] =	vst v3  }
0x79: {  	v59 =	vbroadcast v1, $0xD;
	v6 =	vmul.f32 v6, v0;
	[tilespmem:s18+$0xFFFFFFA0] =	vst v4  }
0x7a: {  	v60 =	vbroadcast v1, $0xE;
	v57 =	vmul.f32 v55, v0;
	[tilespmem:s18+$0xFFFFFFB0] =	vst v5  }
0x7b: {  	v1 =	vbroadcast v1, $0xF;
	v61 =	vmul.f32 v59, v0;
	[tilespmem:s18+$0xFFFFFFD0] =	vst v6  }
0x7c: {  	v62 =	vmul.f32 v60, v0;
	[tilespmem:s18+$0x20] =	vst v57  }
0x7d: {  	v63 =	vmul.f32 v1, v0;
	[tilespmem:s18+$0x50] =	vst v61  }
0x7e: {  	v2 =	vmul.f32 v50, v0;
	[tilespmem:s18+$0x60] =	vst v62  }
0x7f: {  	v3 =	vmul.f32 v51, v0;
	[tilespmem:s18+$0x70] =	vst v63  }
0x80: {  	v4 =	vmul.f32 v52, v0;
	[tilespmem:s18+$0xFFFFFFC0] =	vst v2  }
0x81: {  	v5 =	vmul.f32 v54, v0;
	[tilespmem:s18+$0xFFFFFFE0] =	vst v3  }
0x82: {  	v2 =	vmul.f32 v53, v0;
	[tilespmem:s18+$0xFFFFFFF0] =	vst v4  }
0x83: {  	v3 =	vmul.f32 v56, v0;
	[tilespmem:s18+$0x10] =	vst v5  }
0x84: {  	[tilespmem:s18+$0x0] =	vst v2;
	v2 =	vmul.f32 v58, v0  }
0x85: {  	[tilespmem:s18+$0x30] =	vst v3  }
0x86: {  	[tilespmem:s18+$0x40] =	vst v2;
	s18 =	simm.s32 $0x0  }
0x87: {  	[hbm4b:s7+s18] =	stream.linear.scatter [tilespmem:s13], [sflag:$0x3], $0x2000, $0x38;
	[tilespmem:$0x16E10] =	vst v63  }
0x88: {  	_ =	swait.ge [sflag:s10], $0x2000  }
0x89: {  	s19 =	simm.s32 $0x12C00;
	s20 =	simm.s32 $0xC80;
	[sflag:s10] =	ssyncset.done $0x0  }
0x8a: {  	s21 =	simm.s32 $0x12E00;
	s22 =	simm.s32 $0x12C0;
	[sflag:s10] =	ssyncadd.s32 $0xFFFFE000  }
.LBB2_11:
0x8b: {  	_ =	swait.ge [sflag:s14], $0x6400  }
0x8c: {  	[sflag:s14] =	ssyncset.done $0x0  }
0x8d: {  	s24 =	simm.s32 $0x6590;
	[sflag:s14] =	ssyncadd.s32 $0xFFFF9C00  }
0x8e: {  	v1 =	vld [tilespmem:s24+$0xFFFFFE90]  }
0x8f: {  	v2 =	vld [tilespmem:s24+$0xFFFFFE70]  }
0x90: {  	v3 =	vld [tilespmem:s24+$0xFFFFFE80]  }
0x91: {  	v0 =	vmov s19;
	s25 =	simm.s32 $0x40;
	s23 =	simm.s32 $0x0;
	v4 =	vld [tilespmem:s24+$0xFFFFFEA0]  }
.LBB2_12:
0x92: {  	p0 =	sne.s32 s25, $0x7C0;
	v5 =	vld [tilespmem:s24+$0xFFFFFEB0]  }
0x93: {  	v6 =	vld [tilespmem:s24+$0xFFFFFEC0]  }
0x94: {  	v7 =	vld [tilespmem:s24+$0xFFFFFED0]  }
0x95: {  	v8 =	vld [tilespmem:s24+$0xFFFFFEE0]  }
0x96: {  	v1 =	vadd.f32 v1, v2;
	v2 =	vadd.f32 v4, v3;
	v3 =	vld [tilespmem:s24+$0xFFFFFEF0]  }
0x97: {  	v4 =	vld [tilespmem:s24+$0xFFFFFF00]  }
0x98: {  	v1 =	vadd.f32 v5, v1;
	v2 =	vadd.f32 v6, v2;
	v5 =	vld [tilespmem:s24+$0xFFFFFF10]  }
0x99: {  	v6 =	vld [tilespmem:s24+$0xFFFFFF20]  }
0x9a: {  	v1 =	vadd.f32 v7, v1;
	v2 =	vadd.f32 v8, v2;
	v7 =	vld [tilespmem:s24+$0xFFFFFF30]  }
0x9b: {  	v8 =	vld [tilespmem:s24+$0xFFFFFF40]  }
0x9c: {  	v1 =	vadd.f32 v3, v1;
	v2 =	vadd.f32 v4, v2;
	v3 =	vld [tilespmem:s24+$0xFFFFFF50]  }
0x9d: {  	v4 =	vld [tilespmem:s24+$0xFFFFFF60]  }
0x9e: {  	v1 =	vadd.f32 v5, v1;
	v2 =	vadd.f32 v6, v2;
	v5 =	vld [tilespmem:s24+$0xFFFFFF70]  }
0x9f: {  	v6 =	vld [tilespmem:s24+$0xFFFFFF80]  }
0xa0: {  	v1 =	vadd.f32 v7, v1;
	v2 =	vadd.f32 v8, v2;
	v7 =	vld [tilespmem:s24+$0xFFFFFF90]  }
0xa1: {  	v8 =	vld [tilespmem:s24+$0xFFFFFFA0]  }
0xa2: {  	v1 =	vadd.f32 v3, v1;
	v2 =	vadd.f32 v4, v2;
	v3 =	vld [tilespmem:s24+$0xFFFFFFB0]  }
0xa3: {  	v4 =	vld [tilespmem:s24+$0xFFFFFFC0]  }
0xa4: {  	v1 =	vadd.f32 v5, v1;
	v2 =	vadd.f32 v6, v2;
	v5 =	vld [tilespmem:s24+$0xFFFFFFD0]  }
0xa5: {  	v6 =	vld [tilespmem:s24+$0xFFFFFFE0]  }
0xa6: {  	v1 =	vadd.f32 v7, v1;
	v2 =	vadd.f32 v8, v2;
	v7 =	vld [tilespmem:s24+$0xFFFFFFF0]  }
0xa7: {  	v8 =	vld [tilespmem:s24+$0x0]  }
0xa8: {  	v1 =	vadd.f32 v3, v1;
	v2 =	vadd.f32 v4, v2;
	v3 =	vld [tilespmem:s24+$0x10]  }
0xa9: {  	v4 =	vld [tilespmem:s24+$0x20]  }
0xaa: {  	v1 =	vadd.f32 v5, v1;
	v2 =	vadd.f32 v6, v2;
	v5 =	vld [tilespmem:s24+$0x30]  }
0xab: {  	v6 =	vld [tilespmem:s24+$0x40]  }
0xac: {  	v1 =	vadd.f32 v7, v1;
	v2 =	vadd.f32 v8, v2;
	v7 =	vld [tilespmem:s24+$0x50]  }
0xad: {  	v8 =	vld [tilespmem:s24+$0x60]  }
0xae: {  	v1 =	vadd.f32 v3, v1;
	v2 =	vadd.f32 v4, v2;
	v3 =	vld [tilespmem:s24+$0x70]  }
0xaf: {  	v4 =	vld [tilespmem:s24+$0x80]  }
0xb0: {  	v1 =	vadd.f32 v5, v1;
	v2 =	vadd.f32 v6, v2;
	v5 =	vld [tilespmem:s24+$0x90]  }
0xb1: {  	v6 =	vld [tilespmem:s24+$0xA0]  }
0xb2: {  	v1 =	vadd.f32 v7, v1;
	v2 =	vadd.f32 v8, v2;
	v7 =	vld [tilespmem:s24+$0xB0]  }
0xb3: {  	v8 =	vld [tilespmem:s24+$0xC0]  }
0xb4: {  	v1 =	vadd.f32 v3, v1;
	v2 =	vadd.f32 v4, v2;
	v3 =	vld [tilespmem:s24+$0xD0]  }
0xb5: {  	v4 =	vld [tilespmem:s24+$0xE0]  }
0xb6: {  	v1 =	vadd.f32 v5, v1;
	v2 =	vadd.f32 v6, v2;
	v5 =	vld [tilespmem:s24+$0xF0]  }
0xb7: {  	v6 =	vld [tilespmem:s24+$0x100]  }
0xb8: {  	v1 =	vadd.f32 v7, v1;
	v2 =	vadd.f32 v8, v2;
	v7 =	vld [tilespmem:s24+$0x110]  }
0xb9: {  	v8 =	vld [tilespmem:s24+$0x120]  }
0xba: {  	v1 =	vadd.f32 v3, v1;
	v2 =	vadd.f32 v4, v2;
	v3 =	vld [tilespmem:s24+$0x130]  }
0xbb: {  	v4 =	vld [tilespmem:s24+$0x140]  }
0xbc: {  	v1 =	vadd.f32 v5, v1;
	v2 =	vadd.f32 v6, v2;
	v5 =	vld [tilespmem:s24+$0x150]  }
0xbd: {  	v6 =	vld [tilespmem:s24+$0x160]  }
0xbe: {  	v1 =	vadd.f32 v7, v1;
	v2 =	vadd.f32 v8, v2;
	v7 =	vld [tilespmem:s24+$0x170]  }
0xbf: {  	v8 =	vld [tilespmem:s24+$0x180]  }
0xc0: {  	v1 =	vadd.f32 v3, v1;
	v2 =	vadd.f32 v4, v2;
	_ =	sdelay $0x1  }
0xc1: {  	v1 =	vadd.f32 v5, v1;
	v2 =	vadd.f32 v6, v2;
	_ =	sdelay $0x1  }
0xc2: {  	v1 =	vadd.f32 v7, v1;
	v2 =	vadd.f32 v8, v2;
	_ =	sdelay $0x1  }
0xc3: {  	v1 =	vadd.f32 v2, v1;
	_ =	sdelay $0x1  }
0xc4: {  	v1 =	vmul.f32 $1.999999960e-02, v1  }
0xc5: {  	s26 =	sshra.s32 s23, $0x2;
	s23 =	smov.u32 s25  }
.Ltmp7:
0xc6: {  	s24 =	sadd.s32 $0x320, s24;
	[tilespmem:v0+s26+$0x0 ss:$0x1] =	vst.idx.msk $0xffff, v1;
	(pc) =	sbr.rel @p0 .LBB2_12-.Ltmp7, $4  }
0xc7: {  	v1 =	vld [tilespmem:s24+$0xFFFFFE90]  }
0xc8: {  	v2 =	vld [tilespmem:s24+$0xFFFFFE70]  }
0xc9: {  	v3 =	vld [tilespmem:s24+$0xFFFFFE80]  }
0xca: {  	s25 =	sadd.s32 $0x40, s25;
	v4 =	vld [tilespmem:s24+$0xFFFFFEA0]  }
0xcb: {  	v5 =	vld [tilespmem:s24+$0xFFFFFEB0]  }
0xcc: {  	v6 =	vld [tilespmem:s24+$0xFFFFFEC0]  }
0xcd: {  	v7 =	vld [tilespmem:s24+$0xFFFFFED0]  }
0xce: {  	v8 =	vld [tilespmem:s24+$0xFFFFFEE0]  }
0xcf: {  	v22 =	vld [tilespmem:s24+$0xFFFFFEF0];
	v1 =	vadd.f32 v1, v2;
	v21 =	vadd.f32 v4, v3  }
0xd0: {  	v23 =	vld [tilespmem:s24+$0xFFFFFF00]  }
0xd1: {  	v24 =	vld [tilespmem:s24+$0xFFFFFF10];
	v1 =	vadd.f32 v5, v1;
	v2 =	vadd.f32 v6, v21  }
0xd2: {  	v25 =	vld [tilespmem:s24+$0xFFFFFF20]  }
0xd3: {  	v26 =	vld [tilespmem:s24+$0xFFFFFF30];
	v1 =	vadd.f32 v7, v1;
	v2 =	vadd.f32 v8, v2  }
0xd4: {  	v27 =	vld [tilespmem:s24+$0xFFFFFF40]  }
0xd5: {  	v28 =	vld [tilespmem:s24+$0xFFFFFF50];
	v1 =	vadd.f32 v22, v1;
	v2 =	vadd.f32 v23, v2  }
0xd6: {  	v29 =	vld [tilespmem:s24+$0xFFFFFF60]  }
0xd7: {  	v30 =	vld [tilespmem:s24+$0xFFFFFF70];
	v1 =	vadd.f32 v24, v1;
	v2 =	vadd.f32 v25, v2  }
0xd8: {  	v31 =	vld [tilespmem:s24+$0xFFFFFF80]  }
0xd9: {  	v32 =	vld [tilespmem:s24+$0xFFFFFF90];
	v1 =	vadd.f32 v26, v1;
	v2 =	vadd.f32 v27, v2  }
0xda: {  	v33 =	vld [tilespmem:s24+$0xFFFFFFA0]  }
0xdb: {  	v34 =	vld [tilespmem:s24+$0xFFFFFFB0];
	v1 =	vadd.f32 v28, v1;
	v2 =	vadd.f32 v29, v2  }
0xdc: {  	v35 =	vld [tilespmem:s24+$0xFFFFFFC0]  }
0xdd: {  	v36 =	vld [tilespmem:s24+$0xFFFFFFD0];
	v1 =	vadd.f32 v30, v1;
	v2 =	vadd.f32 v31, v2  }
0xde: {  	v37 =	vld [tilespmem:s24+$0xFFFFFFE0]  }
0xdf: {  	v38 =	vld [tilespmem:s24+$0xFFFFFFF0];
	v1 =	vadd.f32 v32, v1;
	v2 =	vadd.f32 v33, v2  }
0xe0: {  	v39 =	vld [tilespmem:s24+$0x0]  }
0xe1: {  	v40 =	vld [tilespmem:s24+$0x10];
	v1 =	vadd.f32 v34, v1;
	v2 =	vadd.f32 v35, v2  }
0xe2: {  	v41 =	vld [tilespmem:s24+$0x20]  }
0xe3: {  	v42 =	vld [tilespmem:s24+$0x30];
	v1 =	vadd.f32 v36, v1;
	v2 =	vadd.f32 v37, v2  }
0xe4: {  	v43 =	vld [tilespmem:s24+$0x40]  }
0xe5: {  	v44 =	vld [tilespmem:s24+$0x50];
	v1 =	vadd.f32 v38, v1;
	v2 =	vadd.f32 v39, v2  }
0xe6: {  	v45 =	vld [tilespmem:s24+$0x60]  }
0xe7: {  	v46 =	vld [tilespmem:s24+$0x70];
	v1 =	vadd.f32 v40, v1;
	v2 =	vadd.f32 v41, v2  }
0xe8: {  	v47 =	vld [tilespmem:s24+$0x80]  }
0xe9: {  	v48 =	vld [tilespmem:s24+$0x90];
	v1 =	vadd.f32 v42, v1;
	v2 =	vadd.f32 v43, v2  }
0xea: {  	v49 =	vld [tilespmem:s24+$0xA0]  }
0xeb: {  	v50 =	vld [tilespmem:s24+$0xB0];
	v1 =	vadd.f32 v44, v1;
	v2 =	vadd.f32 v45, v2  }
0xec: {  	v51 =	vld [tilespmem:s24+$0xC0]  }
0xed: {  	v52 =	vld [tilespmem:s24+$0xD0];
	v1 =	vadd.f32 v46, v1;
	v2 =	vadd.f32 v47, v2  }
0xee: {  	v53 =	vld [tilespmem:s24+$0xE0]  }
0xef: {  	v54 =	vld [tilespmem:s24+$0xF0];
	v1 =	vadd.f32 v48, v1;
	v2 =	vadd.f32 v49, v2  }
0xf0: {  	v55 =	vld [tilespmem:s24+$0x100]  }
0xf1: {  	v56 =	vld [tilespmem:s24+$0x110];
	v1 =	vadd.f32 v50, v1;
	v2 =	vadd.f32 v51, v2  }
0xf2: {  	v57 =	vld [tilespmem:s24+$0x120]  }
0xf3: {  	v58 =	vld [tilespmem:s24+$0x130];
	v1 =	vadd.f32 v52, v1;
	v2 =	vadd.f32 v53, v2  }
0xf4: {  	v59 =	vld [tilespmem:s24+$0x140]  }
0xf5: {  	v60 =	vld [tilespmem:s24+$0x150];
	v1 =	vadd.f32 v54, v1;
	v2 =	vadd.f32 v55, v2  }
0xf6: {  	v61 =	vld [tilespmem:s24+$0x160]  }
0xf7: {  	v62 =	vld [tilespmem:s24+$0x170];
	v1 =	vadd.f32 v56, v1;
	v2 =	vadd.f32 v57, v2  }
0xf8: {  	v63 =	vld [tilespmem:s24+$0x180]  }
0xf9: {  	v1 =	vadd.f32 v58, v1;
	v2 =	vadd.f32 v59, v2;
	_ =	sdelay $0x1  }
0xfa: {  	v1 =	vadd.f32 v60, v1;
	v2 =	vadd.f32 v61, v2;
	_ =	sdelay $0x1  }
0xfb: {  	v1 =	vadd.f32 v62, v1;
	v2 =	vadd.f32 v63, v2  }
0xfc: {  	p0 =	seq.s32 s18, $0x7  }
.Ltmp8:
0xfd: {  	v1 =	vadd.f32 v2, v1;
	(pc) =	sbr.rel @p0 .LBB2_17-.Ltmp8, $4  }
0xfe: {  	_ = 	snop  }
0xff: {  	v1 =	vmul.f32 $1.999999960e-02, v1  }
0x100: {  	s23 =	sshra.s32 s23, $0x2  }
0x101: {  	[tilespmem:v0+s23+$0x0 ss:$0x1] =	vst.idx.msk $0xffff, v1  }
0x102: {  	v0 =	vmov s20;
	_ =	sdelay $0x3  }
0x103: {  	s23 =	simm.s32 $0x0  }
0x104: {  	v1 =	vld.idx.msk [tilespmem:v0+s23+$0x0 ss:$0x1], $0xffff;
	_ =	sdelay $0x6  }
0x105: {  	s24 =	simm.s32 $0x10;
	s23 =	simm.s32 $0x6400  }
0x106: {  	[tilespmem:s23], [sflag:$0x1] =	stream.indirect_vreg.gather [hbm4b:s4+s3], $0x10, v1, vm0, $0xb8;
	[tilespmem:$0x16E10] =	vst v63  }
0x107: {  	v1 =	vld.idx.msk [tilespmem:v0+s24+$0x0 ss:$0x1], $0xffff;
	s24 =	simm.s32 $0x80  }
.LBB2_15:
0x108: {  	p1 =	sne.s32 s24, $0x18C0;
	_ =	sdelay $0x3  }
.Ltmp9:
0x109: {  	(pc) =	sbr.rel @p1 .LBB2_15-.Ltmp9, $4  }
0x10a: {  	_ = 	snop  }
0x10b: {  	s25 =	sshra.s32 s24, $0x2;
	s23 =	sadd.s32 $0x100, s23  }
0x10c: {  	[tilespmem:s23], [sflag:$0x1] =	stream.indirect_vreg.gather [hbm4b:s4+s3], $0x10, v1, vm0, $0xb8;
	[tilespmem:$0x16E10] =	vst v63  }
0x10d: {  	s24 =	sadd.s32 $0x40, s24;
	v1 =	vld.idx.msk [tilespmem:v0+s25+$0x0 ss:$0x1], $0xffff  }
0x10e: {  	_ =	sdelay $0x6  }
0x10f: {  	s23 =	sadd.s32 $0x100, s23  }
0x110: {  	[tilespmem:s23], [sflag:$0x1] =	stream.indirect_vreg.gather [hbm4b:s4+s3], $0x10, v1, vm0, $0xb8;
	[tilespmem:$0x16E10] =	vst v63  }
.LBB2_17:
0x111: {  	_ =	swait.ge [sflag:s15], $0x6400  }
0x112: {  	[sflag:s15] =	ssyncset.done $0x0  }
0x113: {  	s24 =	simm.s32 $0xC990;
	[sflag:s15] =	ssyncadd.s32 $0xFFFF9C00  }
0x114: {  	v1 =	vld [tilespmem:s24+$0xFFFFFE90]  }
0x115: {  	v2 =	vld [tilespmem:s24+$0xFFFFFE70]  }
0x116: {  	v3 =	vld [tilespmem:s24+$0xFFFFFE80]  }
0x117: {  	s23 =	simm.s32 $0x0;
	v0 =	vmov s21;
	s25 =	simm.s32 $0x40;
	v4 =	vld [tilespmem:s24+$0xFFFFFEA0]  }
.LBB2_18:
0x118: {  	p1 =	sne.s32 s25, $0x7C0;
	v5 =	vld [tilespmem:s24+$0xFFFFFEB0]  }
0x119: {  	v6 =	vld [tilespmem:s24+$0xFFFFFEC0]  }
0x11a: {  	v7 =	vld [tilespmem:s24+$0xFFFFFED0]  }
0x11b: {  	v8 =	vld [tilespmem:s24+$0xFFFFFEE0]  }
0x11c: {  	v1 =	vadd.f32 v1, v2;
	v2 =	vadd.f32 v4, v3;
	v3 =	vld [tilespmem:s24+$0xFFFFFEF0]  }
0x11d: {  	v4 =	vld [tilespmem:s24+$0xFFFFFF00]  }
0x11e: {  	v1 =	vadd.f32 v5, v1;
	v2 =	vadd.f32 v6, v2;
	v5 =	vld [tilespmem:s24+$0xFFFFFF10]  }
0x11f: {  	v6 =	vld [tilespmem:s24+$0xFFFFFF20]  }
0x120: {  	v1 =	vadd.f32 v7, v1;
	v2 =	vadd.f32 v8, v2;
	v7 =	vld [tilespmem:s24+$0xFFFFFF30]  }
0x121: {  	v8 =	vld [tilespmem:s24+$0xFFFFFF40]  }
0x122: {  	v1 =	vadd.f32 v3, v1;
	v2 =	vadd.f32 v4, v2;
	v3 =	vld [tilespmem:s24+$0xFFFFFF50]  }
0x123: {  	v4 =	vld [tilespmem:s24+$0xFFFFFF60]  }
0x124: {  	v1 =	vadd.f32 v5, v1;
	v2 =	vadd.f32 v6, v2;
	v5 =	vld [tilespmem:s24+$0xFFFFFF70]  }
0x125: {  	v6 =	vld [tilespmem:s24+$0xFFFFFF80]  }
0x126: {  	v1 =	vadd.f32 v7, v1;
	v2 =	vadd.f32 v8, v2;
	v7 =	vld [tilespmem:s24+$0xFFFFFF90]  }
0x127: {  	v8 =	vld [tilespmem:s24+$0xFFFFFFA0]  }
0x128: {  	v1 =	vadd.f32 v3, v1;
	v2 =	vadd.f32 v4, v2;
	v3 =	vld [tilespmem:s24+$0xFFFFFFB0]  }
0x129: {  	v4 =	vld [tilespmem:s24+$0xFFFFFFC0]  }
0x12a: {  	v1 =	vadd.f32 v5, v1;
	v2 =	vadd.f32 v6, v2;
	v5 =	vld [tilespmem:s24+$0xFFFFFFD0]  }
0x12b: {  	v6 =	vld [tilespmem:s24+$0xFFFFFFE0]  }
0x12c: {  	v1 =	vadd.f32 v7, v1;
	v2 =	vadd.f32 v8, v2;
	v7 =	vld [tilespmem:s24+$0xFFFFFFF0]  }
0x12d: {  	v8 =	vld [tilespmem:s24+$0x0]  }
0x12e: {  	v1 =	vadd.f32 v3, v1;
	v2 =	vadd.f32 v4, v2;
	v3 =	vld [tilespmem:s24+$0x10]  }
0x12f: {  	v4 =	vld [tilespmem:s24+$0x20]  }
0x130: {  	v1 =	vadd.f32 v5, v1;
	v2 =	vadd.f32 v6, v2;
	v5 =	vld [tilespmem:s24+$0x30]  }
0x131: {  	v6 =	vld [tilespmem:s24+$0x40]  }
0x132: {  	v1 =	vadd.f32 v7, v1;
	v2 =	vadd.f32 v8, v2;
	v7 =	vld [tilespmem:s24+$0x50]  }
0x133: {  	v8 =	vld [tilespmem:s24+$0x60]  }
0x134: {  	v1 =	vadd.f32 v3, v1;
	v2 =	vadd.f32 v4, v2;
	v3 =	vld [tilespmem:s24+$0x70]  }
0x135: {  	v4 =	vld [tilespmem:s24+$0x80]  }
0x136: {  	v1 =	vadd.f32 v5, v1;
	v2 =	vadd.f32 v6, v2;
	v5 =	vld [tilespmem:s24+$0x90]  }
0x137: {  	v6 =	vld [tilespmem:s24+$0xA0]  }
0x138: {  	v1 =	vadd.f32 v7, v1;
	v2 =	vadd.f32 v8, v2;
	v7 =	vld [tilespmem:s24+$0xB0]  }
0x139: {  	v8 =	vld [tilespmem:s24+$0xC0]  }
0x13a: {  	v1 =	vadd.f32 v3, v1;
	v2 =	vadd.f32 v4, v2;
	v3 =	vld [tilespmem:s24+$0xD0]  }
0x13b: {  	v4 =	vld [tilespmem:s24+$0xE0]  }
0x13c: {  	v1 =	vadd.f32 v5, v1;
	v2 =	vadd.f32 v6, v2;
	v5 =	vld [tilespmem:s24+$0xF0]  }
0x13d: {  	v6 =	vld [tilespmem:s24+$0x100]  }
0x13e: {  	v1 =	vadd.f32 v7, v1;
	v2 =	vadd.f32 v8, v2;
	v7 =	vld [tilespmem:s24+$0x110]  }
0x13f: {  	v8 =	vld [tilespmem:s24+$0x120]  }
0x140: {  	v1 =	vadd.f32 v3, v1;
	v2 =	vadd.f32 v4, v2;
	v3 =	vld [tilespmem:s24+$0x130]  }
0x141: {  	v4 =	vld [tilespmem:s24+$0x140]  }
0x142: {  	v1 =	vadd.f32 v5, v1;
	v2 =	vadd.f32 v6, v2;
	v5 =	vld [tilespmem:s24+$0x150]  }
0x143: {  	v6 =	vld [tilespmem:s24+$0x160]  }
0x144: {  	v1 =	vadd.f32 v7, v1;
	v2 =	vadd.f32 v8, v2;
	v7 =	vld [tilespmem:s24+$0x170]  }
0x145: {  	v8 =	vld [tilespmem:s24+$0x180]  }
0x146: {  	v1 =	vadd.f32 v3, v1;
	v2 =	vadd.f32 v4, v2;
	_ =	sdelay $0x1  }
0x147: {  	v1 =	vadd.f32 v5, v1;
	v2 =	vadd.f32 v6, v2;
	_ =	sdelay $0x1  }
0x148: {  	v1 =	vadd.f32 v7, v1;
	v2 =	vadd.f32 v8, v2;
	_ =	sdelay $0x1  }
0x149: {  	v1 =	vadd.f32 v2, v1;
	_ =	sdelay $0x1  }
0x14a: {  	v1 =	vmul.f32 $1.999999960e-02, v1  }
0x14b: {  	s26 =	sshra.s32 s23, $0x2;
	s23 =	smov.u32 s25  }
.Ltmp10:
0x14c: {  	s24 =	sadd.s32 $0x320, s24;
	[tilespmem:v0+s26+$0x0 ss:$0x1] =	vst.idx.msk $0xffff, v1;
	(pc) =	sbr.rel @p1 .LBB2_18-.Ltmp10, $4  }
0x14d: {  	v1 =	vld [tilespmem:s24+$0xFFFFFE90]  }
0x14e: {  	v2 =	vld [tilespmem:s24+$0xFFFFFE70]  }
0x14f: {  	v3 =	vld [tilespmem:s24+$0xFFFFFE80]  }
0x150: {  	s25 =	sadd.s32 $0x40, s25;
	v4 =	vld [tilespmem:s24+$0xFFFFFEA0]  }
0x151: {  	v5 =	vld [tilespmem:s24+$0xFFFFFEB0]  }
0x152: {  	v6 =	vld [tilespmem:s24+$0xFFFFFEC0]  }
0x153: {  	v7 =	vld [tilespmem:s24+$0xFFFFFED0]  }
0x154: {  	v8 =	vld [tilespmem:s24+$0xFFFFFEE0]  }
0x155: {  	v22 =	vld [tilespmem:s24+$0xFFFFFEF0];
	v1 =	vadd.f32 v1, v2;
	v21 =	vadd.f32 v4, v3  }
0x156: {  	v23 =	vld [tilespmem:s24+$0xFFFFFF00]  }
0x157: {  	v24 =	vld [tilespmem:s24+$0xFFFFFF10];
	v1 =	vadd.f32 v5, v1;
	v2 =	vadd.f32 v6, v21  }
0x158: {  	v25 =	vld [tilespmem:s24+$0xFFFFFF20]  }
0x159: {  	v26 =	vld [tilespmem:s24+$0xFFFFFF30];
	v1 =	vadd.f32 v7, v1;
	v2 =	vadd.f32 v8, v2  }
0x15a: {  	v27 =	vld [tilespmem:s24+$0xFFFFFF40]  }
0x15b: {  	v28 =	vld [tilespmem:s24+$0xFFFFFF50];
	v1 =	vadd.f32 v22, v1;
	v2 =	vadd.f32 v23, v2  }
0x15c: {  	v29 =	vld [tilespmem:s24+$0xFFFFFF60]  }
0x15d: {  	v30 =	vld [tilespmem:s24+$0xFFFFFF70];
	v1 =	vadd.f32 v24, v1;
	v2 =	vadd.f32 v25, v2  }
0x15e: {  	v31 =	vld [tilespmem:s24+$0xFFFFFF80]  }
0x15f: {  	v32 =	vld [tilespmem:s24+$0xFFFFFF90];
	v1 =	vadd.f32 v26, v1;
	v2 =	vadd.f32 v27, v2  }
0x160: {  	v33 =	vld [tilespmem:s24+$0xFFFFFFA0]  }
0x161: {  	v34 =	vld [tilespmem:s24+$0xFFFFFFB0];
	v1 =	vadd.f32 v28, v1;
	v2 =	vadd.f32 v29, v2  }
0x162: {  	v35 =	vld [tilespmem:s24+$0xFFFFFFC0]  }
0x163: {  	v36 =	vld [tilespmem:s24+$0xFFFFFFD0];
	v1 =	vadd.f32 v30, v1;
	v2 =	vadd.f32 v31, v2  }
0x164: {  	v37 =	vld [tilespmem:s24+$0xFFFFFFE0]  }
0x165: {  	v38 =	vld [tilespmem:s24+$0xFFFFFFF0];
	v1 =	vadd.f32 v32, v1;
	v2 =	vadd.f32 v33, v2  }
0x166: {  	v39 =	vld [tilespmem:s24+$0x0]  }
0x167: {  	v40 =	vld [tilespmem:s24+$0x10];
	v1 =	vadd.f32 v34, v1;
	v2 =	vadd.f32 v35, v2  }
0x168: {  	v41 =	vld [tilespmem:s24+$0x20]  }
0x169: {  	v42 =	vld [tilespmem:s24+$0x30];
	v1 =	vadd.f32 v36, v1;
	v2 =	vadd.f32 v37, v2  }
0x16a: {  	v43 =	vld [tilespmem:s24+$0x40]  }
0x16b: {  	v44 =	vld [tilespmem:s24+$0x50];
	v1 =	vadd.f32 v38, v1;
	v2 =	vadd.f32 v39, v2  }
0x16c: {  	v45 =	vld [tilespmem:s24+$0x60]  }
0x16d: {  	v46 =	vld [tilespmem:s24+$0x70];
	v1 =	vadd.f32 v40, v1;
	v2 =	vadd.f32 v41, v2  }
0x16e: {  	v47 =	vld [tilespmem:s24+$0x80]  }
0x16f: {  	v48 =	vld [tilespmem:s24+$0x90];
	v1 =	vadd.f32 v42, v1;
	v2 =	vadd.f32 v43, v2  }
0x170: {  	v49 =	vld [tilespmem:s24+$0xA0]  }
0x171: {  	v50 =	vld [tilespmem:s24+$0xB0];
	v1 =	vadd.f32 v44, v1;
	v2 =	vadd.f32 v45, v2  }
0x172: {  	v51 =	vld [tilespmem:s24+$0xC0]  }
0x173: {  	v52 =	vld [tilespmem:s24+$0xD0];
	v1 =	vadd.f32 v46, v1;
	v2 =	vadd.f32 v47, v2  }
0x174: {  	v53 =	vld [tilespmem:s24+$0xE0]  }
0x175: {  	v54 =	vld [tilespmem:s24+$0xF0];
	v1 =	vadd.f32 v48, v1;
	v2 =	vadd.f32 v49, v2  }
0x176: {  	v55 =	vld [tilespmem:s24+$0x100]  }
0x177: {  	v56 =	vld [tilespmem:s24+$0x110];
	v1 =	vadd.f32 v50, v1;
	v2 =	vadd.f32 v51, v2  }
0x178: {  	v57 =	vld [tilespmem:s24+$0x120]  }
0x179: {  	v58 =	vld [tilespmem:s24+$0x130];
	v1 =	vadd.f32 v52, v1;
	v2 =	vadd.f32 v53, v2  }
0x17a: {  	v59 =	vld [tilespmem:s24+$0x140]  }
0x17b: {  	v60 =	vld [tilespmem:s24+$0x150];
	v1 =	vadd.f32 v54, v1;
	v2 =	vadd.f32 v55, v2  }
0x17c: {  	v61 =	vld [tilespmem:s24+$0x160]  }
0x17d: {  	v62 =	vld [tilespmem:s24+$0x170];
	v1 =	vadd.f32 v56, v1;
	v2 =	vadd.f32 v57, v2  }
0x17e: {  	v63 =	vld [tilespmem:s24+$0x180]  }
0x17f: {  	v1 =	vadd.f32 v58, v1;
	v2 =	vadd.f32 v59, v2;
	_ =	sdelay $0x1  }
0x180: {  	v1 =	vadd.f32 v60, v1;
	v2 =	vadd.f32 v61, v2;
	_ =	sdelay $0x1  }
0x181: {  	v1 =	vadd.f32 v62, v1;
	v2 =	vadd.f32 v63, v2;
	_ =	sdelay $0x1  }
.Ltmp11:
0x182: {  	v1 =	vadd.f32 v2, v1;
	(pc) =	sbr.rel @p0 .LBB2_23-.Ltmp11, $4  }
0x183: {  	_ = 	snop  }
0x184: {  	v1 =	vmul.f32 $1.999999960e-02, v1  }
0x185: {  	s23 =	sshra.s32 s23, $0x2  }
0x186: {  	[tilespmem:v0+s23+$0x0 ss:$0x1] =	vst.idx.msk $0xffff, v1  }
0x187: {  	v0 =	vmov s22;
	_ =	sdelay $0x3  }
0x188: {  	s23 =	simm.s32 $0x0  }
0x189: {  	v1 =	vld.idx.msk [tilespmem:v0+s23+$0x0 ss:$0x1], $0xffff;
	_ =	sdelay $0x6  }
0x18a: {  	s24 =	simm.s32 $0x10;
	s23 =	simm.s32 $0xC800  }
0x18b: {  	[tilespmem:s23], [sflag:$0x2] =	stream.indirect_vreg.gather [hbm4b:s4+s3], $0x10, v1, vm0, $0xb8;
	[tilespmem:$0x16E10] =	vst v63  }
0x18c: {  	v1 =	vld.idx.msk [tilespmem:v0+s24+$0x0 ss:$0x1], $0xffff;
	s24 =	simm.s32 $0x80  }
.LBB2_21:
0x18d: {  	p0 =	sne.s32 s24, $0x18C0;
	_ =	sdelay $0x3  }
.Ltmp12:
0x18e: {  	(pc) =	sbr.rel @p0 .LBB2_21-.Ltmp12, $4  }
0x18f: {  	_ = 	snop  }
0x190: {  	s25 =	sshra.s32 s24, $0x2;
	s23 =	sadd.s32 $0x100, s23  }
0x191: {  	[tilespmem:s23], [sflag:$0x2] =	stream.indirect_vreg.gather [hbm4b:s4+s3], $0x10, v1, vm0, $0xb8;
	[tilespmem:$0x16E10] =	vst v63  }
0x192: {  	s24 =	sadd.s32 $0x40, s24;
	v1 =	vld.idx.msk [tilespmem:v0+s25+$0x0 ss:$0x1], $0xffff  }
0x193: {  	_ =	sdelay $0x3  }
.Ltmp13:
0x194: {  	_ = 	snop;
	(pc) =	sbr.rel .LBB2_11-.Ltmp13, $4  }
0x195: {  	_ = 	snop  }
0x196: {  	s23 =	sadd.s32 $0x100, s23;
	s18 =	sadd.s32 $0x1, s18;
	s19 =	sadd.s32 $0x400, s19  }
0x197: {  	s20 =	sadd.s32 $0xC80, s20;
	s21 =	sadd.s32 $0x400, s21;
	s22 =	sadd.s32 $0xC80, s22  }
0x198: {  	[tilespmem:s23], [sflag:$0x2] =	stream.indirect_vreg.gather [hbm4b:s4+s3], $0x10, v1, vm0, $0xb8;
	[tilespmem:$0x16E10] =	vst v63  }
.LBB2_4:
.Ltmp14:
0x199: {  	(pc) =	sbr.rel .LBB2_8-.Ltmp14, $2  }
0x19a: {  	_ =	sdelay $0x2  }
0x19b: {  	s19 =	simm.s32 $0xC800  }
.LBB2_6:
.Ltmp15:
0x19c: {  	(pc) =	sbr.rel .LBB2_8-.Ltmp15, $2  }
0x19d: {  	_ =	sdelay $0x2  }
0x19e: {  	s19 =	simm.s32 $0xC800  }
.LBB2_24:
0x19f: {  	_ =	sfence.sel $0x180000  }
0x1a0: {  	[bflag:$0x0] =	sbarrier.arrive $0xFFFF  }
0x1a1: {  	p0 =	sne.s32 s0, $0x0;
	_ =	strace $0x9000004A  }
0x1a2: {  	s0 =	sadd.s32 @!p0 $0x100000, s1;
	[bflag:$0x2] =	sbarrier.arrive $0xFFFF  }
0x1a3: {  	[sflag:s0] =	ssyncadd.tile.s32 @!p0 $0x1;
	_ =	shalt  }
.Lfunc_end2:
_tile_overlayer_lowered:
.L_overlay_start_2:
0x1a4: {  	(tag) =	ssettag $0x2  }
0x1a5: {  	s0 =	rddreg [dreg:$0x0];
	s2 =	stileid.u32  }
0x1a6: {  	s1 =	rddreg [dreg:$0x1];
	p0 =	sne.s32 s2, $0x0  }
0x1a7: {  	s3 =	rddreg [dreg:$0x2];
	[bflag:$0x3] =	sbarrier.arrive $0xFFFF;
	s2 =	simm.s32 @!p0 $0x1C03  }
0x1a8: {  	[timem:s3], [sflag:s2] =	dma.local @!p0 [hbm:s0], s1  }
0x1a9: {  	s0 =	simm.s32 @!p0 $0x3  }
0x1aa: {  	_ =	swait.ge @!p0 [sflag:s0], s1  }
0x1ab: {  	s1 =	ssub.s32 @!p0 $0x0, s1;
	[sflag:s0] =	ssyncset.done @!p0 $0x0  }
0x1ac: {  	[sflag:s0] =	ssyncadd.s32 @!p0 s1  }
0x1ad: {  	[bflag:$0x3] =	sbarrier.arrive $0xFFFF  }
0x1ae: {  	_ =	shalt  }

// kernel: kernel.7.cloned.1.call-start
scs
__scs_entry_jumppad:
0x0: {  	(pc) =	sbr.rel $0x88, $3  }
0x1: {  	(tag) =	ssettag $0x0;
	lr =	simm.s32 $0x1  }
0x2: {  	[smem:$0x3F99] =	sst lr;
	_ =	strace $0xD0000000  }
0x3: {  	_ = 	snop  }
0x4: {  	_ = 	snop  }
0x5: {  	_ = 	snop  }
0x6: {  	_ = 	snop  }
0x7: {  	_ = 	snop  }
__scs_overlays_trampoline_lowered:
0x8: {  	[smem:$0x3FA8] =	sst s0  }
0x9: {  	[smem:$0x3FA9] =	sst s1  }
0xa: {  	[smem:$0x3FAA] =	sst s2  }
0xb: {  	[smem:$0x3FAB] =	sst s3  }
0xc: {  	[smem:$0x3FAC] =	sst s4  }
0xd: {  	[smem:$0x3FAD] =	sst s5  }
0xe: {  	[smem:$0x3FAE] =	sst s6  }
0xf: {  	[smem:$0x3FAF] =	sst s7  }
0x10: {  	[smem:$0x3FB0] =	sst s8  }
0x11: {  	[smem:$0x3FB1] =	sst s9;
	s0 =	simm.s32 @!p0 $0x0  }
0x12: {  	s1 =	sld [smem:$0x3F97];
	s0 =	simm.s32 @p0 $0x1  }
0x13: {  	[smem:$0x3FB2] =	sst s0;
	s0 =	simm.s32 @!p1 $0x0  }
0x14: {  	s2 =	sld [smem:$0x3F96];
	s0 =	simm.s32 @p1 $0x1  }
0x15: {  	[smem:$0x3FB3] =	sst s0;
	s0 =	simm.s32 @!p2 $0x0  }
0x16: {  	s3 =	sld [smem:$0x3FDB];
	s0 =	simm.s32 @p2 $0x1  }
0x17: {  	s4 =	simm.s32 $0x1BF5;
	[smem:$0x3FB5] =	sst s0  }
0x18: {  	s0 =	sld [smem:$0x3F98];
	_ =	swait.ge [sflag:s4], $0x0  }
0x19: {  	s7 =	sld [smem:$0x3F99]  }
0x1a: {  	s8 =	sadd.s32 $0xFFFFE003, lr  }
0x1b: {  	s9 =	sadd.s32 $0xFFFFFEF7, lr;
	s5 =	simm.s32 $0xFFFFFFFF;
	p2 =	slt.u32 s8, $0xFFFFF086  }
0x1c: {  	p1 =	slt.u32 s9, $0xF7A;
	s5 =	simm.s32 @!p2 $0x0  }
0x1d: {  	s5 =	simm.s32 @p1 $0x1;
	p0 =	seq.s32 s7, s2  }
0x1e: {  	s7 =	smul.u32 @!p0 $0xF7A, s2;
	p2 =	seq.s32 @!p0 s5, $0x0  }
0x1f: {  	s9 =	smul.u32 $0xF7A, s1;
	s8 =	simm.s32 @!p0 $0x1BF5;
	p2 =	por !p2, p0  }
0x20: {  	[sflag:s8] =	ssyncset.s32 @!p0 $0xFFFFF086;
	s6 =	sadd.s32 @!p0 s3, s7;
	s7 =	simm.s32 @!p0 $0x108  }
0x21: {  	s3 =	sadd.s32 s3, s9;
	s6 =	sadd.s32 @!p0 $0x88, s6;
	s7 =	simm.s32 @p2 $0x1082  }
0x22: {  	[simem:s7], [sflag:s8] =	dma.local @!p0 [hbm:s6], $0xF7A  }
0x23: {  	s9 =	sor.u32 $0xD0000000, s2;
	s6 =	simm.s32 $0x108;
	_ =	swait.ge @!p0 [sflag:s8], $0x0  }
0x24: {  	s3 =	sadd.s32 $0x88, s3;
	s6 =	simm.s32 @!p1 $0x1082;
	[sflag:s4] =	ssyncset.s32 $0xFFFFF086  }
0x25: {  	[simem:s6], [sflag:s4] =	dma.local [hbm:s3], $0xF7A  }
0x26: {  	[smem:$0x3F99] =	sst s1;
	(tag) =	ssettag s2;
	_ =	strace s9  }
0x27: {  	s1 =	sld [smem:$0x3FA9]  }
0x28: {  	s2 =	sld [smem:$0x3FAA]  }
0x29: {  	s4 =	sld [smem:$0x3FAC]  }
0x2a: {  	p0 =	seq.s32 s5, $0x0;
	s5 =	sld [smem:$0x3FAD]  }
0x2b: {  	s6 =	sld [smem:$0x3FAE]  }
0x2c: {  	s7 =	sld [smem:$0x3FAF]  }
0x2d: {  	s3 =	simm.s32 $0x108;
	s8 =	sld [smem:$0x3FB0]  }
0x2e: {  	s3 =	simm.s32 @!p0 $0x1082;
	s9 =	sld [smem:$0x3FB1]  }
0x2f: {  	lr =	sadd.s32 s0, s3;
	s0 =	sld [smem:$0x3FA8]  }
0x30: {  	s3 =	sld [smem:$0x3FAB]  }
0x31: {  	[smem:$0x3FB4] =	sst s10  }
0x32: {  	s10 =	sld [smem:$0x3FB2];
	_ =	sdelay $0x3  }
0x33: {  	p0 =	seq.s32 s10, $0x1;
	s10 =	sld [smem:$0x3FB4];
	_ =	sdelay $0x3  }
0x34: {  	[smem:$0x3FB4] =	sst s10  }
0x35: {  	s10 =	sld [smem:$0x3FB3];
	_ =	sdelay $0x3  }
0x36: {  	p1 =	seq.s32 s10, $0x1;
	s10 =	sld [smem:$0x3FB4];
	_ =	sdelay $0x3  }
0x37: {  	[smem:$0x3FB4] =	sst s10  }
0x38: {  	s10 =	sld [smem:$0x3FB5]  }
0x39: {  	_ = 	snop;
	(pc) =	sbr.ind lr, $3  }
0x3a: {  	_ = 	snop  }
0x3b: {  	_ = 	snop  }
0x3c: {  	p2 =	seq.s32 s10, $0x1;
	s10 =	sld [smem:$0x3FB4]  }
0x3d: {  	_ =	shalt  }
0x3e: {  	_ =	shalt  }
0x3f: {  	_ =	shalt  }
0x40: {  	_ =	shalt  }
0x41: {  	_ =	shalt  }
0x42: {  	_ =	shalt  }
0x43: {  	_ =	shalt  }
0x44: {  	_ =	shalt  }
0x45: {  	_ =	shalt  }
0x46: {  	_ =	shalt  }
0x47: {  	_ =	shalt  }
0x48: {  	_ =	shalt  }
0x49: {  	_ =	shalt  }
0x4a: {  	_ =	shalt  }
0x4b: {  	_ =	shalt  }
0x4c: {  	_ =	shalt  }
0x4d: {  	_ =	shalt  }
0x4e: {  	_ =	shalt  }
0x4f: {  	_ =	shalt  }
0x50: {  	_ =	shalt  }
0x51: {  	_ =	shalt  }
0x52: {  	_ =	shalt  }
0x53: {  	_ =	shalt  }
0x54: {  	_ =	shalt  }
0x55: {  	_ =	shalt  }
0x56: {  	_ =	shalt  }
0x57: {  	_ =	shalt  }
0x58: {  	_ =	shalt  }
0x59: {  	_ =	shalt  }
0x5a: {  	_ =	shalt  }
0x5b: {  	_ =	shalt  }
0x5c: {  	_ =	shalt  }
0x5d: {  	_ =	shalt  }
0x5e: {  	_ =	shalt  }
0x5f: {  	_ =	shalt  }
0x60: {  	_ =	shalt  }
0x61: {  	_ =	shalt  }
0x62: {  	_ =	shalt  }
0x63: {  	_ =	shalt  }
0x64: {  	_ =	shalt  }
0x65: {  	_ =	shalt  }
0x66: {  	_ =	shalt  }
0x67: {  	_ =	shalt  }
0x68: {  	_ =	shalt  }
0x69: {  	_ =	shalt  }
0x6a: {  	_ =	shalt  }
0x6b: {  	_ =	shalt  }
0x6c: {  	_ =	shalt  }
0x6d: {  	_ =	shalt  }
0x6e: {  	_ =	shalt  }
0x6f: {  	_ =	shalt  }
0x70: {  	_ =	shalt  }
0x71: {  	_ =	shalt  }
0x72: {  	_ =	shalt  }
0x73: {  	_ =	shalt  }
0x74: {  	_ =	shalt  }
0x75: {  	_ =	shalt  }
0x76: {  	_ =	shalt  }
0x77: {  	_ =	shalt  }
0x78: {  	_ =	shalt  }
0x79: {  	_ =	shalt  }
0x7a: {  	_ =	shalt  }
0x7b: {  	_ =	shalt  }
0x7c: {  	_ =	shalt  }
0x7d: {  	_ =	shalt  }
0x7e: {  	_ =	shalt  }
0x7f: {  	_ =	shalt  }
0x80: {  	_ =	shalt  }
0x81: {  	_ =	shalt  }
0x82: {  	_ =	shalt  }
0x83: {  	_ =	shalt  }
0x84: {  	_ =	shalt  }
0x85: {  	_ =	shalt  }
0x86: {  	_ =	shalt  }
0x87: {  	_ =	shalt  }
.Lfunc_end0:
.L_simem_size_0:
called_computation.1_lowered:
.L_overlay_start_0:
0x88: {  	s2 =	sld [smem:$0x3FD9]  }
0x89: {  	s3 =	sld [smem:$0x3FFE];
	_ =	sdelay $0x1  }
0x8a: {  	s1 =	srdreg.scid  }
0x8b: {  	s0 =	sand.u32 $0x1, s1  }
0x8c: {  	s14 =	sshll.u32 s0, $0xA;
	s2 =	sadd.s32 s3, s2  }
0x8d: {  	s2 =	sadd.s32 s2, s14  }
0x8e: {  	[smem:$0x3FC0] =	sst s2  }
0x8f: {  	_ = 	snop  }
0x90: {  	s2 =	sld [smem:$0x3FD0];
	_ =	sdelay $0x2  }
0x91: {  	s15 =	simm.s32 $0xB;
	s4 =	simm.s32 $0x10  }
0x92: {  	[smem:s4], [sflag:s15] =	dma.local [hbm:s2], $0x1  }
0x93: {  	_ =	swait.eq [sflag:s15], $0x1  }
0x94: {  	[sflag:s15] =	ssyncset.done $0x0  }
0x95: {  	[sflag:s15] =	ssyncadd.s32 $0xFFFFFFFF  }
0x96: {  	s16 =	sld [smem:$0x12];
	(tm) =	ssettm $0x1  }
0x97: {  	s17 =	sld [smem:$0x3FFB];
	_ =	sdelay $0x3  }
0x98: {  	_ =	strace s17  }
0x99: {  	s3 =	sld [smem:$0x3FFC];
	_ =	sdelay $0x3  }
0x9a: {  	_ =	strace s3  }
0x9b: {  	s3 =	sld [smem:$0x3FFD];
	_ =	sdelay $0x3  }
0x9c: {  	_ =	strace s3  }
0x9d: {  	_ =	strace $0x8FFFFFFF  }
0x9e: {  	s18 =	sld [smem:$0x3FDB];
	_ =	sdelay $0x1  }
0x9f: {  	s19 =	simm.s32 $_scs_section_size  }
0xa0: {  	s5 =	simm.s32 $_size__tile_overlayer_lowered;
	s6 =	simm.s32 $_tile_overlayer_lowered  }
0xa1: {  	s22 =	simm.s32 $0x1BFF;
	s21 =	sshll.u32 s6, $0x1;
	s3 =	sadd.s32 s19, s18  }
0xa2: {  	s7 =	simm.s32 $0x0;
	s20 =	sshll.u32 s5, $0x1;
	s5 =	sadd.s32 s21, s3  }
0xa3: {  	[timem:s7], [sflag:s22] =	dma.local [hbm:s5], s20  }
0xa4: {  	_ =	swait.ge [sflag:s22], s20  }
0xa5: {  	s4 =	ssub.s32 $0x0, s20;
	[sflag:s22] =	ssyncset.done $0x0  }
0xa6: {  	[sflag:s22] =	ssyncadd.s32 s4;
	_ =	sdelay $0x1  }
0xa7: {  	s23 =	simm.s32 $0x1B8B  }
0xa8: {  	_ =	swait.ge [sflag:s23], $0x1  }
0xa9: {  	[sflag:s23] =	ssyncset.done $0x0  }
0xaa: {  	s25 =	simm.s32 $0x1B8E;
	s24 =	sld [smem:$0x3FFE];
	[sflag:s23] =	ssyncadd.s32 $0xFFFFFFFF  }
0xab: {  	s26 =	simm.s32 $execute0_lowered;
	[smem:$0x3FD2] =	sst s25  }
0xac: {  	s5 =	sshll.u32 s26, $0x1;
	_ =	strace $0x80000046;
	[dreg:$0x1] =	wrdreg $0xFFFFFFFF  }
0xad: {  	s28 =	simm.s32 $_size_execute0_lowered;
	s3 =	sadd.s32 s3, s5;
	[dreg:$0x0] =	wrdreg $0x0  }
0xae: {  	s5 =	sshll.u32 s28, $0x1;
	[dreg:$0x2] =	wrdreg s3  }
0xaf: {  	[dreg:$0x3] =	wrdreg s5  }
0xb0: {  	[dreg:$0x4] =	wrdreg $0xC0  }
0xb1: {  	_ =	task [dreg:s7], $0x5FFFF  }
0xb2: {  	[dreg:$0x1] =	wrdreg $0xFFFFFFFF  }
0xb3: {  	[dreg:$0x0] =	wrdreg $0x60  }
0xb4: {  	[dreg:$0x2] =	wrdreg s16  }
0xb5: {  	[dreg:$0x3] =	wrdreg s24  }
0xb6: {  	[dreg:$0x4] =	wrdreg $0xA  }
0xb7: {  	_ =	task.clear_ibuf [dreg:s7], $0x5FFFF;
	_ =	strace $0x90000046  }
0xb8: {  	s29 =	simm.s32 $0xA;
	_ =	strace $0x80000048  }
0xb9: {  	_ =	swait.ge [sflag:s29], $0x1  }
0xba: {  	[sflag:s29] =	ssyncadd.s32 $0xFFFFFFFF  }
0xbb: {  	_ =	strace $0x90000048  }
0xbc: {  	_ =	sfence  }
0xbd: {  	s30 =	sld [smem:$0x0];
	_ =	sdelay $0x2  }
0xbe: {  	s31 =	sshll.u32 s1, $0xD;
	s1 =	sshrl.u32 s1, $0x2  }
0xbf: {  	s3 =	sand.u32 $0x4000, s31;
	s1 =	sadd.s32 s1, s30  }
0xc0: {  	s0 =	sor.u32 s3, s0;
	s1 =	sshll.u32 s1, $0x11  }
0xc1: {  	s0 =	sor.u32 s1, s0  }
0xc2: {  	s0 =	sadd.s32 $0x8F2B, s0  }
0xc3: {  	[sflag:s0] =	ssyncadd.remote.s32 $0x1  }
0xc4: {  	_ =	sfence.sel $0xFFFF  }
0xc5: {  	[dreg:$0x0] =	wrdreg $0xFFFFFFFF;
	(pc) =	sbr.abs _section_cstart, $3  }
0xc6: {  	[dreg:$0x1] =	wrdreg $0xFFFFFFFF  }
0xc7: {  	_ =	task.clear_ibuf [dreg:s7], $0x2FFFF;
	_ =	strace $0x9FFFFFFF  }
0xc8: {  	(tm) =	ssettm $0x7FFFFFFF  }
0xc9: {  	_ =	shalt  }
tec
execute0_lowered:
.L_overlay_start_1:
0x0: {  	(tag) =	ssettag $0x1  }
0x1: {  	s0 =	rddreg [dreg:$0x0]  }
0x2: {  	s5 =	rddreg [dreg:$0x1]  }
0x3: {  	s2 =	simm.s32 $0x0;
	s3 =	srdreg.scid;
	s1 =	stileid.u32  }
0x4: {  	s10 =	simm.s32 $0x1;
	s6 =	sand.u32 $0x1, s3;
	s4 =	sshll.u32 s1, $0x1  }
0x5: {  	s12 =	simm.s32 $0x0;
	[smem:$0x7FF] =	sst s2;
	s7 =	sor.u32 s6, s4  }
0x6: {  	_ =	strace $0x80000047;
	s8 =	sshll.u32 s7, $0xD;
	s7 =	sshll.u32 s7, $0x7  }
0x7: {  	s6 =	ssub.s32 $0x2, s6;
	s8 =	sadd.s32 s8, s5;
	s0 =	sadd.s32 s0, s7  }
0x8: {  	s28 =	sshrl.u32 s6, $0x1;
	[dreg:$0x3] =	wrdreg s0;
	s29 =	sadd.s32 $0x1E85E00, s8  }
0x9: {  	s9 =	ssub.s32 s6, s28;
	s30 =	sadd.s32 $0x1EC5E00, s8;
	[dreg:$0x4] =	wrdreg s29  }
0xa: {  	s3 =	sadd.s32 $0x1600, s5;
	s31 =	smax.u32 s9, $0x1;
	[dreg:$0x5] =	wrdreg s30  }
0xb: {  	s4 =	sadd.s32 $0xF43A00, s5;
	s9 =	simm.s32 $0x2;
	[dreg:$0x6] =	wrdreg s31  }
.LBB2_1:
0xc: {  	s0 =	rddreg [dreg:$0x3]  }
0xd: {  	[tilespmem:s2], [sflag:$0x2] =	stream.linear.gather [hbm4b:s0+s2], $0x400, $0x38;
	[tilespmem:$0x10400] =	vst v63  }
0xe: {  	_ =	swait.ge [sflag:s9], $0x400  }
0xf: {  	s6 =	sand.u32 $0x70, s2;
	s13 =	sand.u32 $0x300, s2;
	[sflag:s9] =	ssyncset.done $0x0  }
0x10: {  	s0 =	sor.u32 s6, s13;
	[sflag:s9] =	ssyncadd.s32 $0xFFFFFC00  }
0x11: {  	v0 =	vld [tilespmem:s0+$0x0];
	_ =	sdelay $0x4  }
0x12: {  	v0 =	vshll.u32 v0, $0x4  }
0x13: {  	(v2sf) =	vpush v0, $0x0  }
0x14: {  	(v2sf) =	vpush v0, $0x1  }
0x15: {  	(v2sf) =	vpush v0, $0x2;
	_ =	sdelay $0x1  }
0x16: {  	(v2sf) =	vpush v0, $0x3;
	_ =	sdelay $0x1  }
0x17: {  	(v2sf) =	vpush v0, $0x4;
	_ =	sdelay $0x6  }
0x18: {  	(v2sf) =	vpush v0, $0x5  }
0x19: {  	s14 =	simm.s32 $0x10  }
0x1a: {  	s15 =	simm.s32 $0x20;
	s7 =	simm.s32 $0x480;
	s26 =	spop (v2sf)  }
0x1b: {  	s23 =	simm.s32 $0x400;
	(v2sf) =	vpush v0, $0x6;
	s26 =	sand.u32 $0x1FFFFFF0, s26;
	s29 =	spop (v2sf)  }
0x1c: {  	s26 =	sadd.s32 s3, s26;
	s11 =	sand.u32 $0x1FFFFFF0, s29;
	s29 =	spop (v2sf)  }
0x1d: {  	(v2sf) =	vpush v0, $0x7;
	[tilespmem:s23], [sflag:$0x1] =	stream.linear.gather [hbm4b:s26+s2], $0x80, $0x38;
	[tilespmem:$0x10400] =	vst v63  }
0x1e: {  	s26 =	sadd.s32 s3, s11;
	s29 =	sand.u32 $0x1FFFFFF0, s29;
	s30 =	spop (v2sf)  }
0x1f: {  	[tilespmem:s7], [sflag:$0x1] =	stream.linear.gather [hbm4b:s26+s2], $0x80, $0x38;
	[tilespmem:$0x10400] =	vst v63  }
0x20: {  	s17 =	simm.s32 $0x4000;
	s26 =	sadd.s32 s3, s29;
	s29 =	spop (v2sf);
	(v2sf) =	vpush v0, $0x8  }
0x21: {  	s18 =	simm.s32 $0x20;
	s16 =	simm.s32 $0x0;
	s19 =	simm.s32 $0x40  }
0x22: {  	s20 =	simm.s32 $0xA80;
	s22 =	simm.s32 $0x980;
	s21 =	simm.s32 $0xA00;
	(v2sf) =	vpush v0, $0x9  }
0x23: {  	s25 =	simm.s32 $0x800;
	s24 =	simm.s32 $0x880;
	s28 =	simm.s32 $0x500  }
0x24: {  	s8 =	simm.s32 $0x580;
	s13 =	simm.s32 $0x2000;
	s30 =	sand.u32 $0x1FFFFFF0, s30;
	(v2sf) =	vpush v0, $0xA  }
0x25: {  	s6 =	simm.s32 $0x600;
	s23 =	simm.s32 $0xB80;
	s1 =	sadd.s32 s3, s30  }
0x26: {  	[tilespmem:s28], [sflag:$0x1] =	stream.linear.gather [hbm4b:s26+s2], $0x80, $0x38;
	(v2sf) =	vpush v0, $0xB;
	[tilespmem:$0x10400] =	vst v63  }
0x27: {  	s5 =	sand.u32 $0x1FFFFFF0, s29;
	s29 =	simm.s32 $0x700;
	s28 =	spop (v2sf)  }
0x28: {  	s7 =	sadd.s32 s3, s5;
	s26 =	simm.s32 $0x900;
	s28 =	sand.u32 $0x1FFFFFF0, s28;
	(v2sf) =	vpush v0, $0xC  }
0x29: {  	[tilespmem:s8], [sflag:$0x1] =	stream.linear.gather [hbm4b:s1+s2], $0x80, $0x38;
	[tilespmem:$0x10400] =	vst v63  }
0x2a: {  	s30 =	spop (v2sf);
	s8 =	simm.s32 $0x680;
	s11 =	sadd.s32 s3, s28;
	(v2sf) =	vpush v0, $0xD  }
0x2b: {  	[tilespmem:s6], [sflag:$0x1] =	stream.linear.gather [hbm4b:s7+s2], $0x80, $0x38;
	[tilespmem:$0x10400] =	vst v63  }
0x2c: {  	s28 =	simm.s32 $0x780;
	s31 =	sand.u32 $0x1FFFFFF0, s30;
	s0 =	spop (v2sf);
	(v2sf) =	vpush v0, $0xE  }
0x2d: {  	(v2sf) =	vpush v0, $0xF;
	[tilespmem:s8], [sflag:$0x1] =	stream.linear.gather [hbm4b:s11+s2], $0x80, $0x38;
	[tilespmem:$0x10400] =	vst v63  }
.LBB2_2:
0x2e: {  	s31 =	sadd.s32 s3, s31  }
0x2f: {  	s0 =	sand.u32 $0x1FFFFFF0, s0;
	s1 =	spop (v2sf);
	s30 =	smov.u32 s17  }
0x30: {  	[tilespmem:s29], [sflag:$0x1] =	stream.linear.gather [hbm4b:s31+s2], $0x80, $0x38;
	[tilespmem:$0x10400] =	vst v63  }
0x31: {  	s0 =	sadd.s32 s3, s0;
	s1 =	sand.u32 $0x1FFFFFF0, s1;
	s29 =	spop (v2sf)  }
0x32: {  	[tilespmem:s28], [sflag:$0x1] =	stream.linear.gather [hbm4b:s0+s2], $0x80, $0x38;
	[tilespmem:$0x10400] =	vst v63  }
0x33: {  	s0 =	sadd.s32 s3, s1;
	s1 =	sand.u32 $0x1FFFFFF0, s29;
	s28 =	spop (v2sf)  }
0x34: {  	[tilespmem:s25], [sflag:$0x1] =	stream.linear.gather [hbm4b:s0+s2], $0x80, $0x38;
	[tilespmem:$0x10400] =	vst v63  }
0x35: {  	s0 =	sadd.s32 s3, s1;
	s1 =	sand.u32 $0x1FFFFFF0, s28;
	s25 =	spop (v2sf)  }
0x36: {  	[tilespmem:s24], [sflag:$0x1] =	stream.linear.gather [hbm4b:s0+s2], $0x80, $0x38;
	[tilespmem:$0x10400] =	vst v63  }
0x37: {  	s0 =	sadd.s32 s3, s1;
	s1 =	sand.u32 $0x1FFFFFF0, s25;
	s24 =	spop (v2sf)  }
0x38: {  	[tilespmem:s26], [sflag:$0x1] =	stream.linear.gather [hbm4b:s0+s2], $0x80, $0x38;
	[tilespmem:$0x10400] =	vst v63  }
0x39: {  	s0 =	sadd.s32 s3, s1;
	s1 =	sand.u32 $0x1FFFFFF0, s24;
	s24 =	spop (v2sf)  }
0x3a: {  	[tilespmem:s22], [sflag:$0x1] =	stream.linear.gather [hbm4b:s0+s2], $0x80, $0x38;
	[tilespmem:$0x10400] =	vst v63  }
0x3b: {  	s0 =	sadd.s32 s3, s1;
	s1 =	sand.u32 $0x1FFFFFF0, s24;
	s22 =	spop (v2sf)  }
0x3c: {  	[tilespmem:s21], [sflag:$0x1] =	stream.linear.gather [hbm4b:s0+s2], $0x80, $0x38;
	[tilespmem:$0x10400] =	vst v63  }
0x3d: {  	s0 =	sadd.s32 s3, s1;
	s1 =	sand.u32 $0x1FFFFFF0, s22;
	s21 =	spop (v2sf)  }
0x3e: {  	[tilespmem:s20], [sflag:$0x1] =	stream.linear.gather [hbm4b:s0+s2], $0x80, $0x38;
	[tilespmem:$0x10400] =	vst v63  }
0x3f: {  	s1 =	sadd.s32 s3, s1;
	s0 =	sadd.s32 $0xB00, s16;
	s16 =	sand.u32 $0x1FFFFFF0, s21  }
0x40: {  	[tilespmem:s0], [sflag:$0x1] =	stream.linear.gather [hbm4b:s1+s2], $0x80, $0x38;
	[tilespmem:$0x10400] =	vst v63  }
0x41: {  	s0 =	sand.u32 $0x70, s14;
	s1 =	sand.u32 $0x300, s15;
	s14 =	sadd.s32 s3, s16  }
0x42: {  	[tilespmem:s23], [sflag:$0x1] =	stream.linear.gather [hbm4b:s14+s2], $0x80, $0x38;
	[tilespmem:$0x10400] =	vst v63  }
0x43: {  	p0 =	sne.s32 s17, $0x3E000;
	s17 =	sadd.s32 $0x2000, s17;
	s0 =	sor.u32 s0, s1  }
0x44: {  	s15 =	smov.u32 s19;
	s14 =	smov.u32 s18;
	v0 =	vld [tilespmem:s0+$0x0];
	_ =	sdelay $0x4  }
0x45: {  	s16 =	sshra.s32 s13, $0x2;
	s13 =	smov.u32 s30;
	s18 =	sadd.s32 $0x10, s18;
	v0 =	vshll.u32 v0, $0x4  }
0x46: {  	s19 =	sadd.s32 $0x20, s19;
	s20 =	sadd.s32 $0xA80, s16;
	s0 =	sadd.s32 $0x480, s16;
	(v2sf) =	vpush v0, $0x0  }
0x47: {  	s1 =	sadd.s32 $0x400, s16;
	s22 =	sadd.s32 $0x980, s16;
	s21 =	sadd.s32 $0xA00, s16;
	(v2sf) =	vpush v0, $0x1  }
0x48: {  	s25 =	sadd.s32 $0x800, s16;
	s24 =	sadd.s32 $0x880, s16;
	s26 =	sadd.s32 $0x900, s16;
	(v2sf) =	vpush v0, $0x2  }
0x49: {  	s29 =	sadd.s32 $0x700, s16;
	s28 =	sadd.s32 $0x780, s16  }
0x4a: {  	s30 =	sadd.s32 $0x680, s16;
	(v2sf) =	vpush v0, $0x3  }
0x4b: {  	s31 =	sadd.s32 $0x600, s16  }
0x4c: {  	(v2sf) =	vpush v0, $0x4  }
0x4d: {  	s23 =	sadd.s32 $0xB80, s16  }
0x4e: {  	(v2sf) =	vpush v0, $0x5;
	_ =	sdelay $0x1  }
0x4f: {  	s11 =	sadd.s32 $0x500, s16;
	(v2sf) =	vpush v0, $0x6;
	_ =	sdelay $0x1  }
0x50: {  	s5 =	sadd.s32 $0x580, s16;
	(v2sf) =	vpush v0, $0x7;
	_ =	sdelay $0x1  }
0x51: {  	(v2sf) =	vpush v0, $0x8  }
0x52: {  	s6 =	spop (v2sf)  }
0x53: {  	s6 =	sand.u32 $0x1FFFFFF0, s6;
	s7 =	spop (v2sf);
	(v2sf) =	vpush v0, $0x9  }
0x54: {  	s6 =	sadd.s32 s3, s6;
	s7 =	sand.u32 $0x1FFFFFF0, s7;
	s8 =	spop (v2sf)  }
0x55: {  	[tilespmem:s1], [sflag:$0x1] =	stream.linear.gather [hbm4b:s6+s2], $0x80, $0x38;
	(v2sf) =	vpush v0, $0xA;
	[tilespmem:$0x10400] =	vst v63  }
0x56: {  	s1 =	sadd.s32 s3, s7;
	s6 =	sand.u32 $0x1FFFFFF0, s8;
	s7 =	spop (v2sf)  }
0x57: {  	[tilespmem:s0], [sflag:$0x1] =	stream.linear.gather [hbm4b:s1+s2], $0x80, $0x38;
	(v2sf) =	vpush v0, $0xB;
	[tilespmem:$0x10400] =	vst v63  }
0x58: {  	s0 =	sadd.s32 s3, s6;
	s1 =	sand.u32 $0x1FFFFFF0, s7;
	s6 =	spop (v2sf)  }
0x59: {  	[tilespmem:s11], [sflag:$0x1] =	stream.linear.gather [hbm4b:s0+s2], $0x80, $0x38;
	(v2sf) =	vpush v0, $0xC;
	[tilespmem:$0x10400] =	vst v63  }
0x5a: {  	s0 =	sadd.s32 s3, s1;
	s1 =	sand.u32 $0x1FFFFFF0, s6;
	s6 =	spop (v2sf)  }
0x5b: {  	[tilespmem:s5], [sflag:$0x1] =	stream.linear.gather [hbm4b:s0+s2], $0x80, $0x38;
	[tilespmem:$0x10400] =	vst v63  }
.Ltmp0:
0x5c: {  	(v2sf) =	vpush v0, $0xD;
	(pc) =	sbr.rel @p0 .LBB2_2-.Ltmp0, $4  }
0x5d: {  	s0 =	sadd.s32 s3, s1;
	s1 =	sand.u32 $0x1FFFFFF0, s6;
	s5 =	spop (v2sf)  }
0x5e: {  	[tilespmem:s31], [sflag:$0x1] =	stream.linear.gather [hbm4b:s0+s2], $0x80, $0x38;
	(v2sf) =	vpush v0, $0xE;
	[tilespmem:$0x10400] =	vst v63  }
0x5f: {  	s1 =	sadd.s32 s3, s1;
	s31 =	sand.u32 $0x1FFFFFF0, s5;
	s0 =	spop (v2sf)  }
0x60: {  	[tilespmem:s30], [sflag:$0x1] =	stream.linear.gather [hbm4b:s1+s2], $0x80, $0x38;
	(v2sf) =	vpush v0, $0xF;
	[tilespmem:$0x10400] =	vst v63  }
0x61: {  	s1 =	sadd.s32 s3, s31;
	s0 =	sand.u32 $0x1FFFFFF0, s0;
	s5 =	spop (v2sf)  }
0x62: {  	[tilespmem:s29], [sflag:$0x1] =	stream.linear.gather [hbm4b:s1+s2], $0x80, $0x38;
	[tilespmem:$0x10400] =	vst v63  }
0x63: {  	s0 =	sadd.s32 s3, s0;
	s5 =	sand.u32 $0x1FFFFFF0, s5;
	s6 =	spop (v2sf)  }
0x64: {  	[tilespmem:s28], [sflag:$0x1] =	stream.linear.gather [hbm4b:s0+s2], $0x80, $0x38;
	[tilespmem:$0x10400] =	vst v63  }
0x65: {  	s7 =	sadd.s32 s3, s5;
	s8 =	sand.u32 $0x1FFFFFF0, s6;
	s11 =	spop (v2sf)  }
0x66: {  	[tilespmem:s25], [sflag:$0x1] =	stream.linear.gather [hbm4b:s7+s2], $0x80, $0x38;
	[tilespmem:$0x10400] =	vst v63  }
0x67: {  	s17 =	sadd.s32 s3, s8;
	s18 =	sand.u32 $0x1FFFFFF0, s11;
	s19 =	spop (v2sf)  }
0x68: {  	[tilespmem:s24], [sflag:$0x1] =	stream.linear.gather [hbm4b:s17+s2], $0x80, $0x38;
	[tilespmem:$0x10400] =	vst v63  }
0x69: {  	s25 =	sand.u32 $0x1FFFFFF0, s19;
	s24 =	sadd.s32 s3, s18;
	s30 =	spop (v2sf)  }
0x6a: {  	[tilespmem:s26], [sflag:$0x1] =	stream.linear.gather [hbm4b:s24+s2], $0x80, $0x38;
	[tilespmem:$0x10400] =	vst v63  }
0x6b: {  	s1 =	sadd.s32 s3, s25;
	s5 =	sand.u32 $0x1FFFFFF0, s30;
	s6 =	spop (v2sf)  }
0x6c: {  	[tilespmem:s22], [sflag:$0x1] =	stream.linear.gather [hbm4b:s1+s2], $0x80, $0x38;
	[tilespmem:$0x10400] =	vst v63  }
0x6d: {  	s7 =	sadd.s32 s3, s5;
	s8 =	sand.u32 $0x1FFFFFF0, s6  }
0x6e: {  	s22 =	sand.u32 $0x300, s15;
	s11 =	spop (v2sf);
	s17 =	sadd.s32 s3, s8  }
0x6f: {  	[tilespmem:s21], [sflag:$0x1] =	stream.linear.gather [hbm4b:s7+s2], $0x80, $0x38;
	[tilespmem:$0x10400] =	vst v63  }
0x70: {  	s18 =	sand.u32 $0x1FFFFFF0, s11;
	s21 =	sand.u32 $0x70, s14;
	s19 =	spop (v2sf)  }
0x71: {  	[tilespmem:s20], [sflag:$0x1] =	stream.linear.gather [hbm4b:s17+s2], $0x80, $0x38;
	[tilespmem:$0x10400] =	vst v63  }
0x72: {  	s1 =	sadd.s32 s3, s18;
	s20 =	sadd.s32 $0xB00, s16;
	s5 =	sand.u32 $0x1FFFFFF0, s19  }
0x73: {  	[tilespmem:s20], [sflag:$0x1] =	stream.linear.gather [hbm4b:s1+s2], $0x80, $0x38;
	[tilespmem:$0x10400] =	vst v63  }
0x74: {  	s0 =	sor.u32 s21, s22;
	s5 =	sadd.s32 s3, s5  }
0x75: {  	[tilespmem:s23], [sflag:$0x1] =	stream.linear.gather [hbm4b:s5+s2], $0x80, $0x38;
	[tilespmem:$0x10400] =	vst v63  }
0x76: {  	v0 =	vld [tilespmem:s0+$0x0];
	_ =	sdelay $0x4  }
0x77: {  	v0 =	vshll.u32 v0, $0x4  }
0x78: {  	(v2sf) =	vpush v0, $0x0  }
0x79: {  	(v2sf) =	vpush v0, $0x1  }
0x7a: {  	(v2sf) =	vpush v0, $0x2;
	_ =	sdelay $0x1  }
0x7b: {  	(v2sf) =	vpush v0, $0x3;
	_ =	sdelay $0x1  }
0x7c: {  	(v2sf) =	vpush v0, $0x4;
	_ =	sdelay $0x1  }
0x7d: {  	(v2sf) =	vpush v0, $0x5;
	_ =	sdelay $0x1  }
0x7e: {  	s13 =	sshra.s32 s13, $0x2;
	(v2sf) =	vpush v0, $0x6  }
0x7f: {  	s24 =	sadd.s32 $0x400, s13;
	s15 =	sadd.s32 $0xA00, s13  }
0x80: {  	s6 =	sadd.s32 $0x880, s13;
	s8 =	sadd.s32 $0x700, s13;
	s14 =	sadd.s32 $0xA80, s13;
	(v2sf) =	vpush v0, $0x7  }
0x81: {  	s7 =	sadd.s32 $0x900, s13;
	s11 =	sadd.s32 $0x780, s13;
	s18 =	sadd.s32 $0x600, s13  }
0x82: {  	s21 =	sadd.s32 $0x580, s13;
	s16 =	sadd.s32 $0x980, s13;
	s17 =	sadd.s32 $0x680, s13;
	(v2sf) =	vpush v0, $0x8  }
0x83: {  	s19 =	sadd.s32 $0x500, s13;
	s5 =	sadd.s32 $0x800, s13;
	s25 =	spop (v2sf)  }
0x84: {  	s0 =	sadd.s32 $0x480, s13;
	s20 =	sand.u32 $0x1FFFFFF0, s25;
	s26 =	spop (v2sf);
	(v2sf) =	vpush v0, $0x9  }
0x85: {  	s20 =	sadd.s32 s3, s20;
	s22 =	sand.u32 $0x1FFFFFF0, s26;
	s30 =	spop (v2sf)  }
0x86: {  	(v2sf) =	vpush v0, $0xA;
	[tilespmem:s24], [sflag:$0x1] =	stream.linear.gather [hbm4b:s20+s2], $0x80, $0x38;
	[tilespmem:$0x10400] =	vst v63  }
0x87: {  	s22 =	sadd.s32 s3, s22;
	s23 =	sand.u32 $0x1FFFFFF0, s30;
	s24 =	spop (v2sf)  }
0x88: {  	(v2sf) =	vpush v0, $0xB;
	[tilespmem:s0], [sflag:$0x1] =	stream.linear.gather [hbm4b:s22+s2], $0x80, $0x38;
	[tilespmem:$0x10400] =	vst v63  }
0x89: {  	s25 =	sadd.s32 s3, s23;
	s26 =	sand.u32 $0x1FFFFFF0, s24;
	s30 =	spop (v2sf)  }
0x8a: {  	(v2sf) =	vpush v0, $0xC;
	[tilespmem:s19], [sflag:$0x1] =	stream.linear.gather [hbm4b:s25+s2], $0x80, $0x38;
	[tilespmem:$0x10400] =	vst v63  }
0x8b: {  	s1 =	sadd.s32 s3, s26;
	s20 =	spop (v2sf);
	s19 =	sand.u32 $0x1FFFFFF0, s30  }
0x8c: {  	(v2sf) =	vpush v0, $0xD;
	[tilespmem:s21], [sflag:$0x1] =	stream.linear.gather [hbm4b:s1+s2], $0x80, $0x38;
	[tilespmem:$0x10400] =	vst v63  }
0x8d: {  	s23 =	sand.u32 $0x1FFFFFF0, s20;
	s24 =	spop (v2sf);
	s22 =	sadd.s32 s3, s19  }
0x8e: {  	(v2sf) =	vpush v0, $0xE;
	[tilespmem:s18], [sflag:$0x1] =	stream.linear.gather [hbm4b:s22+s2], $0x80, $0x38;
	[tilespmem:$0x10400] =	vst v63  }
0x8f: {  	s25 =	sadd.s32 s3, s23;
	s26 =	sand.u32 $0x1FFFFFF0, s24;
	s30 =	spop (v2sf)  }
0x90: {  	(v2sf) =	vpush v0, $0xF;
	[tilespmem:s17], [sflag:$0x1] =	stream.linear.gather [hbm4b:s25+s2], $0x80, $0x38;
	[tilespmem:$0x10400] =	vst v63  }
0x91: {  	s1 =	sadd.s32 s3, s26;
	s18 =	spop (v2sf);
	s17 =	sand.u32 $0x1FFFFFF0, s30  }
0x92: {  	[tilespmem:s8], [sflag:$0x1] =	stream.linear.gather [hbm4b:s1+s2], $0x80, $0x38;
	[tilespmem:$0x10400] =	vst v63  }
0x93: {  	s20 =	sand.u32 $0x1FFFFFF0, s18;
	s19 =	sadd.s32 s3, s17;
	s21 =	spop (v2sf)  }
0x94: {  	[tilespmem:s11], [sflag:$0x1] =	stream.linear.gather [hbm4b:s19+s2], $0x80, $0x38;
	[tilespmem:$0x10400] =	vst v63  }
0x95: {  	s22 =	sadd.s32 s3, s20;
	s23 =	sand.u32 $0x1FFFFFF0, s21;
	s24 =	spop (v2sf)  }
0x96: {  	[tilespmem:s5], [sflag:$0x1] =	stream.linear.gather [hbm4b:s22+s2], $0x80, $0x38;
	[tilespmem:$0x10400] =	vst v63  }
0x97: {  	s25 =	sadd.s32 s3, s23;
	s26 =	sand.u32 $0x1FFFFFF0, s24;
	s30 =	spop (v2sf)  }
0x98: {  	[tilespmem:s6], [sflag:$0x1] =	stream.linear.gather [hbm4b:s25+s2], $0x80, $0x38;
	[tilespmem:$0x10400] =	vst v63  }
0x99: {  	s1 =	sadd.s32 s3, s26;
	s5 =	sand.u32 $0x1FFFFFF0, s30;
	s6 =	spop (v2sf)  }
0x9a: {  	[tilespmem:s7], [sflag:$0x1] =	stream.linear.gather [hbm4b:s1+s2], $0x80, $0x38;
	[tilespmem:$0x10400] =	vst v63  }
0x9b: {  	s8 =	sand.u32 $0x1FFFFFF0, s6;
	s11 =	spop (v2sf);
	s7 =	sadd.s32 s3, s5  }
0x9c: {  	[tilespmem:s16], [sflag:$0x1] =	stream.linear.gather [hbm4b:s7+s2], $0x80, $0x38;
	[tilespmem:$0x10400] =	vst v63  }
0x9d: {  	s17 =	sand.u32 $0x1FFFFFF0, s11;
	s18 =	spop (v2sf);
	s16 =	sadd.s32 s3, s8  }
0x9e: {  	[tilespmem:s15], [sflag:$0x1] =	stream.linear.gather [hbm4b:s16+s2], $0x80, $0x38;
	[tilespmem:$0x10400] =	vst v63  }
0x9f: {  	s19 =	sadd.s32 s3, s17;
	s20 =	sand.u32 $0x1FFFFFF0, s18;
	s21 =	spop (v2sf)  }
0xa0: {  	[tilespmem:s14], [sflag:$0x1] =	stream.linear.gather [hbm4b:s19+s2], $0x80, $0x38;
	[tilespmem:$0x10400] =	vst v63  }
0xa1: {  	s22 =	sadd.s32 $0xB00, s13;
	s1 =	sadd.s32 s3, s20;
	s5 =	sand.u32 $0x1FFFFFF0, s21  }
0xa2: {  	[tilespmem:s22], [sflag:$0x1] =	stream.linear.gather [hbm4b:s1+s2], $0x80, $0x38;
	[tilespmem:$0x10400] =	vst v63  }
0xa3: {  	s23 =	sadd.s32 $0xB80, s13;
	s24 =	sadd.s32 s3, s5  }
0xa4: {  	[tilespmem:s23], [sflag:$0x1] =	stream.linear.gather [hbm4b:s24+s2], $0x80, $0x38;
	[tilespmem:$0x10400] =	vst v63  }
0xa5: {  	_ =	swait.ge [sflag:s10], $0x10000  }
0xa6: {  	s30 =	simm.s32 $0x400;
	[sflag:s10] =	ssyncset.done $0x0  }
0xa7: {  	s25 =	simm.s32 $0x0;
	s26 =	rddreg [dreg:$0x4];
	[sflag:s10] =	ssyncadd.s32 $0xFFFF0000  }
0xa8: {  	[hbm4b:s26+s25] =	stream.linear.scatter [tilespmem:s30], [sflag:$0x2], $0x10000, $0x38;
	[tilespmem:$0x10400] =	vst v63  }
0xa9: {  	_ =	swait.ge [sflag:s9], $0x10000  }
0xaa: {  	s6 =	sand.u32 $0x70, s25;
	s0 =	sand.u32 $0x300, s25;
	[sflag:s9] =	ssyncset.done $0x0  }
0xab: {  	s0 =	sor.u32 s6, s0;
	[sflag:s9] =	ssyncadd.s32 $0xFFFF0000  }
0xac: {  	v63 =	vld [tilespmem:s0+$0x80];
	_ =	sdelay $0x4  }
0xad: {  	v0 =	vshll.u32 v63, $0x4  }
0xae: {  	(v2sf) =	vpush v0, $0x0  }
0xaf: {  	(v2sf) =	vpush v0, $0x1  }
0xb0: {  	(v2sf) =	vpush v0, $0x2  }
0xb1: {  	(v2sf) =	vpush v0, $0x3  }
0xb2: {  	(v2sf) =	vpush v0, $0x4;
	_ =	sdelay $0x6  }
0xb3: {  	(v2sf) =	vpush v0, $0x5  }
0xb4: {  	s29 =	simm.s32 $0x700  }
0xb5: {  	s28 =	simm.s32 $0x780;
	s13 =	simm.s32 $0x2000;
	s6 =	simm.s32 $0x500  }
0xb6: {  	s17 =	simm.s32 $0x4000;
	s18 =	simm.s32 $0x20;
	s20 =	simm.s32 $0xA80  }
0xb7: {  	s7 =	simm.s32 $0x400;
	s21 =	simm.s32 $0xA00;
	(v2sf) =	vpush v0, $0x6;
	s8 =	spop (v2sf)  }
0xb8: {  	s15 =	simm.s32 $0x20;
	s16 =	simm.s32 $0x0;
	s11 =	spop (v2sf)  }
0xb9: {  	s14 =	simm.s32 $0x10;
	s19 =	simm.s32 $0x40;
	(v2sf) =	vpush v0, $0x7;
	s26 =	spop (v2sf)  }
0xba: {  	s22 =	simm.s32 $0x980;
	s1 =	simm.s32 $0x580;
	s30 =	spop (v2sf)  }
0xbb: {  	s5 =	sand.u32 $0x1FFFFFF0, s8;
	s23 =	sand.u32 $0x1FFFFFF0, s11;
	s11 =	spop (v2sf);
	(v2sf) =	vpush v0, $0x8  }
0xbc: {  	s24 =	simm.s32 $0x880;
	s0 =	simm.s32 $0x480;
	s5 =	sadd.s32 s4, s5  }
0xbd: {  	[tilespmem:s7], [sflag:$0x1] =	stream.linear.gather [hbm4b:s5+s2], $0x80, $0x38;
	(v2sf) =	vpush v0, $0x9;
	[tilespmem:$0x10400] =	vst v63  }
0xbe: {  	s5 =	sadd.s32 s4, s23;
	s7 =	sand.u32 $0x1FFFFFF0, s26;
	s8 =	sand.u32 $0x1FFFFFF0, s30  }
0xbf: {  	[tilespmem:s0], [sflag:$0x1] =	stream.linear.gather [hbm4b:s5+s2], $0x80, $0x38;
	(v2sf) =	vpush v0, $0xA;
	[tilespmem:$0x10400] =	vst v63  }
0xc0: {  	s25 =	simm.s32 $0x800;
	s7 =	sadd.s32 s4, s7;
	s23 =	sadd.s32 s4, s8  }
0xc1: {  	[tilespmem:s6], [sflag:$0x1] =	stream.linear.gather [hbm4b:s7+s2], $0x80, $0x38;
	(v2sf) =	vpush v0, $0xB;
	[tilespmem:$0x10400] =	vst v63  }
0xc2: {  	s26 =	sand.u32 $0x1FFFFFF0, s11;
	s30 =	spop (v2sf);
	s11 =	simm.s32 $0x680  }
0xc3: {  	(v2sf) =	vpush v0, $0xC;
	[tilespmem:s1], [sflag:$0x1] =	stream.linear.gather [hbm4b:s23+s2], $0x80, $0x38;
	[tilespmem:$0x10400] =	vst v63  }
0xc4: {  	s8 =	sand.u32 $0x1FFFFFF0, s30;
	s7 =	sadd.s32 s4, s26;
	s1 =	simm.s32 $0x600  }
0xc5: {  	(v2sf) =	vpush v0, $0xD;
	[tilespmem:s1], [sflag:$0x1] =	stream.linear.gather [hbm4b:s7+s2], $0x80, $0x38;
	[tilespmem:$0x10400] =	vst v63  }
0xc6: {  	s30 =	spop (v2sf);
	s26 =	simm.s32 $0x900;
	s23 =	sadd.s32 s4, s8  }
0xc7: {  	(v2sf) =	vpush v0, $0xE;
	[tilespmem:s11], [sflag:$0x1] =	stream.linear.gather [hbm4b:s23+s2], $0x80, $0x38;
	[tilespmem:$0x10400] =	vst v63  }
0xc8: {  	s0 =	sand.u32 $0x1FFFFFF0, s30;
	s23 =	simm.s32 $0xB80;
	s31 =	spop (v2sf);
	(v2sf) =	vpush v0, $0xF  }
.LBB2_4:
0xc9: {  	s0 =	sadd.s32 s4, s0  }
0xca: {  	s1 =	sand.u32 $0x1FFFFFF0, s31;
	s5 =	spop (v2sf);
	s30 =	smov.u32 s17  }
0xcb: {  	[tilespmem:s29], [sflag:$0x1] =	stream.linear.gather [hbm4b:s0+s2], $0x80, $0x38;
	[tilespmem:$0x10400] =	vst v63  }
0xcc: {  	s0 =	sadd.s32 s4, s1;
	s1 =	sand.u32 $0x1FFFFFF0, s5;
	s5 =	spop (v2sf)  }
0xcd: {  	[tilespmem:s28], [sflag:$0x1] =	stream.linear.gather [hbm4b:s0+s2], $0x80, $0x38;
	[tilespmem:$0x10400] =	vst v63  }
0xce: {  	s0 =	sadd.s32 s4, s1;
	s1 =	sand.u32 $0x1FFFFFF0, s5;
	s5 =	spop (v2sf)  }
0xcf: {  	[tilespmem:s25], [sflag:$0x1] =	stream.linear.gather [hbm4b:s0+s2], $0x80, $0x38;
	[tilespmem:$0x10400] =	vst v63  }
0xd0: {  	s0 =	sadd.s32 s4, s1;
	s1 =	sand.u32 $0x1FFFFFF0, s5;
	s5 =	spop (v2sf)  }
0xd1: {  	[tilespmem:s24], [sflag:$0x1] =	stream.linear.gather [hbm4b:s0+s2], $0x80, $0x38;
	[tilespmem:$0x10400] =	vst v63  }
0xd2: {  	s0 =	sadd.s32 s4, s1;
	s1 =	sand.u32 $0x1FFFFFF0, s5;
	s5 =	spop (v2sf)  }
0xd3: {  	[tilespmem:s26], [sflag:$0x1] =	stream.linear.gather [hbm4b:s0+s2], $0x80, $0x38;
	[tilespmem:$0x10400] =	vst v63  }
0xd4: {  	s0 =	sadd.s32 s4, s1;
	s1 =	sand.u32 $0x1FFFFFF0, s5;
	s5 =	spop (v2sf)  }
0xd5: {  	[tilespmem:s22], [sflag:$0x1] =	stream.linear.gather [hbm4b:s0+s2], $0x80, $0x38;
	[tilespmem:$0x10400] =	vst v63  }
0xd6: {  	s0 =	sadd.s32 s4, s1;
	s1 =	sand.u32 $0x1FFFFFF0, s5;
	s5 =	spop (v2sf)  }
0xd7: {  	[tilespmem:s21], [sflag:$0x1] =	stream.linear.gather [hbm4b:s0+s2], $0x80, $0x38;
	[tilespmem:$0x10400] =	vst v63  }
0xd8: {  	s0 =	sadd.s32 s4, s1;
	s1 =	sand.u32 $0x1FFFFFF0, s5;
	s5 =	spop (v2sf)  }
0xd9: {  	[tilespmem:s20], [sflag:$0x1] =	stream.linear.gather [hbm4b:s0+s2], $0x80, $0x38;
	[tilespmem:$0x10400] =	vst v63  }
0xda: {  	s1 =	sadd.s32 s4, s1;
	s0 =	sadd.s32 $0xB00, s16;
	s5 =	sand.u32 $0x1FFFFFF0, s5  }
0xdb: {  	[tilespmem:s0], [sflag:$0x1] =	stream.linear.gather [hbm4b:s1+s2], $0x80, $0x38;
	[tilespmem:$0x10400] =	vst v63  }
0xdc: {  	s5 =	sadd.s32 s4, s5;
	s0 =	sand.u32 $0x70, s14;
	s1 =	sand.u32 $0x300, s15  }
0xdd: {  	[tilespmem:s23], [sflag:$0x1] =	stream.linear.gather [hbm4b:s5+s2], $0x80, $0x38;
	[tilespmem:$0x10400] =	vst v63  }
0xde: {  	p0 =	sne.s32 s17, $0x3E000;
	s17 =	sadd.s32 $0x2000, s17;
	s0 =	sor.u32 s0, s1  }
0xdf: {  	s14 =	smov.u32 s18;
	s15 =	smov.u32 s19;
	v0 =	vld [tilespmem:s0+$0x80];
	_ =	sdelay $0x4  }
0xe0: {  	s16 =	sshra.s32 s13, $0x2;
	s13 =	smov.u32 s30;
	s18 =	sadd.s32 $0x10, s18;
	v0 =	vshll.u32 v0, $0x4  }
0xe1: {  	s20 =	sadd.s32 $0xA80, s16;
	s19 =	sadd.s32 $0x20, s19;
	s0 =	sadd.s32 $0x480, s16;
	(v2sf) =	vpush v0, $0x0  }
0xe2: {  	s22 =	sadd.s32 $0x980, s16;
	s21 =	sadd.s32 $0xA00, s16;
	s1 =	sadd.s32 $0x400, s16;
	(v2sf) =	vpush v0, $0x1  }
0xe3: {  	s25 =	sadd.s32 $0x800, s16;
	s24 =	sadd.s32 $0x880, s16;
	s26 =	sadd.s32 $0x900, s16;
	(v2sf) =	vpush v0, $0x2  }
0xe4: {  	s29 =	sadd.s32 $0x700, s16;
	s28 =	sadd.s32 $0x780, s16  }
0xe5: {  	s30 =	sadd.s32 $0x680, s16;
	(v2sf) =	vpush v0, $0x3  }
0xe6: {  	s5 =	sadd.s32 $0x600, s16  }
0xe7: {  	(v2sf) =	vpush v0, $0x4  }
0xe8: {  	s23 =	sadd.s32 $0xB80, s16  }
0xe9: {  	(v2sf) =	vpush v0, $0x5;
	_ =	sdelay $0x1  }
0xea: {  	s6 =	sadd.s32 $0x500, s16;
	(v2sf) =	vpush v0, $0x6;
	_ =	sdelay $0x1  }
0xeb: {  	s7 =	sadd.s32 $0x580, s16;
	(v2sf) =	vpush v0, $0x7;
	_ =	sdelay $0x1  }
0xec: {  	(v2sf) =	vpush v0, $0x8  }
0xed: {  	s8 =	spop (v2sf)  }
0xee: {  	s8 =	sand.u32 $0x1FFFFFF0, s8;
	s11 =	spop (v2sf);
	(v2sf) =	vpush v0, $0x9  }
0xef: {  	s8 =	sadd.s32 s4, s8;
	s11 =	sand.u32 $0x1FFFFFF0, s11;
	s31 =	spop (v2sf)  }
0xf0: {  	[tilespmem:s1], [sflag:$0x1] =	stream.linear.gather [hbm4b:s8+s2], $0x80, $0x38;
	(v2sf) =	vpush v0, $0xA;
	[tilespmem:$0x10400] =	vst v63  }
0xf1: {  	s1 =	sadd.s32 s4, s11;
	s8 =	sand.u32 $0x1FFFFFF0, s31;
	s11 =	spop (v2sf)  }
0xf2: {  	[tilespmem:s0], [sflag:$0x1] =	stream.linear.gather [hbm4b:s1+s2], $0x80, $0x38;
	(v2sf) =	vpush v0, $0xB;
	[tilespmem:$0x10400] =	vst v63  }
0xf3: {  	s0 =	sadd.s32 s4, s8;
	s1 =	sand.u32 $0x1FFFFFF0, s11;
	s8 =	spop (v2sf)  }
0xf4: {  	[tilespmem:s6], [sflag:$0x1] =	stream.linear.gather [hbm4b:s0+s2], $0x80, $0x38;
	(v2sf) =	vpush v0, $0xC;
	[tilespmem:$0x10400] =	vst v63  }
0xf5: {  	s0 =	sadd.s32 s4, s1;
	s1 =	sand.u32 $0x1FFFFFF0, s8;
	s6 =	spop (v2sf)  }
0xf6: {  	[tilespmem:s7], [sflag:$0x1] =	stream.linear.gather [hbm4b:s0+s2], $0x80, $0x38;
	[tilespmem:$0x10400] =	vst v63  }
.Ltmp1:
0xf7: {  	(v2sf) =	vpush v0, $0xD;
	(pc) =	sbr.rel @p0 .LBB2_4-.Ltmp1, $4  }
0xf8: {  	s0 =	sadd.s32 s4, s1;
	s1 =	sand.u32 $0x1FFFFFF0, s6;
	s6 =	spop (v2sf)  }
0xf9: {  	[tilespmem:s5], [sflag:$0x1] =	stream.linear.gather [hbm4b:s0+s2], $0x80, $0x38;
	(v2sf) =	vpush v0, $0xE;
	[tilespmem:$0x10400] =	vst v63  }
0xfa: {  	s1 =	sadd.s32 s4, s1;
	s0 =	sand.u32 $0x1FFFFFF0, s6;
	s31 =	spop (v2sf)  }
0xfb: {  	[tilespmem:s30], [sflag:$0x1] =	stream.linear.gather [hbm4b:s1+s2], $0x80, $0x38;
	(v2sf) =	vpush v0, $0xF;
	[tilespmem:$0x10400] =	vst v63  }
0xfc: {  	s0 =	sadd.s32 s4, s0;
	s30 =	sand.u32 $0x1FFFFFF0, s31  }
0xfd: {  	[tilespmem:s29], [sflag:$0x1] =	stream.linear.gather [hbm4b:s0+s2], $0x80, $0x38;
	[tilespmem:$0x10400] =	vst v63  }
0xfe: {  	s31 =	spop (v2sf);
	s0 =	sadd.s32 s4, s30  }
0xff: {  	[tilespmem:s28], [sflag:$0x1] =	stream.linear.gather [hbm4b:s0+s2], $0x80, $0x38;
	[tilespmem:$0x10400] =	vst v63  }
0x100: {  	s0 =	sand.u32 $0x1FFFFFF0, s31  }
0x101: {  	s1 =	spop (v2sf);
	s0 =	sadd.s32 s4, s0  }
0x102: {  	[tilespmem:s25], [sflag:$0x1] =	stream.linear.gather [hbm4b:s0+s2], $0x80, $0x38;
	[tilespmem:$0x10400] =	vst v63  }
0x103: {  	s0 =	sand.u32 $0x1FFFFFF0, s1  }
0x104: {  	s5 =	spop (v2sf);
	s0 =	sadd.s32 s4, s0  }
0x105: {  	[tilespmem:s24], [sflag:$0x1] =	stream.linear.gather [hbm4b:s0+s2], $0x80, $0x38;
	[tilespmem:$0x10400] =	vst v63  }
0x106: {  	s0 =	sand.u32 $0x1FFFFFF0, s5  }
0x107: {  	s6 =	spop (v2sf);
	s0 =	sadd.s32 s4, s0  }
0x108: {  	[tilespmem:s26], [sflag:$0x1] =	stream.linear.gather [hbm4b:s0+s2], $0x80, $0x38;
	[tilespmem:$0x10400] =	vst v63  }
0x109: {  	s0 =	sand.u32 $0x1FFFFFF0, s6  }
0x10a: {  	s7 =	spop (v2sf);
	s0 =	sadd.s32 s4, s0  }
0x10b: {  	[tilespmem:s22], [sflag:$0x1] =	stream.linear.gather [hbm4b:s0+s2], $0x80, $0x38;
	[tilespmem:$0x10400] =	vst v63  }
0x10c: {  	s0 =	sand.u32 $0x1FFFFFF0, s7  }
0x10d: {  	s8 =	spop (v2sf);
	s0 =	sadd.s32 s4, s0  }
0x10e: {  	[tilespmem:s21], [sflag:$0x1] =	stream.linear.gather [hbm4b:s0+s2], $0x80, $0x38;
	[tilespmem:$0x10400] =	vst v63  }
0x10f: {  	s0 =	sand.u32 $0x1FFFFFF0, s8  }
0x110: {  	s11 =	spop (v2sf);
	s0 =	sadd.s32 s4, s0  }
0x111: {  	[tilespmem:s20], [sflag:$0x1] =	stream.linear.gather [hbm4b:s0+s2], $0x80, $0x38;
	[tilespmem:$0x10400] =	vst v63  }
0x112: {  	s0 =	sand.u32 $0x1FFFFFF0, s11  }
0x113: {  	s1 =	sadd.s32 $0xB00, s16;
	s16 =	spop (v2sf);
	s0 =	sadd.s32 s4, s0  }
0x114: {  	[tilespmem:s1], [sflag:$0x1] =	stream.linear.gather [hbm4b:s0+s2], $0x80, $0x38;
	[tilespmem:$0x10400] =	vst v63  }
0x115: {  	s0 =	sand.u32 $0x1FFFFFF0, s16  }
0x116: {  	s17 =	sand.u32 $0x70, s14;
	s18 =	sand.u32 $0x300, s15;
	s0 =	sadd.s32 s4, s0  }
0x117: {  	[tilespmem:s23], [sflag:$0x1] =	stream.linear.gather [hbm4b:s0+s2], $0x80, $0x38;
	[tilespmem:$0x10400] =	vst v63  }
0x118: {  	s0 =	sor.u32 s17, s18  }
0x119: {  	v0 =	vld [tilespmem:s0+$0x80];
	_ =	sdelay $0x4  }
0x11a: {  	v0 =	vshll.u32 v0, $0x4  }
0x11b: {  	(v2sf) =	vpush v0, $0x0;
	_ =	sdelay $0x1  }
0x11c: {  	(v2sf) =	vpush v0, $0x1;
	_ =	sdelay $0x1  }
0x11d: {  	(v2sf) =	vpush v0, $0x2;
	_ =	sdelay $0x2  }
0x11e: {  	(v2sf) =	vpush v0, $0x3;
	_ =	sdelay $0x7  }
0x11f: {  	s19 =	spop (v2sf);
	(v2sf) =	vpush v0, $0x4;
	_ =	sdelay $0x1  }
0x120: {  	s21 =	spop (v2sf);
	(v2sf) =	vpush v0, $0x5;
	_ =	sdelay $0x1  }
0x121: {  	s23 =	spop (v2sf);
	(v2sf) =	vpush v0, $0x6;
	_ =	sdelay $0x1  }
0x122: {  	s13 =	sshra.s32 s13, $0x2;
	s0 =	sand.u32 $0x1FFFFFF0, s19  }
0x123: {  	s20 =	sadd.s32 $0x400, s13;
	s0 =	sadd.s32 s4, s0;
	s25 =	spop (v2sf);
	(v2sf) =	vpush v0, $0x7  }
0x124: {  	[tilespmem:s20], [sflag:$0x1] =	stream.linear.gather [hbm4b:s0+s2], $0x80, $0x38;
	[tilespmem:$0x10400] =	vst v63  }
0x125: {  	s0 =	sand.u32 $0x1FFFFFF0, s21  }
0x126: {  	s22 =	sadd.s32 $0x480, s13;
	s0 =	sadd.s32 s4, s0  }
0x127: {  	[tilespmem:s22], [sflag:$0x1] =	stream.linear.gather [hbm4b:s0+s2], $0x80, $0x38;
	[tilespmem:$0x10400] =	vst v63  }
0x128: {  	s0 =	sand.u32 $0x1FFFFFF0, s23  }
0x129: {  	s24 =	sadd.s32 $0x500, s13;
	s0 =	sadd.s32 s4, s0  }
0x12a: {  	[tilespmem:s24], [sflag:$0x1] =	stream.linear.gather [hbm4b:s0+s2], $0x80, $0x38;
	[tilespmem:$0x10400] =	vst v63  }
0x12b: {  	s28 =	spop (v2sf);
	(v2sf) =	vpush v0, $0x8  }
0x12c: {  	s0 =	sand.u32 $0x1FFFFFF0, s25  }
0x12d: {  	s26 =	sadd.s32 $0x580, s13;
	s0 =	sadd.s32 s4, s0;
	s30 =	spop (v2sf);
	(v2sf) =	vpush v0, $0x9  }
0x12e: {  	[tilespmem:s26], [sflag:$0x1] =	stream.linear.gather [hbm4b:s0+s2], $0x80, $0x38;
	[tilespmem:$0x10400] =	vst v63  }
0x12f: {  	s0 =	sand.u32 $0x1FFFFFF0, s28;
	s1 =	spop (v2sf);
	(v2sf) =	vpush v0, $0xA  }
0x130: {  	s29 =	sadd.s32 $0x600, s13;
	s0 =	sadd.s32 s4, s0  }
0x131: {  	[tilespmem:s29], [sflag:$0x1] =	stream.linear.gather [hbm4b:s0+s2], $0x80, $0x38;
	[tilespmem:$0x10400] =	vst v63  }
0x132: {  	s6 =	spop (v2sf);
	(v2sf) =	vpush v0, $0xB  }
0x133: {  	s0 =	sand.u32 $0x1FFFFFF0, s30  }
0x134: {  	s31 =	sadd.s32 $0x680, s13;
	s0 =	sadd.s32 s4, s0  }
0x135: {  	[tilespmem:s31], [sflag:$0x1] =	stream.linear.gather [hbm4b:s0+s2], $0x80, $0x38;
	[tilespmem:$0x10400] =	vst v63  }
0x136: {  	s0 =	sand.u32 $0x1FFFFFF0, s1  }
0x137: {  	s5 =	sadd.s32 $0x700, s13;
	s0 =	sadd.s32 s4, s0  }
0x138: {  	[tilespmem:s5], [sflag:$0x1] =	stream.linear.gather [hbm4b:s0+s2], $0x80, $0x38;
	[tilespmem:$0x10400] =	vst v63  }
0x139: {  	s0 =	sand.u32 $0x1FFFFFF0, s6  }
0x13a: {  	s7 =	sadd.s32 $0x780, s13;
	s0 =	sadd.s32 s4, s0;
	s8 =	spop (v2sf);
	(v2sf) =	vpush v0, $0xC  }
0x13b: {  	[tilespmem:s7], [sflag:$0x1] =	stream.linear.gather [hbm4b:s0+s2], $0x80, $0x38;
	[tilespmem:$0x10400] =	vst v63  }
0x13c: {  	s14 =	spop (v2sf);
	(v2sf) =	vpush v0, $0xD  }
0x13d: {  	s0 =	sand.u32 $0x1FFFFFF0, s8  }
0x13e: {  	s11 =	sadd.s32 $0x800, s13;
	s0 =	sadd.s32 s4, s0;
	s16 =	spop (v2sf)  }
0x13f: {  	(v2sf) =	vpush v0, $0xE;
	[tilespmem:s11], [sflag:$0x1] =	stream.linear.gather [hbm4b:s0+s2], $0x80, $0x38;
	[tilespmem:$0x10400] =	vst v63  }
0x140: {  	s0 =	sand.u32 $0x1FFFFFF0, s14  }
0x141: {  	s15 =	sadd.s32 $0x880, s13;
	s18 =	spop (v2sf);
	s0 =	sadd.s32 s4, s0  }
0x142: {  	(v2sf) =	vpush v0, $0xF;
	[tilespmem:s15], [sflag:$0x1] =	stream.linear.gather [hbm4b:s0+s2], $0x80, $0x38;
	[tilespmem:$0x10400] =	vst v63  }
0x143: {  	s0 =	sand.u32 $0x1FFFFFF0, s16  }
0x144: {  	s17 =	sadd.s32 $0x900, s13;
	s0 =	sadd.s32 s4, s0  }
0x145: {  	[tilespmem:s17], [sflag:$0x1] =	stream.linear.gather [hbm4b:s0+s2], $0x80, $0x38;
	[tilespmem:$0x10400] =	vst v63  }
0x146: {  	s0 =	sand.u32 $0x1FFFFFF0, s18  }
0x147: {  	s19 =	sadd.s32 $0x980, s13;
	s0 =	sadd.s32 s4, s0  }
0x148: {  	[tilespmem:s19], [sflag:$0x1] =	stream.linear.gather [hbm4b:s0+s2], $0x80, $0x38;
	[tilespmem:$0x10400] =	vst v63  }
0x149: {  	s20 =	spop (v2sf)  }
0x14a: {  	s0 =	sand.u32 $0x1FFFFFF0, s20  }
0x14b: {  	s21 =	sadd.s32 $0xA00, s13;
	s22 =	spop (v2sf);
	s0 =	sadd.s32 s4, s0  }
0x14c: {  	[tilespmem:s21], [sflag:$0x1] =	stream.linear.gather [hbm4b:s0+s2], $0x80, $0x38;
	[tilespmem:$0x10400] =	vst v63  }
0x14d: {  	s0 =	sand.u32 $0x1FFFFFF0, s22  }
0x14e: {  	s23 =	sadd.s32 $0xA80, s13;
	s24 =	spop (v2sf);
	s0 =	sadd.s32 s4, s0  }
0x14f: {  	[tilespmem:s23], [sflag:$0x1] =	stream.linear.gather [hbm4b:s0+s2], $0x80, $0x38;
	[tilespmem:$0x10400] =	vst v63  }
0x150: {  	s0 =	sand.u32 $0x1FFFFFF0, s24  }
0x151: {  	s25 =	sadd.s32 $0xB00, s13;
	s26 =	spop (v2sf);
	s0 =	sadd.s32 s4, s0  }
0x152: {  	[tilespmem:s25], [sflag:$0x1] =	stream.linear.gather [hbm4b:s0+s2], $0x80, $0x38;
	[tilespmem:$0x10400] =	vst v63  }
0x153: {  	s0 =	sand.u32 $0x1FFFFFF0, s26  }
0x154: {  	s28 =	sadd.s32 $0xB80, s13;
	s0 =	sadd.s32 s4, s0  }
0x155: {  	[tilespmem:s28], [sflag:$0x1] =	stream.linear.gather [hbm4b:s0+s2], $0x80, $0x38;
	[tilespmem:$0x10400] =	vst v63  }
0x156: {  	_ =	swait.ge [sflag:s10], $0x10000  }
0x157: {  	[sflag:s10] =	ssyncset.done $0x0  }
0x158: {  	s30 =	simm.s32 $0x400;
	s29 =	rddreg [dreg:$0x5];
	[sflag:s10] =	ssyncadd.s32 $0xFFFF0000  }
0x159: {  	[hbm4b:s29+s2] =	stream.linear.scatter [tilespmem:s30], [sflag:$0x2], $0x10000, $0x38;
	[tilespmem:$0x10400] =	vst v63  }
0x15a: {  	_ =	swait.ge [sflag:s9], $0x10000  }
0x15b: {  	s12 =	sadd.s32 $0x1, s12;
	s31 =	rddreg [dreg:$0x6]  }
0x15c: {  	p0 =	sne.s32 s12, s31  }
.Ltmp2:
0x15d: {  	_ = 	snop;
	(pc) =	sbr.rel @p0 .LBB2_1-.Ltmp2, $3  }
0x15e: {  	_ =	sdelay $0x1  }
0x15f: {  	[sflag:s9] =	ssyncset.done $0x0  }
0x160: {  	[sflag:s9] =	ssyncadd.s32 $0xFFFF0000  }
0x161: {  	_ =	sfence.sel $0x180000  }
0x162: {  	[bflag:$0x0] =	sbarrier.arrive $0xFFFF  }
0x163: {  	_ =	strace $0x90000047  }
0x164: {  	s0 =	stileid.u32;
	[bflag:$0x2] =	sbarrier.arrive $0xFFFF  }
0x165: {  	p0 =	sne.s32 s0, $0x0;
	s0 =	rddreg [dreg:$0x2]  }
0x166: {  	s0 =	sadd.s32 @!p0 $0x100000, s0  }
0x167: {  	[sflag:s0] =	ssyncadd.tile.s32 @!p0 $0x1;
	_ =	shalt  }
.Lfunc_end2:
_tile_overlayer_lowered:
.L_overlay_start_2:
0x168: {  	(tag) =	ssettag $0x2  }
0x169: {  	s0 =	rddreg [dreg:$0x0];
	s2 =	stileid.u32  }
0x16a: {  	s1 =	rddreg [dreg:$0x1];
	p0 =	sne.s32 s2, $0x0  }
0x16b: {  	s3 =	rddreg [dreg:$0x2];
	[bflag:$0x3] =	sbarrier.arrive $0xFFFF;
	s2 =	simm.s32 @!p0 $0x1C02  }
0x16c: {  	[timem:s3], [sflag:s2] =	dma.local @!p0 [hbm:s0], s1  }
0x16d: {  	s0 =	simm.s32 @!p0 $0x2  }
0x16e: {  	_ =	swait.ge @!p0 [sflag:s0], s1  }
0x16f: {  	s1 =	ssub.s32 @!p0 $0x0, s1;
	[sflag:s0] =	ssyncset.done @!p0 $0x0  }
0x170: {  	[sflag:s0] =	ssyncadd.s32 @!p0 s1  }
0x171: {  	[bflag:$0x3] =	sbarrier.arrive $0xFFFF  }
0x172: {  	_ =	shalt  }

</sc_bundles>
